<compile_context>
chip_gen: v7x
topology: tpu7x:2x2x1
jax: 0.10.2.dev20260603
libtpu: 0.0.44.dev20260713+nightly
codegen_flags: <defaults>
</compile_context>

<pallas_src>
import jax
import jax.numpy as jnp
from jax import lax
from jax.experimental import pallas as pl
from jax.experimental.pallas import tpu as pltpu
from jax.experimental.pallas import tpu_sc as plsc

NUM_FIELDS = 26
VOCAB = 100000
EMBED_DIM = 64
BATCH = 4096

_NC = 2
_NS = 16
_NW = _NC * _NS

_TOTAL_ROWS = BATCH * NUM_FIELDS
_CHUNK = _TOTAL_ROWS // _NW
_SUB = 832
_NSUB = _CHUNK // _SUB
_LANES = 16


def _body(x_hbm, off_hbm, tab_hbm, out_hbm, idx_v, off_v, rows_a, rows_b,
          sem_g, sem_o):
  wid = lax.axis_index("s") * _NC + lax.axis_index("c")
  base = wid * _CHUNK

  pltpu.sync_copy(x_hbm.at[pl.ds(base, _CHUNK)], idx_v)
  pltpu.sync_copy(off_hbm, off_v)

  for i in range(_CHUNK // _LANES):
    sl = pl.ds(i * _LANES, _LANES)
    idx_v[sl] = idx_v[sl] + off_v[sl]

  bufs = (rows_a, rows_b)
  pending_g = pltpu.async_copy(tab_hbm.at[idx_v.at[pl.ds(0, _SUB)]],
                               rows_a, sem_g)
  pending_o = None
  for s in range(_NSUB):
    buf = bufs[s % 2]
    pending_g.wait()
    if s + 1 < _NSUB:
      nbuf = bufs[(s + 1) % 2]
      if pending_o is not None:
        pending_o.wait()
      pending_g = pltpu.async_copy(
          tab_hbm.at[idx_v.at[pl.ds((s + 1) * _SUB, _SUB)]], nbuf, sem_g)
    pending_o = pltpu.async_copy(
        buf, out_hbm.at[pl.ds(base + s * _SUB, _SUB)], sem_o)
  pending_o.wait()


@jax.jit
def _lookup(x_flat, offsets, tab_flat):
  kern = pl.kernel(
      _body,
      out_type=jax.ShapeDtypeStruct((_TOTAL_ROWS, EMBED_DIM), jnp.float32),
      mesh=plsc.VectorSubcoreMesh(core_axis_name="c", subcore_axis_name="s"),
      scratch_types=[
          pltpu.VMEM((_CHUNK,), jnp.int32),
          pltpu.VMEM((_CHUNK,), jnp.int32),
          pltpu.VMEM((_SUB, EMBED_DIM), jnp.float32),
          pltpu.VMEM((_SUB, EMBED_DIM), jnp.float32),
          pltpu.SemaphoreType.DMA,
          pltpu.SemaphoreType.DMA,
      ],
      compiler_params=pltpu.CompilerParams(use_tc_tiling_on_sc=False),
  )
  return kern(x_flat, offsets, tab_flat)


def kernel(x, tables):
  x_flat = x.astype(jnp.int32).reshape(_TOTAL_ROWS)
  offsets = jnp.tile(jnp.arange(NUM_FIELDS, dtype=jnp.int32) * VOCAB,
                     _CHUNK // NUM_FIELDS)
  tab_flat = tables.reshape(NUM_FIELDS * VOCAB, EMBED_DIM)
  out = _lookup(x_flat, offsets, tab_flat)
  return out.reshape(BATCH, NUM_FIELDS * EMBED_DIM)

# --- scband reference (transcript-rebuilt; emitter-appended) ---
"""Pipeline reference for scband-embedding-layer-1915555414336 (READ-ONLY COPY).

The authoritative reference and input builder live on the scoring server;
editing this copy changes nothing except your own understanding.
"""

import jax, jax.numpy as jnp
import numpy as np

NUM_FIELDS = 26
VOCAB = 100000
EMBED_DIM = 64
BATCH = 4096

def setup_inputs(seed: int = 0) -> dict:
    key = jax.random.key(seed)
    k_idx, k_tab = jax.random.split(key)
    x = jax.random.randint(k_idx, (BATCH, NUM_FIELDS), 0, VOCAB, dtype=jnp.int64 if jax.config.jax_enable_x64 else jnp.int32)
    # one embedding table per sparse field; all vocabs equal so stack into [F, V, D]
    tables = jax.random.normal(k_tab, (NUM_FIELDS, VOCAB, EMBED_DIM), dtype=jnp.float32) * 0.01
    return {"x": x, "tables": tables}

def reference(x, tables):
    # Faithful translation of: torch.cat([emb[i](x[:, i]) for i in range(F)], dim=1)
    outs = [jnp.take(tables[i], x[:, i], axis=0) for i in range(NUM_FIELDS)]
    return jnp.concatenate(outs, axis=1)

if __name__ == "__main__":
    import jax
    _d = setup_inputs()
    print(jax.jit(kernel)(*tuple(_d.values())))

</pallas_src>

<mosaic_0001>
#map = affine_map<(d0, d1) -> (0)>
#map1 = affine_map<(d0, d1) -> (0, 0)>
module attributes {stable_mosaic.version = 14 : i64} {
  func.func @_body(%arg0: i32, %arg1: i32, %arg2: memref<106496xi32, #tpu.memory_space<hbm>>, %arg3: memref<3328xi32, #tpu.memory_space<hbm>>, %arg4: memref<2600000x64xf32, #tpu.memory_space<hbm>>, %arg5: memref<106496x64xf32, #tpu.memory_space<hbm>>, %arg6: memref<3328xi32, #tpu.memory_space<vmem>>, %arg7: memref<3328xi32, #tpu.memory_space<vmem>>, %arg8: memref<832x64xf32, #tpu.memory_space<vmem>>, %arg9: memref<832x64xf32, #tpu.memory_space<vmem>>, %arg10: memref<!tpu.dma_semaphore, #tpu.memory_space<semaphore_mem>>, %arg11: memref<!tpu.dma_semaphore, #tpu.memory_space<semaphore_mem>>) attributes {dimension_semantics = [#tpu.dimension_semantics<core_parallel>, #tpu.dimension_semantics<subcore_parallel>], iteration_bounds = array<i64: 2, 16>, scalar_prefetch = 0 : i64, scratch_operands = 6 : i64, tpu.core_type = #tpu.core_type<sc_vector_subcore>, window_params = [{transform_indices = #map}, {transform_indices = #map}, {transform_indices = #map1}, {transform_indices = #map1}]} {
    %mul3A = arith.constant 2 : i32
    %mul3A_0 = arith.muli %arg1, %mul3A : i32
    %add3A = arith.addi %mul3A_0, %arg0 : i32
    %mul3A_1 = arith.constant 3328 : i32
    %mul3A_2 = arith.muli %add3A, %mul3A_1 : i32
    "tpu.region"() ({
      %run_scoped3A = tpu.sem_alloc : memref<!tpu.dma_semaphore, #tpu.memory_space<semaphore_mem>>
      %dma_start3A_2363 = tpu.memref_slice %arg2[%mul3A_2] : memref<106496xi32, #tpu.memory_space<hbm>> -> memref<3328xi32, #tpu.memory_space<hbm>>
      %dma_start3A_2364 = tpu.memref_slice %arg2[%mul3A_2] : memref<106496xi32, #tpu.memory_space<hbm>> -> memref<3328xi32, #tpu.memory_space<hbm>>
      tpu.enqueue_dma source(%dma_start3A_2364 : memref<3328xi32, #tpu.memory_space<hbm>>) target(%arg6 : memref<3328xi32, #tpu.memory_space<vmem>>) target_semaphore(%run_scoped3A : memref<!tpu.dma_semaphore, #tpu.memory_space<semaphore_mem>>)
      %dma_wait3A_2365 = tpu.memref_slice %arg2[%mul3A_2] : memref<106496xi32, #tpu.memory_space<hbm>> -> memref<3328xi32, #tpu.memory_space<hbm>>
      %dma_wait3A_2366 = tpu.memref_slice %arg2[%mul3A_2] : memref<106496xi32, #tpu.memory_space<hbm>> -> memref<3328xi32, #tpu.memory_space<hbm>>
      tpu.wait_dma2 semaphore(%run_scoped3A : memref<!tpu.dma_semaphore, #tpu.memory_space<semaphore_mem>>) src(%dma_wait3A_2366 : memref<3328xi32, #tpu.memory_space<hbm>>) dst(%arg6 : memref<3328xi32, #tpu.memory_space<vmem>>)
      tpu.yield
    }) : () -> ()
    "tpu.region"() ({
      %run_scoped3A = tpu.sem_alloc : memref<!tpu.dma_semaphore, #tpu.memory_space<semaphore_mem>>
      tpu.enqueue_dma source(%arg3 : memref<3328xi32, #tpu.memory_space<hbm>>) target(%arg7 : memref<3328xi32, #tpu.memory_space<vmem>>) target_semaphore(%run_scoped3A : memref<!tpu.dma_semaphore, #tpu.memory_space<semaphore_mem>>)
      tpu.wait_dma2 semaphore(%run_scoped3A : memref<!tpu.dma_semaphore, #tpu.memory_space<semaphore_mem>>) src(%arg3 : memref<3328xi32, #tpu.memory_space<hbm>>) dst(%arg7 : memref<3328xi32, #tpu.memory_space<vmem>>)
      tpu.yield
    }) : () -> ()
    %get3A = arith.constant 0 : index
    %get3A_3 = tpu.vector_load %arg6[%get3A] {strides = array<i32>} : memref<3328xi32, #tpu.memory_space<vmem>>, vector<16xi32>,
    %get3A_4 = vector.shape_cast %get3A_3 : vector<16xi32> to vector<16xi32>
    %get3A_5 = arith.constant 0 : index
    %get3A_6 = tpu.vector_load %arg7[%get3A_5] {strides = array<i32>} : memref<3328xi32, #tpu.memory_space<vmem>>, vector<16xi32>,
    %get3A_7 = vector.shape_cast %get3A_6 : vector<16xi32> to vector<16xi32>
    %add3A_8 = arith.addi %get3A_4, %get3A_7 : vector<16xi32>
    %swap3A = arith.constant 0 : index
    %swap3A_9 = tpu.vector_load %arg6[%swap3A] {strides = array<i32>} : memref<3328xi32, #tpu.memory_space<vmem>>, vector<16xi32>,
    %swap3A_10 = vector.shape_cast %swap3A_9 : vector<16xi32> to vector<16xi32>
    %swap3A_11 = vector.shape_cast %add3A_8 : vector<16xi32> to vector<16xi32>
    tpu.vector_store %arg6[%swap3A], %swap3A_11 {strides = array<i32>} : memref<3328xi32, #tpu.memory_space<vmem>>, vector<16xi32>,
    %get3A_12 = arith.constant 16 : index
    %get3A_13 = tpu.vector_load %arg6[%get3A_12] {strides = array<i32>} : memref<3328xi32, #tpu.memory_space<vmem>>, vector<16xi32>,
    %get3A_14 = vector.shape_cast %get3A_13 : vector<16xi32> to vector<16xi32>
    %get3A_15 = arith.constant 16 : index
    %get3A_16 = tpu.vector_load %arg7[%get3A_15] {strides = array<i32>} : memref<3328xi32, #tpu.memory_space<vmem>>, vector<16xi32>,
    %get3A_17 = vector.shape_cast %get3A_16 : vector<16xi32> to vector<16xi32>
    %add3A_18 = arith.addi %get3A_14, %get3A_17 : vector<16xi32>
    %swap3A_19 = arith.constant 16 : index
    %swap3A_20 = tpu.vector_load %arg6[%swap3A_19] {strides = array<i32>} : memref<3328xi32, #tpu.memory_space<vmem>>, vector<16xi32>,
    %swap3A_21 = vector.shape_cast %swap3A_20 : vector<16xi32> to vector<16xi32>
    %swap3A_22 = vector.shape_cast %add3A_18 : vector<16xi32> to vector<16xi32>
    tpu.vector_store %arg6[%swap3A_19], %swap3A_22 {strides = array<i32>} : memref<3328xi32, #tpu.memory_space<vmem>>, vector<16xi32>,
    %get3A_23 = arith.constant 32 : index
    %get3A_24 = tpu.vector_load %arg6[%get3A_23] {strides = array<i32>} : memref<3328xi32, #tpu.memory_space<vmem>>, vector<16xi32>,
    %get3A_25 = vector.shape_cast %get3A_24 : vector<16xi32> to vector<16xi32>
    %get3A_26 = arith.constant 32 : index
    %get3A_27 = tpu.vector_load %arg7[%get3A_26] {strides = array<i32>} : memref<3328xi32, #tpu.memory_space<vmem>>, vector<16xi32>,
    %get3A_28 = vector.shape_cast %get3A_27 : vector<16xi32> to vector<16xi32>
    %add3A_29 = arith.addi %get3A_25, %get3A_28 : vector<16xi32>
    %swap3A_30 = arith.constant 32 : index
    %swap3A_31 = tpu.vector_load %arg6[%swap3A_30] {strides = array<i32>} : memref<3328xi32, #tpu.memory_space<vmem>>, vector<16xi32>,
    %swap3A_32 = vector.shape_cast %swap3A_31 : vector<16xi32> to vector<16xi32>
    %swap3A_33 = vector.shape_cast %add3A_29 : vector<16xi32> to vector<16xi32>
    tpu.vector_store %arg6[%swap3A_30], %swap3A_33 {strides = array<i32>} : memref<3328xi32, #tpu.memory_space<vmem>>, vector<16xi32>,
    %get3A_34 = arith.constant 48 : index
    %get3A_35 = tpu.vector_load %arg6[%get3A_34] {strides = array<i32>} : memref<3328xi32, #tpu.memory_space<vmem>>, vector<16xi32>,
    %get3A_36 = vector.shape_cast %get3A_35 : vector<16xi32> to vector<16xi32>
    %get3A_37 = arith.constant 48 : index
    %get3A_38 = tpu.vector_load %arg7[%get3A_37] {strides = array<i32>} : memref<3328xi32, #tpu.memory_space<vmem>>, vector<16xi32>,
    %get3A_39 = vector.shape_cast %get3A_38 : vector<16xi32> to vector<16xi32>
    %add3A_40 = arith.addi %get3A_36, %get3A_39 : vector<16xi32>
    %swap3A_41 = arith.constant 48 : index
    %swap3A_42 = tpu.vector_load %arg6[%swap3A_41] {strides = array<i32>} : memref<3328xi32, #tpu.memory_space<vmem>>, vector<16xi32>,
    %swap3A_43 = vector.shape_cast %swap3A_42 : vector<16xi32> to vector<16xi32>
    %swap3A_44 = vector.shape_cast %add3A_40 : vector<16xi32> to vector<16xi32>
    tpu.vector_store %arg6[%swap3A_41], %swap3A_44 {strides = array<i32>} : memref<3328xi32, #tpu.memory_space<vmem>>, vector<16xi32>,
    %get3A_45 = arith.constant 64 : index
    %get3A_46 = tpu.vector_load %arg6[%get3A_45] {strides = array<i32>} : memref<3328xi32, #tpu.memory_space<vmem>>, vector<16xi32>,
    %get3A_47 = vector.shape_cast %get3A_46 : vector<16xi32> to vector<16xi32>
    %get3A_48 = arith.constant 64 : index
    %get3A_49 = tpu.vector_load %arg7[%get3A_48] {strides = array<i32>} : memref<3328xi32, #tpu.memory_space<vmem>>, vector<16xi32>,
    %get3A_50 = vector.shape_cast %get3A_49 : vector<16xi32> to vector<16xi32>
    %add3A_51 = arith.addi %get3A_47, %get3A_50 : vector<16xi32>
    %swap3A_52 = arith.constant 64 : index
    %swap3A_53 = tpu.vector_load %arg6[%swap3A_52] {strides = array<i32>} : memref<3328xi32, #tpu.memory_space<vmem>>, vector<16xi32>,
    %swap3A_54 = vector.shape_cast %swap3A_53 : vector<16xi32> to vector<16xi32>
    %swap3A_55 = vector.shape_cast %add3A_51 : vector<16xi32> to vector<16xi32>
    tpu.vector_store %arg6[%swap3A_52], %swap3A_55 {strides = array<i32>} : memref<3328xi32, #tpu.memory_space<vmem>>, vector<16xi32>,
    %get3A_56 = arith.constant 80 : index
    %get3A_57 = tpu.vector_load %arg6[%get3A_56] {strides = array<i32>} : memref<3328xi32, #tpu.memory_space<vmem>>, vector<16xi32>,
    %get3A_58 = vector.shape_cast %get3A_57 : vector<16xi32> to vector<16xi32>
    %get3A_59 = arith.constant 80 : index
    %get3A_60 = tpu.vector_load %arg7[%get3A_59] {strides = array<i32>} : memref<3328xi32, #tpu.memory_space<vmem>>, vector<16xi32>,
    %get3A_61 = vector.shape_cast %get3A_60 : vector<16xi32> to vector<16xi32>
    %add3A_62 = arith.addi %get3A_58, %get3A_61 : vector<16xi32>
    %swap3A_63 = arith.constant 80 : index
    %swap3A_64 = tpu.vector_load %arg6[%swap3A_63] {strides = array<i32>} : memref<3328xi32, #tpu.memory_space<vmem>>, vector<16xi32>,
    %swap3A_65 = vector.shape_cast %swap3A_64 : vector<16xi32> to vector<16xi32>
    %swap3A_66 = vector.shape_cast %add3A_62 : vector<16xi32> to vector<16xi32>
    tpu.vector_store %arg6[%swap3A_63], %swap3A_66 {strides = array<i32>} : memref<3328xi32, #tpu.memory_space<vmem>>, vector<16xi32>,
    %get3A_67 = arith.constant 96 : index
    %get3A_68 = tpu.vector_load %arg6[%get3A_67] {strides = array<i32>} : memref<3328xi32, #tpu.memory_space<vmem>>, vector<16xi32>,
    %get3A_69 = vector.shape_cast %get3A_68 : vector<16xi32> to vector<16xi32>
    %get3A_70 = arith.constant 96 : index
    %get3A_71 = tpu.vector_load %arg7[%get3A_70] {strides = array<i32>} : memref<3328xi32, #tpu.memory_space<vmem>>, vector<16xi32>,
    %get3A_72 = vector.shape_cast %get3A_71 : vector<16xi32> to vector<16xi32>
    %add3A_73 = arith.addi %get3A_69, %get3A_72 : vector<16xi32>
    %swap3A_74 = arith.constant 96 : index
    %swap3A_75 = tpu.vector_load %arg6[%swap3A_74] {strides = array<i32>} : memref<3328xi32, #tpu.memory_space<vmem>>, vector<16xi32>,
    %swap3A_76 = vector.shape_cast %swap3A_75 : vector<16xi32> to vector<16xi32>
    %swap3A_77 = vector.shape_cast %add3A_73 : vector<16xi32> to vector<16xi32>
    tpu.vector_store %arg6[%swap3A_74], %swap3A_77 {strides = array<i32>} : memref<3328xi32, #tpu.memory_space<vmem>>, vector<16xi32>,
    %get3A_78 = arith.constant 112 : index
    %get3A_79 = tpu.vector_load %arg6[%get3A_78] {strides = array<i32>} : memref<3328xi32, #tpu.memory_space<vmem>>, vector<16xi32>,
    %get3A_80 = vector.shape_cast %get3A_79 : vector<16xi32> to vector<16xi32>
    %get3A_81 = arith.constant 112 : index
    %get3A_82 = tpu.vector_load %arg7[%get3A_81] {strides = array<i32>} : memref<3328xi32, #tpu.memory_space<vmem>>, vector<16xi32>,
    %get3A_83 = vector.shape_cast %get3A_82 : vector<16xi32> to vector<16xi32>
    %add3A_84 = arith.addi %get3A_80, %get3A_83 : vector<16xi32>
    %swap3A_85 = arith.constant 112 : index
    %swap3A_86 = tpu.vector_load %arg6[%swap3A_85] {strides = array<i32>} : memref<3328xi32, #tpu.memory_space<vmem>>, vector<16xi32>,
    %swap3A_87 = vector.shape_cast %swap3A_86 : vector<16xi32> to vector<16xi32>
    %swap3A_88 = vector.shape_cast %add3A_84 : vector<16xi32> to vector<16xi32>
    tpu.vector_store %arg6[%swap3A_85], %swap3A_88 {strides = array<i32>} : memref<3328xi32, #tpu.memory_space<vmem>>, vector<16xi32>,
    %get3A_89 = arith.constant 128 : index
    %get3A_90 = tpu.vector_load %arg6[%get3A_89] {strides = array<i32>} : memref<3328xi32, #tpu.memory_space<vmem>>, vector<16xi32>,
    %get3A_91 = vector.shape_cast %get3A_90 : vector<16xi32> to vector<16xi32>
    %get3A_92 = arith.constant 128 : index
    %get3A_93 = tpu.vector_load %arg7[%get3A_92] {strides = array<i32>} : memref<3328xi32, #tpu.memory_space<vmem>>, vector<16xi32>,
    %get3A_94 = vector.shape_cast %get3A_93 : vector<16xi32> to vector<16xi32>
    %add3A_95 = arith.addi %get3A_91, %get3A_94 : vector<16xi32>
    %swap3A_96 = arith.constant 128 : index
    %swap3A_97 = tpu.vector_load %arg6[%swap3A_96] {strides = array<i32>} : memref<3328xi32, #tpu.memory_space<vmem>>, vector<16xi32>,
    %swap3A_98 = vector.shape_cast %swap3A_97 : vector<16xi32> to vector<16xi32>
    %swap3A_99 = vector.shape_cast %add3A_95 : vector<16xi32> to vector<16xi32>
    tpu.vector_store %arg6[%swap3A_96], %swap3A_99 {strides = array<i32>} : memref<3328xi32, #tpu.memory_space<vmem>>, vector<16xi32>,
    %get3A_100 = arith.constant 144 : index
    %get3A_101 = tpu.vector_load %arg6[%get3A_100] {strides = array<i32>} : memref<3328xi32, #tpu.memory_space<vmem>>, vector<16xi32>,
    %get3A_102 = vector.shape_cast %get3A_101 : vector<16xi32> to vector<16xi32>
    %get3A_103 = arith.constant 144 : index
    %get3A_104 = tpu.vector_load %arg7[%get3A_103] {strides = array<i32>} : memref<3328xi32, #tpu.memory_space<vmem>>, vector<16xi32>,
    %get3A_105 = vector.shape_cast %get3A_104 : vector<16xi32> to vector<16xi32>
    %add3A_106 = arith.addi %get3A_102, %get3A_105 : vector<16xi32>
    %swap3A_107 = arith.constant 144 : index
    %swap3A_108 = tpu.vector_load %arg6[%swap3A_107] {strides = array<i32>} : memref<3328xi32, #tpu.memory_space<vmem>>, vector<16xi32>,
    %swap3A_109 = vector.shape_cast %swap3A_108 : vector<16xi32> to vector<16xi32>
    %swap3A_110 = vector.shape_cast %add3A_106 : vector<16xi32> to vector<16xi32>
    tpu.vector_store %arg6[%swap3A_107], %swap3A_110 {strides = array<i32>} : memref<3328xi32, #tpu.memory_space<vmem>>, vector<16xi32>,
    %get3A_111 = arith.constant 160 : index
    %get3A_112 = tpu.vector_load %arg6[%get3A_111] {strides = array<i32>} : memref<3328xi32, #tpu.memory_space<vmem>>, vector<16xi32>,
    %get3A_113 = vector.shape_cast %get3A_112 : vector<16xi32> to vector<16xi32>
    %get3A_114 = arith.constant 160 : index
    %get3A_115 = tpu.vector_load %arg7[%get3A_114] {strides = array<i32>} : memref<3328xi32, #tpu.memory_space<vmem>>, vector<16xi32>,
    %get3A_116 = vector.shape_cast %get3A_115 : vector<16xi32> to vector<16xi32>
    %add3A_117 = arith.addi %get3A_113, %get3A_116 : vector<16xi32>
    %swap3A_118 = arith.constant 160 : index
    %swap3A_119 = tpu.vector_load %arg6[%swap3A_118] {strides = array<i32>} : memref<3328xi32, #tpu.memory_space<vmem>>, vector<16xi32>,
    %swap3A_120 = vector.shape_cast %swap3A_119 : vector<16xi32> to vector<16xi32>
    %swap3A_121 = vector.shape_cast %add3A_117 : vector<16xi32> to vector<16xi32>
    tpu.vector_store %arg6[%swap3A_118], %swap3A_121 {strides = array<i32>} : memref<3328xi32, #tpu.memory_space<vmem>>, vector<16xi32>,
    %get3A_122 = arith.constant 176 : index
    %get3A_123 = tpu.vector_load %arg6[%get3A_122] {strides = array<i32>} : memref<3328xi32, #tpu.memory_space<vmem>>, vector<16xi32>,
    %get3A_124 = vector.shape_cast %get3A_123 : vector<16xi32> to vector<16xi32>
    %get3A_125 = arith.constant 176 : index
    %get3A_126 = tpu.vector_load %arg7[%get3A_125] {strides = array<i32>} : memref<3328xi32, #tpu.memory_space<vmem>>, vector<16xi32>,
    %get3A_127 = vector.shape_cast %get3A_126 : vector<16xi32> to vector<16xi32>
    %add3A_128 = arith.addi %get3A_124, %get3A_127 : vector<16xi32>
    %swap3A_129 = arith.constant 176 : index
    %swap3A_130 = tpu.vector_load %arg6[%swap3A_129] {strides = array<i32>} : memref<3328xi32, #tpu.memory_space<vmem>>, vector<16xi32>,
    %swap3A_131 = vector.shape_cast %swap3A_130 : vector<16xi32> to vector<16xi32>
    %swap3A_132 = vector.shape_cast %add3A_128 : vector<16xi32> to vector<16xi32>
    tpu.vector_store %arg6[%swap3A_129], %swap3A_132 {strides = array<i32>} : memref<3328xi32, #tpu.memory_space<vmem>>, vector<16xi32>,
    %get3A_133 = arith.constant 192 : index
    %get3A_134 = tpu.vector_load %arg6[%get3A_133] {strides = array<i32>} : memref<3328xi32, #tpu.memory_space<vmem>>, vector<16xi32>,
    %get3A_135 = vector.shape_cast %get3A_134 : vector<16xi32> to vector<16xi32>
    %get3A_136 = arith.constant 192 : index
    %get3A_137 = tpu.vector_load %arg7[%get3A_136] {strides = array<i32>} : memref<3328xi32, #tpu.memory_space<vmem>>, vector<16xi32>,
    %get3A_138 = vector.shape_cast %get3A_137 : vector<16xi32> to vector<16xi32>
    %add3A_139 = arith.addi %get3A_135, %get3A_138 : vector<16xi32>
    %swap3A_140 = arith.constant 192 : index
    %swap3A_141 = tpu.vector_load %arg6[%swap3A_140] {strides = array<i32>} : memref<3328xi32, #tpu.memory_space<vmem>>, vector<16xi32>,
    %swap3A_142 = vector.shape_cast %swap3A_141 : vector<16xi32> to vector<16xi32>
    %swap3A_143 = vector.shape_cast %add3A_139 : vector<16xi32> to vector<16xi32>
    tpu.vector_store %arg6[%swap3A_140], %swap3A_143 {strides = array<i32>} : memref<3328xi32, #tpu.memory_space<vmem>>, vector<16xi32>,
    %get3A_144 = arith.constant 208 : index
    %get3A_145 = tpu.vector_load %arg6[%get3A_144] {strides = array<i32>} : memref<3328xi32, #tpu.memory_space<vmem>>, vector<16xi32>,
    %get3A_146 = vector.shape_cast %get3A_145 : vector<16xi32> to vector<16xi32>
    %get3A_147 = arith.constant 208 : index
    %get3A_148 = tpu.vector_load %arg7[%get3A_147] {strides = array<i32>} : memref<3328xi32, #tpu.memory_space<vmem>>, vector<16xi32>,
    %get3A_149 = vector.shape_cast %get3A_148 : vector<16xi32> to vector<16xi32>
    %add3A_150 = arith.addi %get3A_146, %get3A_149 : vector<16xi32>
    %swap3A_151 = arith.constant 208 : index
    %swap3A_152 = tpu.vector_load %arg6[%swap3A_151] {strides = array<i32>} : memref<3328xi32, #tpu.memory_space<vmem>>, vector<16xi32>,
    %swap3A_153 = vector.shape_cast %swap3A_152 : vector<16xi32> to vector<16xi32>
    %swap3A_154 = vector.shape_cast %add3A_150 : vector<16xi32> to vector<16xi32>
    tpu.vector_store %arg6[%swap3A_151], %swap3A_154 {strides = array<i32>} : memref<3328xi32, #tpu.memory_space<vmem>>, vector<16xi32>,
    %get3A_155 = arith.constant 224 : index
    %get3A_156 = tpu.vector_load %arg6[%get3A_155] {strides = array<i32>} : memref<3328xi32, #tpu.memory_space<vmem>>, vector<16xi32>,
    %get3A_157 = vector.shape_cast %get3A_156 : vector<16xi32> to vector<16xi32>
    %get3A_158 = arith.constant 224 : index
    %get3A_159 = tpu.vector_load %arg7[%get3A_158] {strides = array<i32>} : memref<3328xi32, #tpu.memory_space<vmem>>, vector<16xi32>,
    %get3A_160 = vector.shape_cast %get3A_159 : vector<16xi32> to vector<16xi32>
    %add3A_161 = arith.addi %get3A_157, %get3A_160 : vector<16xi32>
    %swap3A_162 = arith.constant 224 : index
    %swap3A_163 = tpu.vector_load %arg6[%swap3A_162] {strides = array<i32>} : memref<3328xi32, #tpu.memory_space<vmem>>, vector<16xi32>,
    %swap3A_164 = vector.shape_cast %swap3A_163 : vector<16xi32> to vector<16xi32>
    %swap3A_165 = vector.shape_cast %add3A_161 : vector<16xi32> to vector<16xi32>
    tpu.vector_store %arg6[%swap3A_162], %swap3A_165 {strides = array<i32>} : memref<3328xi32, #tpu.memory_space<vmem>>, vector<16xi32>,
    %get3A_166 = arith.constant 240 : index
    %get3A_167 = tpu.vector_load %arg6[%get3A_166] {strides = array<i32>} : memref<3328xi32, #tpu.memory_space<vmem>>, vector<16xi32>,
    %get3A_168 = vector.shape_cast %get3A_167 : vector<16xi32> to vector<16xi32>
    %get3A_169 = arith.constant 240 : index
    %get3A_170 = tpu.vector_load %arg7[%get3A_169] {strides = array<i32>} : memref<3328xi32, #tpu.memory_space<vmem>>, vector<16xi32>,
    %get3A_171 = vector.shape_cast %get3A_170 : vector<16xi32> to vector<16xi32>
    %add3A_172 = arith.addi %get3A_168, %get3A_171 : vector<16xi32>
    %swap3A_173 = arith.constant 240 : index
    %swap3A_174 = tpu.vector_load %arg6[%swap3A_173] {strides = array<i32>} : memref<3328xi32, #tpu.memory_space<vmem>>, vector<16xi32>,
    %swap3A_175 = vector.shape_cast %swap3A_174 : vector<16xi32> to vector<16xi32>
    %swap3A_176 = vector.shape_cast %add3A_172 : vector<16xi32> to vector<16xi32>
    tpu.vector_store %arg6[%swap3A_173], %swap3A_176 {strides = array<i32>} : memref<3328xi32, #tpu.memory_space<vmem>>, vector<16xi32>,
    %get3A_177 = arith.constant 256 : index
    %get3A_178 = tpu.vector_load %arg6[%get3A_177] {strides = array<i32>} : memref<3328xi32, #tpu.memory_space<vmem>>, vector<16xi32>,
    %get3A_179 = vector.shape_cast %get3A_178 : vector<16xi32> to vector<16xi32>
    %get3A_180 = arith.constant 256 : index
    %get3A_181 = tpu.vector_load %arg7[%get3A_180] {strides = array<i32>} : memref<3328xi32, #tpu.memory_space<vmem>>, vector<16xi32>,
    %get3A_182 = vector.shape_cast %get3A_181 : vector<16xi32> to vector<16xi32>
    %add3A_183 = arith.addi %get3A_179, %get3A_182 : vector<16xi32>
    %swap3A_184 = arith.constant 256 : index
    %swap3A_185 = tpu.vector_load %arg6[%swap3A_184] {strides = array<i32>} : memref<3328xi32, #tpu.memory_space<vmem>>, vector<16xi32>,
    %swap3A_186 = vector.shape_cast %swap3A_185 : vector<16xi32> to vector<16xi32>
    %swap3A_187 = vector.shape_cast %add3A_183 : vector<16xi32> to vector<16xi32>
    tpu.vector_store %arg6[%swap3A_184], %swap3A_187 {strides = array<i32>} : memref<3328xi32, #tpu.memory_space<vmem>>, vector<16xi32>,
    %get3A_188 = arith.constant 272 : index
    %get3A_189 = tpu.vector_load %arg6[%get3A_188] {strides = array<i32>} : memref<3328xi32, #tpu.memory_space<vmem>>, vector<16xi32>,
    %get3A_190 = vector.shape_cast %get3A_189 : vector<16xi32> to vector<16xi32>
    %get3A_191 = arith.constant 272 : index
    %get3A_192 = tpu.vector_load %arg7[%get3A_191] {strides = array<i32>} : memref<3328xi32, #tpu.memory_space<vmem>>, vector<16xi32>,
    %get3A_193 = vector.shape_cast %get3A_192 : vector<16xi32> to vector<16xi32>
    %add3A_194 = arith.addi %get3A_190, %get3A_193 : vector<16xi32>
    %swap3A_195 = arith.constant 272 : index
    %swap3A_196 = tpu.vector_load %arg6[%swap3A_195] {strides = array<i32>} : memref<3328xi32, #tpu.memory_space<vmem>>, vector<16xi32>,
    %swap3A_197 = vector.shape_cast %swap3A_196 : vector<16xi32> to vector<16xi32>
    %swap3A_198 = vector.shape_cast %add3A_194 : vector<16xi32> to vector<16xi32>
    tpu.vector_store %arg6[%swap3A_195], %swap3A_198 {strides = array<i32>} : memref<3328xi32, #tpu.memory_space<vmem>>, vector<16xi32>,
    %get3A_199 = arith.constant 288 : index
    %get3A_200 = tpu.vector_load %arg6[%get3A_199] {strides = array<i32>} : memref<3328xi32, #tpu.memory_space<vmem>>, vector<16xi32>,
    %get3A_201 = vector.shape_cast %get3A_200 : vector<16xi32> to vector<16xi32>
    %get3A_202 = arith.constant 288 : index
    %get3A_203 = tpu.vector_load %arg7[%get3A_202] {strides = array<i32>} : memref<3328xi32, #tpu.memory_space<vmem>>, vector<16xi32>,
    %get3A_204 = vector.shape_cast %get3A_203 : vector<16xi32> to vector<16xi32>
    %add3A_205 = arith.addi %get3A_201, %get3A_204 : vector<16xi32>
    %swap3A_206 = arith.constant 288 : index
    %swap3A_207 = tpu.vector_load %arg6[%swap3A_206] {strides = array<i32>} : memref<3328xi32, #tpu.memory_space<vmem>>, vector<16xi32>,
    %swap3A_208 = vector.shape_cast %swap3A_207 : vector<16xi32> to vector<16xi32>
    %swap3A_209 = vector.shape_cast %add3A_205 : vector<16xi32> to vector<16xi32>
    tpu.vector_store %arg6[%swap3A_206], %swap3A_209 {strides = array<i32>} : memref<3328xi32, #tpu.memory_space<vmem>>, vector<16xi32>,
    %get3A_210 = arith.constant 304 : index
    %get3A_211 = tpu.vector_load %arg6[%get3A_210] {strides = array<i32>} : memref<3328xi32, #tpu.memory_space<vmem>>, vector<16xi32>,
    %get3A_212 = vector.shape_cast %get3A_211 : vector<16xi32> to vector<16xi32>
    %get3A_213 = arith.constant 304 : index
    %get3A_214 = tpu.vector_load %arg7[%get3A_213] {strides = array<i32>} : memref<3328xi32, #tpu.memory_space<vmem>>, vector<16xi32>,
    %get3A_215 = vector.shape_cast %get3A_214 : vector<16xi32> to vector<16xi32>
    %add3A_216 = arith.addi %get3A_212, %get3A_215 : vector<16xi32>
    %swap3A_217 = arith.constant 304 : index
    %swap3A_218 = tpu.vector_load %arg6[%swap3A_217] {strides = array<i32>} : memref<3328xi32, #tpu.memory_space<vmem>>, vector<16xi32>,
    %swap3A_219 = vector.shape_cast %swap3A_218 : vector<16xi32> to vector<16xi32>
    %swap3A_220 = vector.shape_cast %add3A_216 : vector<16xi32> to vector<16xi32>
    tpu.vector_store %arg6[%swap3A_217], %swap3A_220 {strides = array<i32>} : memref<3328xi32, #tpu.memory_space<vmem>>, vector<16xi32>,
    %get3A_221 = arith.constant 320 : index
    %get3A_222 = tpu.vector_load %arg6[%get3A_221] {strides = array<i32>} : memref<3328xi32, #tpu.memory_space<vmem>>, vector<16xi32>,
    %get3A_223 = vector.shape_cast %get3A_222 : vector<16xi32> to vector<16xi32>
    %get3A_224 = arith.constant 320 : index
    %get3A_225 = tpu.vector_load %arg7[%get3A_224] {strides = array<i32>} : memref<3328xi32, #tpu.memory_space<vmem>>, vector<16xi32>,
    %get3A_226 = vector.shape_cast %get3A_225 : vector<16xi32> to vector<16xi32>
    %add3A_227 = arith.addi %get3A_223, %get3A_226 : vector<16xi32>
    %swap3A_228 = arith.constant 320 : index
    %swap3A_229 = tpu.vector_load %arg6[%swap3A_228] {strides = array<i32>} : memref<3328xi32, #tpu.memory_space<vmem>>, vector<16xi32>,
    %swap3A_230 = vector.shape_cast %swap3A_229 : vector<16xi32> to vector<16xi32>
    %swap3A_231 = vector.shape_cast %add3A_227 : vector<16xi32> to vector<16xi32>
    tpu.vector_store %arg6[%swap3A_228], %swap3A_231 {strides = array<i32>} : memref<3328xi32, #tpu.memory_space<vmem>>, vector<16xi32>,
    %get3A_232 = arith.constant 336 : index
    %get3A_233 = tpu.vector_load %arg6[%get3A_232] {strides = array<i32>} : memref<3328xi32, #tpu.memory_space<vmem>>, vector<16xi32>,
    %get3A_234 = vector.shape_cast %get3A_233 : vector<16xi32> to vector<16xi32>
    %get3A_235 = arith.constant 336 : index
    %get3A_236 = tpu.vector_load %arg7[%get3A_235] {strides = array<i32>} : memref<3328xi32, #tpu.memory_space<vmem>>, vector<16xi32>,
    %get3A_237 = vector.shape_cast %get3A_236 : vector<16xi32> to vector<16xi32>
    %add3A_238 = arith.addi %get3A_234, %get3A_237 : vector<16xi32>
    %swap3A_239 = arith.constant 336 : index
    %swap3A_240 = tpu.vector_load %arg6[%swap3A_239] {strides = array<i32>} : memref<3328xi32, #tpu.memory_space<vmem>>, vector<16xi32>,
    %swap3A_241 = vector.shape_cast %swap3A_240 : vector<16xi32> to vector<16xi32>
    %swap3A_242 = vector.shape_cast %add3A_238 : vector<16xi32> to vector<16xi32>
    tpu.vector_store %arg6[%swap3A_239], %swap3A_242 {strides = array<i32>} : memref<3328xi32, #tpu.memory_space<vmem>>, vector<16xi32>,
    %get3A_243 = arith.constant 352 : index
    %get3A_244 = tpu.vector_load %arg6[%get3A_243] {strides = array<i32>} : memref<3328xi32, #tpu.memory_space<vmem>>, vector<16xi32>,
    %get3A_245 = vector.shape_cast %get3A_244 : vector<16xi32> to vector<16xi32>
    %get3A_246 = arith.constant 352 : index
    %get3A_247 = tpu.vector_load %arg7[%get3A_246] {strides = array<i32>} : memref<3328xi32, #tpu.memory_space<vmem>>, vector<16xi32>,
    %get3A_248 = vector.shape_cast %get3A_247 : vector<16xi32> to vector<16xi32>
    %add3A_249 = arith.addi %get3A_245, %get3A_248 : vector<16xi32>
    %swap3A_250 = arith.constant 352 : index
    %swap3A_251 = tpu.vector_load %arg6[%swap3A_250] {strides = array<i32>} : memref<3328xi32, #tpu.memory_space<vmem>>, vector<16xi32>,
    %swap3A_252 = vector.shape_cast %swap3A_251 : vector<16xi32> to vector<16xi32>
    %swap3A_253 = vector.shape_cast %add3A_249 : vector<16xi32> to vector<16xi32>
    tpu.vector_store %arg6[%swap3A_250], %swap3A_253 {strides = array<i32>} : memref<3328xi32, #tpu.memory_space<vmem>>, vector<16xi32>,
    %get3A_254 = arith.constant 368 : index
    %get3A_255 = tpu.vector_load %arg6[%get3A_254] {strides = array<i32>} : memref<3328xi32, #tpu.memory_space<vmem>>, vector<16xi32>,
    %get3A_256 = vector.shape_cast %get3A_255 : vector<16xi32> to vector<16xi32>
    %get3A_257 = arith.constant 368 : index
    %get3A_258 = tpu.vector_load %arg7[%get3A_257] {strides = array<i32>} : memref<3328xi32, #tpu.memory_space<vmem>>, vector<16xi32>,
    %get3A_259 = vector.shape_cast %get3A_258 : vector<16xi32> to vector<16xi32>
    %add3A_260 = arith.addi %get3A_256, %get3A_259 : vector<16xi32>
    %swap3A_261 = arith.constant 368 : index
    %swap3A_262 = tpu.vector_load %arg6[%swap3A_261] {strides = array<i32>} : memref<3328xi32, #tpu.memory_space<vmem>>, vector<16xi32>,
    %swap3A_263 = vector.shape_cast %swap3A_262 : vector<16xi32> to vector<16xi32>
    %swap3A_264 = vector.shape_cast %add3A_260 : vector<16xi32> to vector<16xi32>
    tpu.vector_store %arg6[%swap3A_261], %swap3A_264 {strides = array<i32>} : memref<3328xi32, #tpu.memory_space<vmem>>, vector<16xi32>,
    %get3A_265 = arith.constant 384 : index
    %get3A_266 = tpu.vector_load %arg6[%get3A_265] {strides = array<i32>} : memref<3328xi32, #tpu.memory_space<vmem>>, vector<16xi32>,
    %get3A_267 = vector.shape_cast %get3A_266 : vector<16xi32> to vector<16xi32>
    %get3A_268 = arith.constant 384 : index
    %get3A_269 = tpu.vector_load %arg7[%get3A_268] {strides = array<i32>} : memref<3328xi32, #tpu.memory_space<vmem>>, vector<16xi32>,
    %get3A_270 = vector.shape_cast %get3A_269 : vector<16xi32> to vector<16xi32>
    %add3A_271 = arith.addi %get3A_267, %get3A_270 : vector<16xi32>
    %swap3A_272 = arith.constant 384 : index
    %swap3A_273 = tpu.vector_load %arg6[%swap3A_272] {strides = array<i32>} : memref<3328xi32, #tpu.memory_space<vmem>>, vector<16xi32>,
    %swap3A_274 = vector.shape_cast %swap3A_273 : vector<16xi32> to vector<16xi32>
    %swap3A_275 = vector.shape_cast %add3A_271 : vector<16xi32> to vector<16xi32>
    tpu.vector_store %arg6[%swap3A_272], %swap3A_275 {strides = array<i32>} : memref<3328xi32, #tpu.memory_space<vmem>>, vector<16xi32>,
    %get3A_276 = arith.constant 400 : index
    %get3A_277 = tpu.vector_load %arg6[%get3A_276] {strides = array<i32>} : memref<3328xi32, #tpu.memory_space<vmem>>, vector<16xi32>,
    %get3A_278 = vector.shape_cast %get3A_277 : vector<16xi32> to vector<16xi32>
    %get3A_279 = arith.constant 400 : index
    %get3A_280 = tpu.vector_load %arg7[%get3A_279] {strides = array<i32>} : memref<3328xi32, #tpu.memory_space<vmem>>, vector<16xi32>,
    %get3A_281 = vector.shape_cast %get3A_280 : vector<16xi32> to vector<16xi32>
    %add3A_282 = arith.addi %get3A_278, %get3A_281 : vector<16xi32>
    %swap3A_283 = arith.constant 400 : index
    %swap3A_284 = tpu.vector_load %arg6[%swap3A_283] {strides = array<i32>} : memref<3328xi32, #tpu.memory_space<vmem>>, vector<16xi32>,
    %swap3A_285 = vector.shape_cast %swap3A_284 : vector<16xi32> to vector<16xi32>
    %swap3A_286 = vector.shape_cast %add3A_282 : vector<16xi32> to vector<16xi32>
    tpu.vector_store %arg6[%swap3A_283], %swap3A_286 {strides = array<i32>} : memref<3328xi32, #tpu.memory_space<vmem>>, vector<16xi32>,
    %get3A_287 = arith.constant 416 : index
    %get3A_288 = tpu.vector_load %arg6[%get3A_287] {strides = array<i32>} : memref<3328xi32, #tpu.memory_space<vmem>>, vector<16xi32>,
    %get3A_289 = vector.shape_cast %get3A_288 : vector<16xi32> to vector<16xi32>
    %get3A_290 = arith.constant 416 : index
    %get3A_291 = tpu.vector_load %arg7[%get3A_290] {strides = array<i32>} : memref<3328xi32, #tpu.memory_space<vmem>>, vector<16xi32>,
    %get3A_292 = vector.shape_cast %get3A_291 : vector<16xi32> to vector<16xi32>
    %add3A_293 = arith.addi %get3A_289, %get3A_292 : vector<16xi32>
    %swap3A_294 = arith.constant 416 : index
    %swap3A_295 = tpu.vector_load %arg6[%swap3A_294] {strides = array<i32>} : memref<3328xi32, #tpu.memory_space<vmem>>, vector<16xi32>,
    %swap3A_296 = vector.shape_cast %swap3A_295 : vector<16xi32> to vector<16xi32>
    %swap3A_297 = vector.shape_cast %add3A_293 : vector<16xi32> to vector<16xi32>
    tpu.vector_store %arg6[%swap3A_294], %swap3A_297 {strides = array<i32>} : memref<3328xi32, #tpu.memory_space<vmem>>, vector<16xi32>,
    %get3A_298 = arith.constant 432 : index
    %get3A_299 = tpu.vector_load %arg6[%get3A_298] {strides = array<i32>} : memref<3328xi32, #tpu.memory_space<vmem>>, vector<16xi32>,
    %get3A_300 = vector.shape_cast %get3A_299 : vector<16xi32> to vector<16xi32>
    %get3A_301 = arith.constant 432 : index
    %get3A_302 = tpu.vector_load %arg7[%get3A_301] {strides = array<i32>} : memref<3328xi32, #tpu.memory_space<vmem>>, vector<16xi32>,
    %get3A_303 = vector.shape_cast %get3A_302 : vector<16xi32> to vector<16xi32>
    %add3A_304 = arith.addi %get3A_300, %get3A_303 : vector<16xi32>
    %swap3A_305 = arith.constant 432 : index
    %swap3A_306 = tpu.vector_load %arg6[%swap3A_305] {strides = array<i32>} : memref<3328xi32, #tpu.memory_space<vmem>>, vector<16xi32>,
    %swap3A_307 = vector.shape_cast %swap3A_306 : vector<16xi32> to vector<16xi32>
    %swap3A_308 = vector.shape_cast %add3A_304 : vector<16xi32> to vector<16xi32>
    tpu.vector_store %arg6[%swap3A_305], %swap3A_308 {strides = array<i32>} : memref<3328xi32, #tpu.memory_space<vmem>>, vector<16xi32>,
    %get3A_309 = arith.constant 448 : index
    %get3A_310 = tpu.vector_load %arg6[%get3A_309] {strides = array<i32>} : memref<3328xi32, #tpu.memory_space<vmem>>, vector<16xi32>,
    %get3A_311 = vector.shape_cast %get3A_310 : vector<16xi32> to vector<16xi32>
    %get3A_312 = arith.constant 448 : index
    %get3A_313 = tpu.vector_load %arg7[%get3A_312] {strides = array<i32>} : memref<3328xi32, #tpu.memory_space<vmem>>, vector<16xi32>,
    %get3A_314 = vector.shape_cast %get3A_313 : vector<16xi32> to vector<16xi32>
    %add3A_315 = arith.addi %get3A_311, %get3A_314 : vector<16xi32>
    %swap3A_316 = arith.constant 448 : index
    %swap3A_317 = tpu.vector_load %arg6[%swap3A_316] {strides = array<i32>} : memref<3328xi32, #tpu.memory_space<vmem>>, vector<16xi32>,
    %swap3A_318 = vector.shape_cast %swap3A_317 : vector<16xi32> to vector<16xi32>
    %swap3A_319 = vector.shape_cast %add3A_315 : vector<16xi32> to vector<16xi32>
    tpu.vector_store %arg6[%swap3A_316], %swap3A_319 {strides = array<i32>} : memref<3328xi32, #tpu.memory_space<vmem>>, vector<16xi32>,
    %get3A_320 = arith.constant 464 : index
    %get3A_321 = tpu.vector_load %arg6[%get3A_320] {strides = array<i32>} : memref<3328xi32, #tpu.memory_space<vmem>>, vector<16xi32>,
    %get3A_322 = vector.shape_cast %get3A_321 : vector<16xi32> to vector<16xi32>
    %get3A_323 = arith.constant 464 : index
    %get3A_324 = tpu.vector_load %arg7[%get3A_323] {strides = array<i32>} : memref<3328xi32, #tpu.memory_space<vmem>>, vector<16xi32>,
    %get3A_325 = vector.shape_cast %get3A_324 : vector<16xi32> to vector<16xi32>
    %add3A_326 = arith.addi %get3A_322, %get3A_325 : vector<16xi32>
    %swap3A_327 = arith.constant 464 : index
    %swap3A_328 = tpu.vector_load %arg6[%swap3A_327] {strides = array<i32>} : memref<3328xi32, #tpu.memory_space<vmem>>, vector<16xi32>,
    %swap3A_329 = vector.shape_cast %swap3A_328 : vector<16xi32> to vector<16xi32>
    %swap3A_330 = vector.shape_cast %add3A_326 : vector<16xi32> to vector<16xi32>
    tpu.vector_store %arg6[%swap3A_327], %swap3A_330 {strides = array<i32>} : memref<3328xi32, #tpu.memory_space<vmem>>, vector<16xi32>,
    %get3A_331 = arith.constant 480 : index
    %get3A_332 = tpu.vector_load %arg6[%get3A_331] {strides = array<i32>} : memref<3328xi32, #tpu.memory_space<vmem>>, vector<16xi32>,
    %get3A_333 = vector.shape_cast %get3A_332 : vector<16xi32> to vector<16xi32>
    %get3A_334 = arith.constant 480 : index
    %get3A_335 = tpu.vector_load %arg7[%get3A_334] {strides = array<i32>} : memref<3328xi32, #tpu.memory_space<vmem>>, vector<16xi32>,
    %get3A_336 = vector.shape_cast %get3A_335 : vector<16xi32> to vector<16xi32>
    %add3A_337 = arith.addi %get3A_333, %get3A_336 : vector<16xi32>
    %swap3A_338 = arith.constant 480 : index
    %swap3A_339 = tpu.vector_load %arg6[%swap3A_338] {strides = array<i32>} : memref<3328xi32, #tpu.memory_space<vmem>>, vector<16xi32>,
    %swap3A_340 = vector.shape_cast %swap3A_339 : vector<16xi32> to vector<16xi32>
    %swap3A_341 = vector.shape_cast %add3A_337 : vector<16xi32> to vector<16xi32>
    tpu.vector_store %arg6[%swap3A_338], %swap3A_341 {strides = array<i32>} : memref<3328xi32, #tpu.memory_space<vmem>>, vector<16xi32>,
    %get3A_342 = arith.constant 496 : index
    %get3A_343 = tpu.vector_load %arg6[%get3A_342] {strides = array<i32>} : memref<3328xi32, #tpu.memory_space<vmem>>, vector<16xi32>,
    %get3A_344 = vector.shape_cast %get3A_343 : vector<16xi32> to vector<16xi32>
    %get3A_345 = arith.constant 496 : index
    %get3A_346 = tpu.vector_load %arg7[%get3A_345] {strides = array<i32>} : memref<3328xi32, #tpu.memory_space<vmem>>, vector<16xi32>,
    %get3A_347 = vector.shape_cast %get3A_346 : vector<16xi32> to vector<16xi32>
    %add3A_348 = arith.addi %get3A_344, %get3A_347 : vector<16xi32>
    %swap3A_349 = arith.constant 496 : index
    %swap3A_350 = tpu.vector_load %arg6[%swap3A_349] {strides = array<i32>} : memref<3328xi32, #tpu.memory_space<vmem>>, vector<16xi32>,
    %swap3A_351 = vector.shape_cast %swap3A_350 : vector<16xi32> to vector<16xi32>
    %swap3A_352 = vector.shape_cast %add3A_348 : vector<16xi32> to vector<16xi32>
    tpu.vector_store %arg6[%swap3A_349], %swap3A_352 {strides = array<i32>} : memref<3328xi32, #tpu.memory_space<vmem>>, vector<16xi32>,
    %get3A_353 = arith.constant 512 : index
    %get3A_354 = tpu.vector_load %arg6[%get3A_353] {strides = array<i32>} : memref<3328xi32, #tpu.memory_space<vmem>>, vector<16xi32>,
    %get3A_355 = vector.shape_cast %get3A_354 : vector<16xi32> to vector<16xi32>
    %get3A_356 = arith.constant 512 : index
    %get3A_357 = tpu.vector_load %arg7[%get3A_356] {strides = array<i32>} : memref<3328xi32, #tpu.memory_space<vmem>>, vector<16xi32>,
    %get3A_358 = vector.shape_cast %get3A_357 : vector<16xi32> to vector<16xi32>
    %add3A_359 = arith.addi %get3A_355, %get3A_358 : vector<16xi32>
    %swap3A_360 = arith.constant 512 : index
    %swap3A_361 = tpu.vector_load %arg6[%swap3A_360] {strides = array<i32>} : memref<3328xi32, #tpu.memory_space<vmem>>, vector<16xi32>,
    %swap3A_362 = vector.shape_cast %swap3A_361 : vector<16xi32> to vector<16xi32>
    %swap3A_363 = vector.shape_cast %add3A_359 : vector<16xi32> to vector<16xi32>
    tpu.vector_store %arg6[%swap3A_360], %swap3A_363 {strides = array<i32>} : memref<3328xi32, #tpu.memory_space<vmem>>, vector<16xi32>,
    %get3A_364 = arith.constant 528 : index
    %get3A_365 = tpu.vector_load %arg6[%get3A_364] {strides = array<i32>} : memref<3328xi32, #tpu.memory_space<vmem>>, vector<16xi32>,
    %get3A_366 = vector.shape_cast %get3A_365 : vector<16xi32> to vector<16xi32>
    %get3A_367 = arith.constant 528 : index
    %get3A_368 = tpu.vector_load %arg7[%get3A_367] {strides = array<i32>} : memref<3328xi32, #tpu.memory_space<vmem>>, vector<16xi32>,
    %get3A_369 = vector.shape_cast %get3A_368 : vector<16xi32> to vector<16xi32>
    %add3A_370 = arith.addi %get3A_366, %get3A_369 : vector<16xi32>
    %swap3A_371 = arith.constant 528 : index
    %swap3A_372 = tpu.vector_load %arg6[%swap3A_371] {strides = array<i32>} : memref<3328xi32, #tpu.memory_space<vmem>>, vector<16xi32>,
    %swap3A_373 = vector.shape_cast %swap3A_372 : vector<16xi32> to vector<16xi32>
    %swap3A_374 = vector.shape_cast %add3A_370 : vector<16xi32> to vector<16xi32>
    tpu.vector_store %arg6[%swap3A_371], %swap3A_374 {strides = array<i32>} : memref<3328xi32, #tpu.memory_space<vmem>>, vector<16xi32>,
    %get3A_375 = arith.constant 544 : index
    %get3A_376 = tpu.vector_load %arg6[%get3A_375] {strides = array<i32>} : memref<3328xi32, #tpu.memory_space<vmem>>, vector<16xi32>,
    %get3A_377 = vector.shape_cast %get3A_376 : vector<16xi32> to vector<16xi32>
    %get3A_378 = arith.constant 544 : index
    %get3A_379 = tpu.vector_load %arg7[%get3A_378] {strides = array<i32>} : memref<3328xi32, #tpu.memory_space<vmem>>, vector<16xi32>,
    %get3A_380 = vector.shape_cast %get3A_379 : vector<16xi32> to vector<16xi32>
    %add3A_381 = arith.addi %get3A_377, %get3A_380 : vector<16xi32>
    %swap3A_382 = arith.constant 544 : index
    %swap3A_383 = tpu.vector_load %arg6[%swap3A_382] {strides = array<i32>} : memref<3328xi32, #tpu.memory_space<vmem>>, vector<16xi32>,
    %swap3A_384 = vector.shape_cast %swap3A_383 : vector<16xi32> to vector<16xi32>
    %swap3A_385 = vector.shape_cast %add3A_381 : vector<16xi32> to vector<16xi32>
    tpu.vector_store %arg6[%swap3A_382], %swap3A_385 {strides = array<i32>} : memref<3328xi32, #tpu.memory_space<vmem>>, vector<16xi32>,
    %get3A_386 = arith.constant 560 : index
    %get3A_387 = tpu.vector_load %arg6[%get3A_386] {strides = array<i32>} : memref<3328xi32, #tpu.memory_space<vmem>>, vector<16xi32>,
    %get3A_388 = vector.shape_cast %get3A_387 : vector<16xi32> to vector<16xi32>
    %get3A_389 = arith.constant 560 : index
    %get3A_390 = tpu.vector_load %arg7[%get3A_389] {strides = array<i32>} : memref<3328xi32, #tpu.memory_space<vmem>>, vector<16xi32>,
    %get3A_391 = vector.shape_cast %get3A_390 : vector<16xi32> to vector<16xi32>
    %add3A_392 = arith.addi %get3A_388, %get3A_391 : vector<16xi32>
    %swap3A_393 = arith.constant 560 : index
    %swap3A_394 = tpu.vector_load %arg6[%swap3A_393] {strides = array<i32>} : memref<3328xi32, #tpu.memory_space<vmem>>, vector<16xi32>,
    %swap3A_395 = vector.shape_cast %swap3A_394 : vector<16xi32> to vector<16xi32>
    %swap3A_396 = vector.shape_cast %add3A_392 : vector<16xi32> to vector<16xi32>
    tpu.vector_store %arg6[%swap3A_393], %swap3A_396 {strides = array<i32>} : memref<3328xi32, #tpu.memory_space<vmem>>, vector<16xi32>,
    %get3A_397 = arith.constant 576 : index
    %get3A_398 = tpu.vector_load %arg6[%get3A_397] {strides = array<i32>} : memref<3328xi32, #tpu.memory_space<vmem>>, vector<16xi32>,
    %get3A_399 = vector.shape_cast %get3A_398 : vector<16xi32> to vector<16xi32>
    %get3A_400 = arith.constant 576 : index
    %get3A_401 = tpu.vector_load %arg7[%get3A_400] {strides = array<i32>} : memref<3328xi32, #tpu.memory_space<vmem>>, vector<16xi32>,
    %get3A_402 = vector.shape_cast %get3A_401 : vector<16xi32> to vector<16xi32>
    %add3A_403 = arith.addi %get3A_399, %get3A_402 : vector<16xi32>
    %swap3A_404 = arith.constant 576 : index
    %swap3A_405 = tpu.vector_load %arg6[%swap3A_404] {strides = array<i32>} : memref<3328xi32, #tpu.memory_space<vmem>>, vector<16xi32>,
    %swap3A_406 = vector.shape_cast %swap3A_405 : vector<16xi32> to vector<16xi32>
    %swap3A_407 = vector.shape_cast %add3A_403 : vector<16xi32> to vector<16xi32>
    tpu.vector_store %arg6[%swap3A_404], %swap3A_407 {strides = array<i32>} : memref<3328xi32, #tpu.memory_space<vmem>>, vector<16xi32>,
    %get3A_408 = arith.constant 592 : index
    %get3A_409 = tpu.vector_load %arg6[%get3A_408] {strides = array<i32>} : memref<3328xi32, #tpu.memory_space<vmem>>, vector<16xi32>,
    %get3A_410 = vector.shape_cast %get3A_409 : vector<16xi32> to vector<16xi32>
    %get3A_411 = arith.constant 592 : index
    %get3A_412 = tpu.vector_load %arg7[%get3A_411] {strides = array<i32>} : memref<3328xi32, #tpu.memory_space<vmem>>, vector<16xi32>,
    %get3A_413 = vector.shape_cast %get3A_412 : vector<16xi32> to vector<16xi32>
    %add3A_414 = arith.addi %get3A_410, %get3A_413 : vector<16xi32>
    %swap3A_415 = arith.constant 592 : index
    %swap3A_416 = tpu.vector_load %arg6[%swap3A_415] {strides = array<i32>} : memref<3328xi32, #tpu.memory_space<vmem>>, vector<16xi32>,
    %swap3A_417 = vector.shape_cast %swap3A_416 : vector<16xi32> to vector<16xi32>
    %swap3A_418 = vector.shape_cast %add3A_414 : vector<16xi32> to vector<16xi32>
    tpu.vector_store %arg6[%swap3A_415], %swap3A_418 {strides = array<i32>} : memref<3328xi32, #tpu.memory_space<vmem>>, vector<16xi32>,
    %get3A_419 = arith.constant 608 : index
    %get3A_420 = tpu.vector_load %arg6[%get3A_419] {strides = array<i32>} : memref<3328xi32, #tpu.memory_space<vmem>>, vector<16xi32>,
    %get3A_421 = vector.shape_cast %get3A_420 : vector<16xi32> to vector<16xi32>
    %get3A_422 = arith.constant 608 : index
    %get3A_423 = tpu.vector_load %arg7[%get3A_422] {strides = array<i32>} : memref<3328xi32, #tpu.memory_space<vmem>>, vector<16xi32>,
    %get3A_424 = vector.shape_cast %get3A_423 : vector<16xi32> to vector<16xi32>
    %add3A_425 = arith.addi %get3A_421, %get3A_424 : vector<16xi32>
    %swap3A_426 = arith.constant 608 : index
    %swap3A_427 = tpu.vector_load %arg6[%swap3A_426] {strides = array<i32>} : memref<3328xi32, #tpu.memory_space<vmem>>, vector<16xi32>,
    %swap3A_428 = vector.shape_cast %swap3A_427 : vector<16xi32> to vector<16xi32>
    %swap3A_429 = vector.shape_cast %add3A_425 : vector<16xi32> to vector<16xi32>
    tpu.vector_store %arg6[%swap3A_426], %swap3A_429 {strides = array<i32>} : memref<3328xi32, #tpu.memory_space<vmem>>, vector<16xi32>,
    %get3A_430 = arith.constant 624 : index
    %get3A_431 = tpu.vector_load %arg6[%get3A_430] {strides = array<i32>} : memref<3328xi32, #tpu.memory_space<vmem>>, vector<16xi32>,
    %get3A_432 = vector.shape_cast %get3A_431 : vector<16xi32> to vector<16xi32>
    %get3A_433 = arith.constant 624 : index
    %get3A_434 = tpu.vector_load %arg7[%get3A_433] {strides = array<i32>} : memref<3328xi32, #tpu.memory_space<vmem>>, vector<16xi32>,
    %get3A_435 = vector.shape_cast %get3A_434 : vector<16xi32> to vector<16xi32>
    %add3A_436 = arith.addi %get3A_432, %get3A_435 : vector<16xi32>
    %swap3A_437 = arith.constant 624 : index
    %swap3A_438 = tpu.vector_load %arg6[%swap3A_437] {strides = array<i32>} : memref<3328xi32, #tpu.memory_space<vmem>>, vector<16xi32>,
    %swap3A_439 = vector.shape_cast %swap3A_438 : vector<16xi32> to vector<16xi32>
    %swap3A_440 = vector.shape_cast %add3A_436 : vector<16xi32> to vector<16xi32>
    tpu.vector_store %arg6[%swap3A_437], %swap3A_440 {strides = array<i32>} : memref<3328xi32, #tpu.memory_space<vmem>>, vector<16xi32>,
    %get3A_441 = arith.constant 640 : index
    %get3A_442 = tpu.vector_load %arg6[%get3A_441] {strides = array<i32>} : memref<3328xi32, #tpu.memory_space<vmem>>, vector<16xi32>,
    %get3A_443 = vector.shape_cast %get3A_442 : vector<16xi32> to vector<16xi32>
    %get3A_444 = arith.constant 640 : index
    %get3A_445 = tpu.vector_load %arg7[%get3A_444] {strides = array<i32>} : memref<3328xi32, #tpu.memory_space<vmem>>, vector<16xi32>,
    %get3A_446 = vector.shape_cast %get3A_445 : vector<16xi32> to vector<16xi32>
    %add3A_447 = arith.addi %get3A_443, %get3A_446 : vector<16xi32>
    %swap3A_448 = arith.constant 640 : index
    %swap3A_449 = tpu.vector_load %arg6[%swap3A_448] {strides = array<i32>} : memref<3328xi32, #tpu.memory_space<vmem>>, vector<16xi32>,
    %swap3A_450 = vector.shape_cast %swap3A_449 : vector<16xi32> to vector<16xi32>
    %swap3A_451 = vector.shape_cast %add3A_447 : vector<16xi32> to vector<16xi32>
    tpu.vector_store %arg6[%swap3A_448], %swap3A_451 {strides = array<i32>} : memref<3328xi32, #tpu.memory_space<vmem>>, vector<16xi32>,
    %get3A_452 = arith.constant 656 : index
    %get3A_453 = tpu.vector_load %arg6[%get3A_452] {strides = array<i32>} : memref<3328xi32, #tpu.memory_space<vmem>>, vector<16xi32>,
    %get3A_454 = vector.shape_cast %get3A_453 : vector<16xi32> to vector<16xi32>
    %get3A_455 = arith.constant 656 : index
    %get3A_456 = tpu.vector_load %arg7[%get3A_455] {strides = array<i32>} : memref<3328xi32, #tpu.memory_space<vmem>>, vector<16xi32>,
    %get3A_457 = vector.shape_cast %get3A_456 : vector<16xi32> to vector<16xi32>
    %add3A_458 = arith.addi %get3A_454, %get3A_457 : vector<16xi32>
    %swap3A_459 = arith.constant 656 : index
    %swap3A_460 = tpu.vector_load %arg6[%swap3A_459] {strides = array<i32>} : memref<3328xi32, #tpu.memory_space<vmem>>, vector<16xi32>,
    %swap3A_461 = vector.shape_cast %swap3A_460 : vector<16xi32> to vector<16xi32>
    %swap3A_462 = vector.shape_cast %add3A_458 : vector<16xi32> to vector<16xi32>
    tpu.vector_store %arg6[%swap3A_459], %swap3A_462 {strides = array<i32>} : memref<3328xi32, #tpu.memory_space<vmem>>, vector<16xi32>,
    %get3A_463 = arith.constant 672 : index
    %get3A_464 = tpu.vector_load %arg6[%get3A_463] {strides = array<i32>} : memref<3328xi32, #tpu.memory_space<vmem>>, vector<16xi32>,
    %get3A_465 = vector.shape_cast %get3A_464 : vector<16xi32> to vector<16xi32>
    %get3A_466 = arith.constant 672 : index
    %get3A_467 = tpu.vector_load %arg7[%get3A_466] {strides = array<i32>} : memref<3328xi32, #tpu.memory_space<vmem>>, vector<16xi32>,
    %get3A_468 = vector.shape_cast %get3A_467 : vector<16xi32> to vector<16xi32>
    %add3A_469 = arith.addi %get3A_465, %get3A_468 : vector<16xi32>
    %swap3A_470 = arith.constant 672 : index
    %swap3A_471 = tpu.vector_load %arg6[%swap3A_470] {strides = array<i32>} : memref<3328xi32, #tpu.memory_space<vmem>>, vector<16xi32>,
    %swap3A_472 = vector.shape_cast %swap3A_471 : vector<16xi32> to vector<16xi32>
    %swap3A_473 = vector.shape_cast %add3A_469 : vector<16xi32> to vector<16xi32>
    tpu.vector_store %arg6[%swap3A_470], %swap3A_473 {strides = array<i32>} : memref<3328xi32, #tpu.memory_space<vmem>>, vector<16xi32>,
    %get3A_474 = arith.constant 688 : index
    %get3A_475 = tpu.vector_load %arg6[%get3A_474] {strides = array<i32>} : memref<3328xi32, #tpu.memory_space<vmem>>, vector<16xi32>,
    %get3A_476 = vector.shape_cast %get3A_475 : vector<16xi32> to vector<16xi32>
    %get3A_477 = arith.constant 688 : index
    %get3A_478 = tpu.vector_load %arg7[%get3A_477] {strides = array<i32>} : memref<3328xi32, #tpu.memory_space<vmem>>, vector<16xi32>,
    %get3A_479 = vector.shape_cast %get3A_478 : vector<16xi32> to vector<16xi32>
    %add3A_480 = arith.addi %get3A_476, %get3A_479 : vector<16xi32>
    %swap3A_481 = arith.constant 688 : index
    %swap3A_482 = tpu.vector_load %arg6[%swap3A_481] {strides = array<i32>} : memref<3328xi32, #tpu.memory_space<vmem>>, vector<16xi32>,
    %swap3A_483 = vector.shape_cast %swap3A_482 : vector<16xi32> to vector<16xi32>
    %swap3A_484 = vector.shape_cast %add3A_480 : vector<16xi32> to vector<16xi32>
    tpu.vector_store %arg6[%swap3A_481], %swap3A_484 {strides = array<i32>} : memref<3328xi32, #tpu.memory_space<vmem>>, vector<16xi32>,
    %get3A_485 = arith.constant 704 : index
    %get3A_486 = tpu.vector_load %arg6[%get3A_485] {strides = array<i32>} : memref<3328xi32, #tpu.memory_space<vmem>>, vector<16xi32>,
    %get3A_487 = vector.shape_cast %get3A_486 : vector<16xi32> to vector<16xi32>
    %get3A_488 = arith.constant 704 : index
    %get3A_489 = tpu.vector_load %arg7[%get3A_488] {strides = array<i32>} : memref<3328xi32, #tpu.memory_space<vmem>>, vector<16xi32>,
    %get3A_490 = vector.shape_cast %get3A_489 : vector<16xi32> to vector<16xi32>
    %add3A_491 = arith.addi %get3A_487, %get3A_490 : vector<16xi32>
    %swap3A_492 = arith.constant 704 : index
    %swap3A_493 = tpu.vector_load %arg6[%swap3A_492] {strides = array<i32>} : memref<3328xi32, #tpu.memory_space<vmem>>, vector<16xi32>,
    %swap3A_494 = vector.shape_cast %swap3A_493 : vector<16xi32> to vector<16xi32>
    %swap3A_495 = vector.shape_cast %add3A_491 : vector<16xi32> to vector<16xi32>
    tpu.vector_store %arg6[%swap3A_492], %swap3A_495 {strides = array<i32>} : memref<3328xi32, #tpu.memory_space<vmem>>, vector<16xi32>,
    %get3A_496 = arith.constant 720 : index
    %get3A_497 = tpu.vector_load %arg6[%get3A_496] {strides = array<i32>} : memref<3328xi32, #tpu.memory_space<vmem>>, vector<16xi32>,
    %get3A_498 = vector.shape_cast %get3A_497 : vector<16xi32> to vector<16xi32>
    %get3A_499 = arith.constant 720 : index
    %get3A_500 = tpu.vector_load %arg7[%get3A_499] {strides = array<i32>} : memref<3328xi32, #tpu.memory_space<vmem>>, vector<16xi32>,
    %get3A_501 = vector.shape_cast %get3A_500 : vector<16xi32> to vector<16xi32>
    %add3A_502 = arith.addi %get3A_498, %get3A_501 : vector<16xi32>
    %swap3A_503 = arith.constant 720 : index
    %swap3A_504 = tpu.vector_load %arg6[%swap3A_503] {strides = array<i32>} : memref<3328xi32, #tpu.memory_space<vmem>>, vector<16xi32>,
    %swap3A_505 = vector.shape_cast %swap3A_504 : vector<16xi32> to vector<16xi32>
    %swap3A_506 = vector.shape_cast %add3A_502 : vector<16xi32> to vector<16xi32>
    tpu.vector_store %arg6[%swap3A_503], %swap3A_506 {strides = array<i32>} : memref<3328xi32, #tpu.memory_space<vmem>>, vector<16xi32>,
    %get3A_507 = arith.constant 736 : index
    %get3A_508 = tpu.vector_load %arg6[%get3A_507] {strides = array<i32>} : memref<3328xi32, #tpu.memory_space<vmem>>, vector<16xi32>,
    %get3A_509 = vector.shape_cast %get3A_508 : vector<16xi32> to vector<16xi32>
    %get3A_510 = arith.constant 736 : index
    %get3A_511 = tpu.vector_load %arg7[%get3A_510] {strides = array<i32>} : memref<3328xi32, #tpu.memory_space<vmem>>, vector<16xi32>,
    %get3A_512 = vector.shape_cast %get3A_511 : vector<16xi32> to vector<16xi32>
    %add3A_513 = arith.addi %get3A_509, %get3A_512 : vector<16xi32>
    %swap3A_514 = arith.constant 736 : index
    %swap3A_515 = tpu.vector_load %arg6[%swap3A_514] {strides = array<i32>} : memref<3328xi32, #tpu.memory_space<vmem>>, vector<16xi32>,
    %swap3A_516 = vector.shape_cast %swap3A_515 : vector<16xi32> to vector<16xi32>
    %swap3A_517 = vector.shape_cast %add3A_513 : vector<16xi32> to vector<16xi32>
    tpu.vector_store %arg6[%swap3A_514], %swap3A_517 {strides = array<i32>} : memref<3328xi32, #tpu.memory_space<vmem>>, vector<16xi32>,
    %get3A_518 = arith.constant 752 : index
    %get3A_519 = tpu.vector_load %arg6[%get3A_518] {strides = array<i32>} : memref<3328xi32, #tpu.memory_space<vmem>>, vector<16xi32>,
    %get3A_520 = vector.shape_cast %get3A_519 : vector<16xi32> to vector<16xi32>
    %get3A_521 = arith.constant 752 : index
    %get3A_522 = tpu.vector_load %arg7[%get3A_521] {strides = array<i32>} : memref<3328xi32, #tpu.memory_space<vmem>>, vector<16xi32>,
    %get3A_523 = vector.shape_cast %get3A_522 : vector<16xi32> to vector<16xi32>
    %add3A_524 = arith.addi %get3A_520, %get3A_523 : vector<16xi32>
    %swap3A_525 = arith.constant 752 : index
    %swap3A_526 = tpu.vector_load %arg6[%swap3A_525] {strides = array<i32>} : memref<3328xi32, #tpu.memory_space<vmem>>, vector<16xi32>,
    %swap3A_527 = vector.shape_cast %swap3A_526 : vector<16xi32> to vector<16xi32>
    %swap3A_528 = vector.shape_cast %add3A_524 : vector<16xi32> to vector<16xi32>
    tpu.vector_store %arg6[%swap3A_525], %swap3A_528 {strides = array<i32>} : memref<3328xi32, #tpu.memory_space<vmem>>, vector<16xi32>,
    %get3A_529 = arith.constant 768 : index
    %get3A_530 = tpu.vector_load %arg6[%get3A_529] {strides = array<i32>} : memref<3328xi32, #tpu.memory_space<vmem>>, vector<16xi32>,
    %get3A_531 = vector.shape_cast %get3A_530 : vector<16xi32> to vector<16xi32>
    %get3A_532 = arith.constant 768 : index
    %get3A_533 = tpu.vector_load %arg7[%get3A_532] {strides = array<i32>} : memref<3328xi32, #tpu.memory_space<vmem>>, vector<16xi32>,
    %get3A_534 = vector.shape_cast %get3A_533 : vector<16xi32> to vector<16xi32>
    %add3A_535 = arith.addi %get3A_531, %get3A_534 : vector<16xi32>
    %swap3A_536 = arith.constant 768 : index
    %swap3A_537 = tpu.vector_load %arg6[%swap3A_536] {strides = array<i32>} : memref<3328xi32, #tpu.memory_space<vmem>>, vector<16xi32>,
    %swap3A_538 = vector.shape_cast %swap3A_537 : vector<16xi32> to vector<16xi32>
    %swap3A_539 = vector.shape_cast %add3A_535 : vector<16xi32> to vector<16xi32>
    tpu.vector_store %arg6[%swap3A_536], %swap3A_539 {strides = array<i32>} : memref<3328xi32, #tpu.memory_space<vmem>>, vector<16xi32>,
    %get3A_540 = arith.constant 784 : index
    %get3A_541 = tpu.vector_load %arg6[%get3A_540] {strides = array<i32>} : memref<3328xi32, #tpu.memory_space<vmem>>, vector<16xi32>,
    %get3A_542 = vector.shape_cast %get3A_541 : vector<16xi32> to vector<16xi32>
    %get3A_543 = arith.constant 784 : index
    %get3A_544 = tpu.vector_load %arg7[%get3A_543] {strides = array<i32>} : memref<3328xi32, #tpu.memory_space<vmem>>, vector<16xi32>,
    %get3A_545 = vector.shape_cast %get3A_544 : vector<16xi32> to vector<16xi32>
    %add3A_546 = arith.addi %get3A_542, %get3A_545 : vector<16xi32>
    %swap3A_547 = arith.constant 784 : index
    %swap3A_548 = tpu.vector_load %arg6[%swap3A_547] {strides = array<i32>} : memref<3328xi32, #tpu.memory_space<vmem>>, vector<16xi32>,
    %swap3A_549 = vector.shape_cast %swap3A_548 : vector<16xi32> to vector<16xi32>
    %swap3A_550 = vector.shape_cast %add3A_546 : vector<16xi32> to vector<16xi32>
    tpu.vector_store %arg6[%swap3A_547], %swap3A_550 {strides = array<i32>} : memref<3328xi32, #tpu.memory_space<vmem>>, vector<16xi32>,
    %get3A_551 = arith.constant 800 : index
    %get3A_552 = tpu.vector_load %arg6[%get3A_551] {strides = array<i32>} : memref<3328xi32, #tpu.memory_space<vmem>>, vector<16xi32>,
    %get3A_553 = vector.shape_cast %get3A_552 : vector<16xi32> to vector<16xi32>
    %get3A_554 = arith.constant 800 : index
    %get3A_555 = tpu.vector_load %arg7[%get3A_554] {strides = array<i32>} : memref<3328xi32, #tpu.memory_space<vmem>>, vector<16xi32>,
    %get3A_556 = vector.shape_cast %get3A_555 : vector<16xi32> to vector<16xi32>
    %add3A_557 = arith.addi %get3A_553, %get3A_556 : vector<16xi32>
    %swap3A_558 = arith.constant 800 : index
    %swap3A_559 = tpu.vector_load %arg6[%swap3A_558] {strides = array<i32>} : memref<3328xi32, #tpu.memory_space<vmem>>, vector<16xi32>,
    %swap3A_560 = vector.shape_cast %swap3A_559 : vector<16xi32> to vector<16xi32>
    %swap3A_561 = vector.shape_cast %add3A_557 : vector<16xi32> to vector<16xi32>
    tpu.vector_store %arg6[%swap3A_558], %swap3A_561 {strides = array<i32>} : memref<3328xi32, #tpu.memory_space<vmem>>, vector<16xi32>,
    %get3A_562 = arith.constant 816 : index
    %get3A_563 = tpu.vector_load %arg6[%get3A_562] {strides = array<i32>} : memref<3328xi32, #tpu.memory_space<vmem>>, vector<16xi32>,
    %get3A_564 = vector.shape_cast %get3A_563 : vector<16xi32> to vector<16xi32>
    %get3A_565 = arith.constant 816 : index
    %get3A_566 = tpu.vector_load %arg7[%get3A_565] {strides = array<i32>} : memref<3328xi32, #tpu.memory_space<vmem>>, vector<16xi32>,
    %get3A_567 = vector.shape_cast %get3A_566 : vector<16xi32> to vector<16xi32>
    %add3A_568 = arith.addi %get3A_564, %get3A_567 : vector<16xi32>
    %swap3A_569 = arith.constant 816 : index
    %swap3A_570 = tpu.vector_load %arg6[%swap3A_569] {strides = array<i32>} : memref<3328xi32, #tpu.memory_space<vmem>>, vector<16xi32>,
    %swap3A_571 = vector.shape_cast %swap3A_570 : vector<16xi32> to vector<16xi32>
    %swap3A_572 = vector.shape_cast %add3A_568 : vector<16xi32> to vector<16xi32>
    tpu.vector_store %arg6[%swap3A_569], %swap3A_572 {strides = array<i32>} : memref<3328xi32, #tpu.memory_space<vmem>>, vector<16xi32>,
    %get3A_573 = arith.constant 832 : index
    %get3A_574 = tpu.vector_load %arg6[%get3A_573] {strides = array<i32>} : memref<3328xi32, #tpu.memory_space<vmem>>, vector<16xi32>,
    %get3A_575 = vector.shape_cast %get3A_574 : vector<16xi32> to vector<16xi32>
    %get3A_576 = arith.constant 832 : index
    %get3A_577 = tpu.vector_load %arg7[%get3A_576] {strides = array<i32>} : memref<3328xi32, #tpu.memory_space<vmem>>, vector<16xi32>,
    %get3A_578 = vector.shape_cast %get3A_577 : vector<16xi32> to vector<16xi32>
    %add3A_579 = arith.addi %get3A_575, %get3A_578 : vector<16xi32>
    %swap3A_580 = arith.constant 832 : index
    %swap3A_581 = tpu.vector_load %arg6[%swap3A_580] {strides = array<i32>} : memref<3328xi32, #tpu.memory_space<vmem>>, vector<16xi32>,
    %swap3A_582 = vector.shape_cast %swap3A_581 : vector<16xi32> to vector<16xi32>
    %swap3A_583 = vector.shape_cast %add3A_579 : vector<16xi32> to vector<16xi32>
    tpu.vector_store %arg6[%swap3A_580], %swap3A_583 {strides = array<i32>} : memref<3328xi32, #tpu.memory_space<vmem>>, vector<16xi32>,
    %get3A_584 = arith.constant 848 : index
    %get3A_585 = tpu.vector_load %arg6[%get3A_584] {strides = array<i32>} : memref<3328xi32, #tpu.memory_space<vmem>>, vector<16xi32>,
    %get3A_586 = vector.shape_cast %get3A_585 : vector<16xi32> to vector<16xi32>
    %get3A_587 = arith.constant 848 : index
    %get3A_588 = tpu.vector_load %arg7[%get3A_587] {strides = array<i32>} : memref<3328xi32, #tpu.memory_space<vmem>>, vector<16xi32>,
    %get3A_589 = vector.shape_cast %get3A_588 : vector<16xi32> to vector<16xi32>
    %add3A_590 = arith.addi %get3A_586, %get3A_589 : vector<16xi32>
    %swap3A_591 = arith.constant 848 : index
    %swap3A_592 = tpu.vector_load %arg6[%swap3A_591] {strides = array<i32>} : memref<3328xi32, #tpu.memory_space<vmem>>, vector<16xi32>,
    %swap3A_593 = vector.shape_cast %swap3A_592 : vector<16xi32> to vector<16xi32>
    %swap3A_594 = vector.shape_cast %add3A_590 : vector<16xi32> to vector<16xi32>
    tpu.vector_store %arg6[%swap3A_591], %swap3A_594 {strides = array<i32>} : memref<3328xi32, #tpu.memory_space<vmem>>, vector<16xi32>,
    %get3A_595 = arith.constant 864 : index
    %get3A_596 = tpu.vector_load %arg6[%get3A_595] {strides = array<i32>} : memref<3328xi32, #tpu.memory_space<vmem>>, vector<16xi32>,
    %get3A_597 = vector.shape_cast %get3A_596 : vector<16xi32> to vector<16xi32>
    %get3A_598 = arith.constant 864 : index
    %get3A_599 = tpu.vector_load %arg7[%get3A_598] {strides = array<i32>} : memref<3328xi32, #tpu.memory_space<vmem>>, vector<16xi32>,
    %get3A_600 = vector.shape_cast %get3A_599 : vector<16xi32> to vector<16xi32>
    %add3A_601 = arith.addi %get3A_597, %get3A_600 : vector<16xi32>
    %swap3A_602 = arith.constant 864 : index
    %swap3A_603 = tpu.vector_load %arg6[%swap3A_602] {strides = array<i32>} : memref<3328xi32, #tpu.memory_space<vmem>>, vector<16xi32>,
    %swap3A_604 = vector.shape_cast %swap3A_603 : vector<16xi32> to vector<16xi32>
    %swap3A_605 = vector.shape_cast %add3A_601 : vector<16xi32> to vector<16xi32>
    tpu.vector_store %arg6[%swap3A_602], %swap3A_605 {strides = array<i32>} : memref<3328xi32, #tpu.memory_space<vmem>>, vector<16xi32>,
    %get3A_606 = arith.constant 880 : index
    %get3A_607 = tpu.vector_load %arg6[%get3A_606] {strides = array<i32>} : memref<3328xi32, #tpu.memory_space<vmem>>, vector<16xi32>,
    %get3A_608 = vector.shape_cast %get3A_607 : vector<16xi32> to vector<16xi32>
    %get3A_609 = arith.constant 880 : index
    %get3A_610 = tpu.vector_load %arg7[%get3A_609] {strides = array<i32>} : memref<3328xi32, #tpu.memory_space<vmem>>, vector<16xi32>,
    %get3A_611 = vector.shape_cast %get3A_610 : vector<16xi32> to vector<16xi32>
    %add3A_612 = arith.addi %get3A_608, %get3A_611 : vector<16xi32>
    %swap3A_613 = arith.constant 880 : index
    %swap3A_614 = tpu.vector_load %arg6[%swap3A_613] {strides = array<i32>} : memref<3328xi32, #tpu.memory_space<vmem>>, vector<16xi32>,
    %swap3A_615 = vector.shape_cast %swap3A_614 : vector<16xi32> to vector<16xi32>
    %swap3A_616 = vector.shape_cast %add3A_612 : vector<16xi32> to vector<16xi32>
    tpu.vector_store %arg6[%swap3A_613], %swap3A_616 {strides = array<i32>} : memref<3328xi32, #tpu.memory_space<vmem>>, vector<16xi32>,
    %get3A_617 = arith.constant 896 : index
    %get3A_618 = tpu.vector_load %arg6[%get3A_617] {strides = array<i32>} : memref<3328xi32, #tpu.memory_space<vmem>>, vector<16xi32>,
    %get3A_619 = vector.shape_cast %get3A_618 : vector<16xi32> to vector<16xi32>
    %get3A_620 = arith.constant 896 : index
    %get3A_621 = tpu.vector_load %arg7[%get3A_620] {strides = array<i32>} : memref<3328xi32, #tpu.memory_space<vmem>>, vector<16xi32>,
    %get3A_622 = vector.shape_cast %get3A_621 : vector<16xi32> to vector<16xi32>
    %add3A_623 = arith.addi %get3A_619, %get3A_622 : vector<16xi32>
    %swap3A_624 = arith.constant 896 : index
    %swap3A_625 = tpu.vector_load %arg6[%swap3A_624] {strides = array<i32>} : memref<3328xi32, #tpu.memory_space<vmem>>, vector<16xi32>,
    %swap3A_626 = vector.shape_cast %swap3A_625 : vector<16xi32> to vector<16xi32>
    %swap3A_627 = vector.shape_cast %add3A_623 : vector<16xi32> to vector<16xi32>
    tpu.vector_store %arg6[%swap3A_624], %swap3A_627 {strides = array<i32>} : memref<3328xi32, #tpu.memory_space<vmem>>, vector<16xi32>,
    %get3A_628 = arith.constant 912 : index
    %get3A_629 = tpu.vector_load %arg6[%get3A_628] {strides = array<i32>} : memref<3328xi32, #tpu.memory_space<vmem>>, vector<16xi32>,
    %get3A_630 = vector.shape_cast %get3A_629 : vector<16xi32> to vector<16xi32>
    %get3A_631 = arith.constant 912 : index
    %get3A_632 = tpu.vector_load %arg7[%get3A_631] {strides = array<i32>} : memref<3328xi32, #tpu.memory_space<vmem>>, vector<16xi32>,
    %get3A_633 = vector.shape_cast %get3A_632 : vector<16xi32> to vector<16xi32>
    %add3A_634 = arith.addi %get3A_630, %get3A_633 : vector<16xi32>
    %swap3A_635 = arith.constant 912 : index
    %swap3A_636 = tpu.vector_load %arg6[%swap3A_635] {strides = array<i32>} : memref<3328xi32, #tpu.memory_space<vmem>>, vector<16xi32>,
    %swap3A_637 = vector.shape_cast %swap3A_636 : vector<16xi32> to vector<16xi32>
    %swap3A_638 = vector.shape_cast %add3A_634 : vector<16xi32> to vector<16xi32>
    tpu.vector_store %arg6[%swap3A_635], %swap3A_638 {strides = array<i32>} : memref<3328xi32, #tpu.memory_space<vmem>>, vector<16xi32>,
    %get3A_639 = arith.constant 928 : index
    %get3A_640 = tpu.vector_load %arg6[%get3A_639] {strides = array<i32>} : memref<3328xi32, #tpu.memory_space<vmem>>, vector<16xi32>,
    %get3A_641 = vector.shape_cast %get3A_640 : vector<16xi32> to vector<16xi32>
    %get3A_642 = arith.constant 928 : index
    %get3A_643 = tpu.vector_load %arg7[%get3A_642] {strides = array<i32>} : memref<3328xi32, #tpu.memory_space<vmem>>, vector<16xi32>,
    %get3A_644 = vector.shape_cast %get3A_643 : vector<16xi32> to vector<16xi32>
    %add3A_645 = arith.addi %get3A_641, %get3A_644 : vector<16xi32>
    %swap3A_646 = arith.constant 928 : index
    %swap3A_647 = tpu.vector_load %arg6[%swap3A_646] {strides = array<i32>} : memref<3328xi32, #tpu.memory_space<vmem>>, vector<16xi32>,
    %swap3A_648 = vector.shape_cast %swap3A_647 : vector<16xi32> to vector<16xi32>
    %swap3A_649 = vector.shape_cast %add3A_645 : vector<16xi32> to vector<16xi32>
    tpu.vector_store %arg6[%swap3A_646], %swap3A_649 {strides = array<i32>} : memref<3328xi32, #tpu.memory_space<vmem>>, vector<16xi32>,
    %get3A_650 = arith.constant 944 : index
    %get3A_651 = tpu.vector_load %arg6[%get3A_650] {strides = array<i32>} : memref<3328xi32, #tpu.memory_space<vmem>>, vector<16xi32>,
    %get3A_652 = vector.shape_cast %get3A_651 : vector<16xi32> to vector<16xi32>
    %get3A_653 = arith.constant 944 : index
    %get3A_654 = tpu.vector_load %arg7[%get3A_653] {strides = array<i32>} : memref<3328xi32, #tpu.memory_space<vmem>>, vector<16xi32>,
    %get3A_655 = vector.shape_cast %get3A_654 : vector<16xi32> to vector<16xi32>
    %add3A_656 = arith.addi %get3A_652, %get3A_655 : vector<16xi32>
    %swap3A_657 = arith.constant 944 : index
    %swap3A_658 = tpu.vector_load %arg6[%swap3A_657] {strides = array<i32>} : memref<3328xi32, #tpu.memory_space<vmem>>, vector<16xi32>,
    %swap3A_659 = vector.shape_cast %swap3A_658 : vector<16xi32> to vector<16xi32>
    %swap3A_660 = vector.shape_cast %add3A_656 : vector<16xi32> to vector<16xi32>
    tpu.vector_store %arg6[%swap3A_657], %swap3A_660 {strides = array<i32>} : memref<3328xi32, #tpu.memory_space<vmem>>, vector<16xi32>,
    %get3A_661 = arith.constant 960 : index
    %get3A_662 = tpu.vector_load %arg6[%get3A_661] {strides = array<i32>} : memref<3328xi32, #tpu.memory_space<vmem>>, vector<16xi32>,
    %get3A_663 = vector.shape_cast %get3A_662 : vector<16xi32> to vector<16xi32>
    %get3A_664 = arith.constant 960 : index
    %get3A_665 = tpu.vector_load %arg7[%get3A_664] {strides = array<i32>} : memref<3328xi32, #tpu.memory_space<vmem>>, vector<16xi32>,
    %get3A_666 = vector.shape_cast %get3A_665 : vector<16xi32> to vector<16xi32>
    %add3A_667 = arith.addi %get3A_663, %get3A_666 : vector<16xi32>
    %swap3A_668 = arith.constant 960 : index
    %swap3A_669 = tpu.vector_load %arg6[%swap3A_668] {strides = array<i32>} : memref<3328xi32, #tpu.memory_space<vmem>>, vector<16xi32>,
    %swap3A_670 = vector.shape_cast %swap3A_669 : vector<16xi32> to vector<16xi32>
    %swap3A_671 = vector.shape_cast %add3A_667 : vector<16xi32> to vector<16xi32>
    tpu.vector_store %arg6[%swap3A_668], %swap3A_671 {strides = array<i32>} : memref<3328xi32, #tpu.memory_space<vmem>>, vector<16xi32>,
    %get3A_672 = arith.constant 976 : index
    %get3A_673 = tpu.vector_load %arg6[%get3A_672] {strides = array<i32>} : memref<3328xi32, #tpu.memory_space<vmem>>, vector<16xi32>,
    %get3A_674 = vector.shape_cast %get3A_673 : vector<16xi32> to vector<16xi32>
    %get3A_675 = arith.constant 976 : index
    %get3A_676 = tpu.vector_load %arg7[%get3A_675] {strides = array<i32>} : memref<3328xi32, #tpu.memory_space<vmem>>, vector<16xi32>,
    %get3A_677 = vector.shape_cast %get3A_676 : vector<16xi32> to vector<16xi32>
    %add3A_678 = arith.addi %get3A_674, %get3A_677 : vector<16xi32>
    %swap3A_679 = arith.constant 976 : index
    %swap3A_680 = tpu.vector_load %arg6[%swap3A_679] {strides = array<i32>} : memref<3328xi32, #tpu.memory_space<vmem>>, vector<16xi32>,
    %swap3A_681 = vector.shape_cast %swap3A_680 : vector<16xi32> to vector<16xi32>
    %swap3A_682 = vector.shape_cast %add3A_678 : vector<16xi32> to vector<16xi32>
    tpu.vector_store %arg6[%swap3A_679], %swap3A_682 {strides = array<i32>} : memref<3328xi32, #tpu.memory_space<vmem>>, vector<16xi32>,
    %get3A_683 = arith.constant 992 : index
    %get3A_684 = tpu.vector_load %arg6[%get3A_683] {strides = array<i32>} : memref<3328xi32, #tpu.memory_space<vmem>>, vector<16xi32>,
    %get3A_685 = vector.shape_cast %get3A_684 : vector<16xi32> to vector<16xi32>
    %get3A_686 = arith.constant 992 : index
    %get3A_687 = tpu.vector_load %arg7[%get3A_686] {strides = array<i32>} : memref<3328xi32, #tpu.memory_space<vmem>>, vector<16xi32>,
    %get3A_688 = vector.shape_cast %get3A_687 : vector<16xi32> to vector<16xi32>
    %add3A_689 = arith.addi %get3A_685, %get3A_688 : vector<16xi32>
    %swap3A_690 = arith.constant 992 : index
    %swap3A_691 = tpu.vector_load %arg6[%swap3A_690] {strides = array<i32>} : memref<3328xi32, #tpu.memory_space<vmem>>, vector<16xi32>,
    %swap3A_692 = vector.shape_cast %swap3A_691 : vector<16xi32> to vector<16xi32>
    %swap3A_693 = vector.shape_cast %add3A_689 : vector<16xi32> to vector<16xi32>
    tpu.vector_store %arg6[%swap3A_690], %swap3A_693 {strides = array<i32>} : memref<3328xi32, #tpu.memory_space<vmem>>, vector<16xi32>,
    %get3A_694 = arith.constant 1008 : index
    %get3A_695 = tpu.vector_load %arg6[%get3A_694] {strides = array<i32>} : memref<3328xi32, #tpu.memory_space<vmem>>, vector<16xi32>,
    %get3A_696 = vector.shape_cast %get3A_695 : vector<16xi32> to vector<16xi32>
    %get3A_697 = arith.constant 1008 : index
    %get3A_698 = tpu.vector_load %arg7[%get3A_697] {strides = array<i32>} : memref<3328xi32, #tpu.memory_space<vmem>>, vector<16xi32>,
    %get3A_699 = vector.shape_cast %get3A_698 : vector<16xi32> to vector<16xi32>
    %add3A_700 = arith.addi %get3A_696, %get3A_699 : vector<16xi32>
    %swap3A_701 = arith.constant 1008 : index
    %swap3A_702 = tpu.vector_load %arg6[%swap3A_701] {strides = array<i32>} : memref<3328xi32, #tpu.memory_space<vmem>>, vector<16xi32>,
    %swap3A_703 = vector.shape_cast %swap3A_702 : vector<16xi32> to vector<16xi32>
    %swap3A_704 = vector.shape_cast %add3A_700 : vector<16xi32> to vector<16xi32>
    tpu.vector_store %arg6[%swap3A_701], %swap3A_704 {strides = array<i32>} : memref<3328xi32, #tpu.memory_space<vmem>>, vector<16xi32>,
    %get3A_705 = arith.constant 1024 : index
    %get3A_706 = tpu.vector_load %arg6[%get3A_705] {strides = array<i32>} : memref<3328xi32, #tpu.memory_space<vmem>>, vector<16xi32>,
    %get3A_707 = vector.shape_cast %get3A_706 : vector<16xi32> to vector<16xi32>
    %get3A_708 = arith.constant 1024 : index
    %get3A_709 = tpu.vector_load %arg7[%get3A_708] {strides = array<i32>} : memref<3328xi32, #tpu.memory_space<vmem>>, vector<16xi32>,
    %get3A_710 = vector.shape_cast %get3A_709 : vector<16xi32> to vector<16xi32>
    %add3A_711 = arith.addi %get3A_707, %get3A_710 : vector<16xi32>
    %swap3A_712 = arith.constant 1024 : index
    %swap3A_713 = tpu.vector_load %arg6[%swap3A_712] {strides = array<i32>} : memref<3328xi32, #tpu.memory_space<vmem>>, vector<16xi32>,
    %swap3A_714 = vector.shape_cast %swap3A_713 : vector<16xi32> to vector<16xi32>
    %swap3A_715 = vector.shape_cast %add3A_711 : vector<16xi32> to vector<16xi32>
    tpu.vector_store %arg6[%swap3A_712], %swap3A_715 {strides = array<i32>} : memref<3328xi32, #tpu.memory_space<vmem>>, vector<16xi32>,
    %get3A_716 = arith.constant 1040 : index
    %get3A_717 = tpu.vector_load %arg6[%get3A_716] {strides = array<i32>} : memref<3328xi32, #tpu.memory_space<vmem>>, vector<16xi32>,
    %get3A_718 = vector.shape_cast %get3A_717 : vector<16xi32> to vector<16xi32>
    %get3A_719 = arith.constant 1040 : index
    %get3A_720 = tpu.vector_load %arg7[%get3A_719] {strides = array<i32>} : memref<3328xi32, #tpu.memory_space<vmem>>, vector<16xi32>,
    %get3A_721 = vector.shape_cast %get3A_720 : vector<16xi32> to vector<16xi32>
    %add3A_722 = arith.addi %get3A_718, %get3A_721 : vector<16xi32>
    %swap3A_723 = arith.constant 1040 : index
    %swap3A_724 = tpu.vector_load %arg6[%swap3A_723] {strides = array<i32>} : memref<3328xi32, #tpu.memory_space<vmem>>, vector<16xi32>,
    %swap3A_725 = vector.shape_cast %swap3A_724 : vector<16xi32> to vector<16xi32>
    %swap3A_726 = vector.shape_cast %add3A_722 : vector<16xi32> to vector<16xi32>
    tpu.vector_store %arg6[%swap3A_723], %swap3A_726 {strides = array<i32>} : memref<3328xi32, #tpu.memory_space<vmem>>, vector<16xi32>,
    %get3A_727 = arith.constant 1056 : index
    %get3A_728 = tpu.vector_load %arg6[%get3A_727] {strides = array<i32>} : memref<3328xi32, #tpu.memory_space<vmem>>, vector<16xi32>,
    %get3A_729 = vector.shape_cast %get3A_728 : vector<16xi32> to vector<16xi32>
    %get3A_730 = arith.constant 1056 : index
    %get3A_731 = tpu.vector_load %arg7[%get3A_730] {strides = array<i32>} : memref<3328xi32, #tpu.memory_space<vmem>>, vector<16xi32>,
    %get3A_732 = vector.shape_cast %get3A_731 : vector<16xi32> to vector<16xi32>
    %add3A_733 = arith.addi %get3A_729, %get3A_732 : vector<16xi32>
    %swap3A_734 = arith.constant 1056 : index
    %swap3A_735 = tpu.vector_load %arg6[%swap3A_734] {strides = array<i32>} : memref<3328xi32, #tpu.memory_space<vmem>>, vector<16xi32>,
    %swap3A_736 = vector.shape_cast %swap3A_735 : vector<16xi32> to vector<16xi32>
    %swap3A_737 = vector.shape_cast %add3A_733 : vector<16xi32> to vector<16xi32>
    tpu.vector_store %arg6[%swap3A_734], %swap3A_737 {strides = array<i32>} : memref<3328xi32, #tpu.memory_space<vmem>>, vector<16xi32>,
    %get3A_738 = arith.constant 1072 : index
    %get3A_739 = tpu.vector_load %arg6[%get3A_738] {strides = array<i32>} : memref<3328xi32, #tpu.memory_space<vmem>>, vector<16xi32>,
    %get3A_740 = vector.shape_cast %get3A_739 : vector<16xi32> to vector<16xi32>
    %get3A_741 = arith.constant 1072 : index
    %get3A_742 = tpu.vector_load %arg7[%get3A_741] {strides = array<i32>} : memref<3328xi32, #tpu.memory_space<vmem>>, vector<16xi32>,
    %get3A_743 = vector.shape_cast %get3A_742 : vector<16xi32> to vector<16xi32>
    %add3A_744 = arith.addi %get3A_740, %get3A_743 : vector<16xi32>
    %swap3A_745 = arith.constant 1072 : index
    %swap3A_746 = tpu.vector_load %arg6[%swap3A_745] {strides = array<i32>} : memref<3328xi32, #tpu.memory_space<vmem>>, vector<16xi32>,
    %swap3A_747 = vector.shape_cast %swap3A_746 : vector<16xi32> to vector<16xi32>
    %swap3A_748 = vector.shape_cast %add3A_744 : vector<16xi32> to vector<16xi32>
    tpu.vector_store %arg6[%swap3A_745], %swap3A_748 {strides = array<i32>} : memref<3328xi32, #tpu.memory_space<vmem>>, vector<16xi32>,
    %get3A_749 = arith.constant 1088 : index
    %get3A_750 = tpu.vector_load %arg6[%get3A_749] {strides = array<i32>} : memref<3328xi32, #tpu.memory_space<vmem>>, vector<16xi32>,
    %get3A_751 = vector.shape_cast %get3A_750 : vector<16xi32> to vector<16xi32>
    %get3A_752 = arith.constant 1088 : index
    %get3A_753 = tpu.vector_load %arg7[%get3A_752] {strides = array<i32>} : memref<3328xi32, #tpu.memory_space<vmem>>, vector<16xi32>,
    %get3A_754 = vector.shape_cast %get3A_753 : vector<16xi32> to vector<16xi32>
    %add3A_755 = arith.addi %get3A_751, %get3A_754 : vector<16xi32>
    %swap3A_756 = arith.constant 1088 : index
    %swap3A_757 = tpu.vector_load %arg6[%swap3A_756] {strides = array<i32>} : memref<3328xi32, #tpu.memory_space<vmem>>, vector<16xi32>,
    %swap3A_758 = vector.shape_cast %swap3A_757 : vector<16xi32> to vector<16xi32>
    %swap3A_759 = vector.shape_cast %add3A_755 : vector<16xi32> to vector<16xi32>
    tpu.vector_store %arg6[%swap3A_756], %swap3A_759 {strides = array<i32>} : memref<3328xi32, #tpu.memory_space<vmem>>, vector<16xi32>,
    %get3A_760 = arith.constant 1104 : index
    %get3A_761 = tpu.vector_load %arg6[%get3A_760] {strides = array<i32>} : memref<3328xi32, #tpu.memory_space<vmem>>, vector<16xi32>,
    %get3A_762 = vector.shape_cast %get3A_761 : vector<16xi32> to vector<16xi32>
    %get3A_763 = arith.constant 1104 : index
    %get3A_764 = tpu.vector_load %arg7[%get3A_763] {strides = array<i32>} : memref<3328xi32, #tpu.memory_space<vmem>>, vector<16xi32>,
    %get3A_765 = vector.shape_cast %get3A_764 : vector<16xi32> to vector<16xi32>
    %add3A_766 = arith.addi %get3A_762, %get3A_765 : vector<16xi32>
    %swap3A_767 = arith.constant 1104 : index
    %swap3A_768 = tpu.vector_load %arg6[%swap3A_767] {strides = array<i32>} : memref<3328xi32, #tpu.memory_space<vmem>>, vector<16xi32>,
    %swap3A_769 = vector.shape_cast %swap3A_768 : vector<16xi32> to vector<16xi32>
    %swap3A_770 = vector.shape_cast %add3A_766 : vector<16xi32> to vector<16xi32>
    tpu.vector_store %arg6[%swap3A_767], %swap3A_770 {strides = array<i32>} : memref<3328xi32, #tpu.memory_space<vmem>>, vector<16xi32>,
    %get3A_771 = arith.constant 1120 : index
    %get3A_772 = tpu.vector_load %arg6[%get3A_771] {strides = array<i32>} : memref<3328xi32, #tpu.memory_space<vmem>>, vector<16xi32>,
    %get3A_773 = vector.shape_cast %get3A_772 : vector<16xi32> to vector<16xi32>
    %get3A_774 = arith.constant 1120 : index
    %get3A_775 = tpu.vector_load %arg7[%get3A_774] {strides = array<i32>} : memref<3328xi32, #tpu.memory_space<vmem>>, vector<16xi32>,
    %get3A_776 = vector.shape_cast %get3A_775 : vector<16xi32> to vector<16xi32>
    %add3A_777 = arith.addi %get3A_773, %get3A_776 : vector<16xi32>
    %swap3A_778 = arith.constant 1120 : index
    %swap3A_779 = tpu.vector_load %arg6[%swap3A_778] {strides = array<i32>} : memref<3328xi32, #tpu.memory_space<vmem>>, vector<16xi32>,
    %swap3A_780 = vector.shape_cast %swap3A_779 : vector<16xi32> to vector<16xi32>
    %swap3A_781 = vector.shape_cast %add3A_777 : vector<16xi32> to vector<16xi32>
    tpu.vector_store %arg6[%swap3A_778], %swap3A_781 {strides = array<i32>} : memref<3328xi32, #tpu.memory_space<vmem>>, vector<16xi32>,
    %get3A_782 = arith.constant 1136 : index
    %get3A_783 = tpu.vector_load %arg6[%get3A_782] {strides = array<i32>} : memref<3328xi32, #tpu.memory_space<vmem>>, vector<16xi32>,
    %get3A_784 = vector.shape_cast %get3A_783 : vector<16xi32> to vector<16xi32>
    %get3A_785 = arith.constant 1136 : index
    %get3A_786 = tpu.vector_load %arg7[%get3A_785] {strides = array<i32>} : memref<3328xi32, #tpu.memory_space<vmem>>, vector<16xi32>,
    %get3A_787 = vector.shape_cast %get3A_786 : vector<16xi32> to vector<16xi32>
    %add3A_788 = arith.addi %get3A_784, %get3A_787 : vector<16xi32>
    %swap3A_789 = arith.constant 1136 : index
    %swap3A_790 = tpu.vector_load %arg6[%swap3A_789] {strides = array<i32>} : memref<3328xi32, #tpu.memory_space<vmem>>, vector<16xi32>,
    %swap3A_791 = vector.shape_cast %swap3A_790 : vector<16xi32> to vector<16xi32>
    %swap3A_792 = vector.shape_cast %add3A_788 : vector<16xi32> to vector<16xi32>
    tpu.vector_store %arg6[%swap3A_789], %swap3A_792 {strides = array<i32>} : memref<3328xi32, #tpu.memory_space<vmem>>, vector<16xi32>,
    %get3A_793 = arith.constant 1152 : index
    %get3A_794 = tpu.vector_load %arg6[%get3A_793] {strides = array<i32>} : memref<3328xi32, #tpu.memory_space<vmem>>, vector<16xi32>,
    %get3A_795 = vector.shape_cast %get3A_794 : vector<16xi32> to vector<16xi32>
    %get3A_796 = arith.constant 1152 : index
    %get3A_797 = tpu.vector_load %arg7[%get3A_796] {strides = array<i32>} : memref<3328xi32, #tpu.memory_space<vmem>>, vector<16xi32>,
    %get3A_798 = vector.shape_cast %get3A_797 : vector<16xi32> to vector<16xi32>
    %add3A_799 = arith.addi %get3A_795, %get3A_798 : vector<16xi32>
    %swap3A_800 = arith.constant 1152 : index
    %swap3A_801 = tpu.vector_load %arg6[%swap3A_800] {strides = array<i32>} : memref<3328xi32, #tpu.memory_space<vmem>>, vector<16xi32>,
    %swap3A_802 = vector.shape_cast %swap3A_801 : vector<16xi32> to vector<16xi32>
    %swap3A_803 = vector.shape_cast %add3A_799 : vector<16xi32> to vector<16xi32>
    tpu.vector_store %arg6[%swap3A_800], %swap3A_803 {strides = array<i32>} : memref<3328xi32, #tpu.memory_space<vmem>>, vector<16xi32>,
    %get3A_804 = arith.constant 1168 : index
    %get3A_805 = tpu.vector_load %arg6[%get3A_804] {strides = array<i32>} : memref<3328xi32, #tpu.memory_space<vmem>>, vector<16xi32>,
    %get3A_806 = vector.shape_cast %get3A_805 : vector<16xi32> to vector<16xi32>
    %get3A_807 = arith.constant 1168 : index
    %get3A_808 = tpu.vector_load %arg7[%get3A_807] {strides = array<i32>} : memref<3328xi32, #tpu.memory_space<vmem>>, vector<16xi32>,
    %get3A_809 = vector.shape_cast %get3A_808 : vector<16xi32> to vector<16xi32>
    %add3A_810 = arith.addi %get3A_806, %get3A_809 : vector<16xi32>
    %swap3A_811 = arith.constant 1168 : index
    %swap3A_812 = tpu.vector_load %arg6[%swap3A_811] {strides = array<i32>} : memref<3328xi32, #tpu.memory_space<vmem>>, vector<16xi32>,
    %swap3A_813 = vector.shape_cast %swap3A_812 : vector<16xi32> to vector<16xi32>
    %swap3A_814 = vector.shape_cast %add3A_810 : vector<16xi32> to vector<16xi32>
    tpu.vector_store %arg6[%swap3A_811], %swap3A_814 {strides = array<i32>} : memref<3328xi32, #tpu.memory_space<vmem>>, vector<16xi32>,
    %get3A_815 = arith.constant 1184 : index
    %get3A_816 = tpu.vector_load %arg6[%get3A_815] {strides = array<i32>} : memref<3328xi32, #tpu.memory_space<vmem>>, vector<16xi32>,
    %get3A_817 = vector.shape_cast %get3A_816 : vector<16xi32> to vector<16xi32>
    %get3A_818 = arith.constant 1184 : index
    %get3A_819 = tpu.vector_load %arg7[%get3A_818] {strides = array<i32>} : memref<3328xi32, #tpu.memory_space<vmem>>, vector<16xi32>,
    %get3A_820 = vector.shape_cast %get3A_819 : vector<16xi32> to vector<16xi32>
    %add3A_821 = arith.addi %get3A_817, %get3A_820 : vector<16xi32>
    %swap3A_822 = arith.constant 1184 : index
    %swap3A_823 = tpu.vector_load %arg6[%swap3A_822] {strides = array<i32>} : memref<3328xi32, #tpu.memory_space<vmem>>, vector<16xi32>,
    %swap3A_824 = vector.shape_cast %swap3A_823 : vector<16xi32> to vector<16xi32>
    %swap3A_825 = vector.shape_cast %add3A_821 : vector<16xi32> to vector<16xi32>
    tpu.vector_store %arg6[%swap3A_822], %swap3A_825 {strides = array<i32>} : memref<3328xi32, #tpu.memory_space<vmem>>, vector<16xi32>,
    %get3A_826 = arith.constant 1200 : index
    %get3A_827 = tpu.vector_load %arg6[%get3A_826] {strides = array<i32>} : memref<3328xi32, #tpu.memory_space<vmem>>, vector<16xi32>,
    %get3A_828 = vector.shape_cast %get3A_827 : vector<16xi32> to vector<16xi32>
    %get3A_829 = arith.constant 1200 : index
    %get3A_830 = tpu.vector_load %arg7[%get3A_829] {strides = array<i32>} : memref<3328xi32, #tpu.memory_space<vmem>>, vector<16xi32>,
    %get3A_831 = vector.shape_cast %get3A_830 : vector<16xi32> to vector<16xi32>
    %add3A_832 = arith.addi %get3A_828, %get3A_831 : vector<16xi32>
    %swap3A_833 = arith.constant 1200 : index
    %swap3A_834 = tpu.vector_load %arg6[%swap3A_833] {strides = array<i32>} : memref<3328xi32, #tpu.memory_space<vmem>>, vector<16xi32>,
    %swap3A_835 = vector.shape_cast %swap3A_834 : vector<16xi32> to vector<16xi32>
    %swap3A_836 = vector.shape_cast %add3A_832 : vector<16xi32> to vector<16xi32>
    tpu.vector_store %arg6[%swap3A_833], %swap3A_836 {strides = array<i32>} : memref<3328xi32, #tpu.memory_space<vmem>>, vector<16xi32>,
    %get3A_837 = arith.constant 1216 : index
    %get3A_838 = tpu.vector_load %arg6[%get3A_837] {strides = array<i32>} : memref<3328xi32, #tpu.memory_space<vmem>>, vector<16xi32>,
    %get3A_839 = vector.shape_cast %get3A_838 : vector<16xi32> to vector<16xi32>
    %get3A_840 = arith.constant 1216 : index
    %get3A_841 = tpu.vector_load %arg7[%get3A_840] {strides = array<i32>} : memref<3328xi32, #tpu.memory_space<vmem>>, vector<16xi32>,
    %get3A_842 = vector.shape_cast %get3A_841 : vector<16xi32> to vector<16xi32>
    %add3A_843 = arith.addi %get3A_839, %get3A_842 : vector<16xi32>
    %swap3A_844 = arith.constant 1216 : index
    %swap3A_845 = tpu.vector_load %arg6[%swap3A_844] {strides = array<i32>} : memref<3328xi32, #tpu.memory_space<vmem>>, vector<16xi32>,
    %swap3A_846 = vector.shape_cast %swap3A_845 : vector<16xi32> to vector<16xi32>
    %swap3A_847 = vector.shape_cast %add3A_843 : vector<16xi32> to vector<16xi32>
    tpu.vector_store %arg6[%swap3A_844], %swap3A_847 {strides = array<i32>} : memref<3328xi32, #tpu.memory_space<vmem>>, vector<16xi32>,
    %get3A_848 = arith.constant 1232 : index
    %get3A_849 = tpu.vector_load %arg6[%get3A_848] {strides = array<i32>} : memref<3328xi32, #tpu.memory_space<vmem>>, vector<16xi32>,
    %get3A_850 = vector.shape_cast %get3A_849 : vector<16xi32> to vector<16xi32>
    %get3A_851 = arith.constant 1232 : index
    %get3A_852 = tpu.vector_load %arg7[%get3A_851] {strides = array<i32>} : memref<3328xi32, #tpu.memory_space<vmem>>, vector<16xi32>,
    %get3A_853 = vector.shape_cast %get3A_852 : vector<16xi32> to vector<16xi32>
    %add3A_854 = arith.addi %get3A_850, %get3A_853 : vector<16xi32>
    %swap3A_855 = arith.constant 1232 : index
    %swap3A_856 = tpu.vector_load %arg6[%swap3A_855] {strides = array<i32>} : memref<3328xi32, #tpu.memory_space<vmem>>, vector<16xi32>,
    %swap3A_857 = vector.shape_cast %swap3A_856 : vector<16xi32> to vector<16xi32>
    %swap3A_858 = vector.shape_cast %add3A_854 : vector<16xi32> to vector<16xi32>
    tpu.vector_store %arg6[%swap3A_855], %swap3A_858 {strides = array<i32>} : memref<3328xi32, #tpu.memory_space<vmem>>, vector<16xi32>,
    %get3A_859 = arith.constant 1248 : index
    %get3A_860 = tpu.vector_load %arg6[%get3A_859] {strides = array<i32>} : memref<3328xi32, #tpu.memory_space<vmem>>, vector<16xi32>,
    %get3A_861 = vector.shape_cast %get3A_860 : vector<16xi32> to vector<16xi32>
    %get3A_862 = arith.constant 1248 : index
    %get3A_863 = tpu.vector_load %arg7[%get3A_862] {strides = array<i32>} : memref<3328xi32, #tpu.memory_space<vmem>>, vector<16xi32>,
    %get3A_864 = vector.shape_cast %get3A_863 : vector<16xi32> to vector<16xi32>
    %add3A_865 = arith.addi %get3A_861, %get3A_864 : vector<16xi32>
    %swap3A_866 = arith.constant 1248 : index
    %swap3A_867 = tpu.vector_load %arg6[%swap3A_866] {strides = array<i32>} : memref<3328xi32, #tpu.memory_space<vmem>>, vector<16xi32>,
    %swap3A_868 = vector.shape_cast %swap3A_867 : vector<16xi32> to vector<16xi32>
    %swap3A_869 = vector.shape_cast %add3A_865 : vector<16xi32> to vector<16xi32>
    tpu.vector_store %arg6[%swap3A_866], %swap3A_869 {strides = array<i32>} : memref<3328xi32, #tpu.memory_space<vmem>>, vector<16xi32>,
    %get3A_870 = arith.constant 1264 : index
    %get3A_871 = tpu.vector_load %arg6[%get3A_870] {strides = array<i32>} : memref<3328xi32, #tpu.memory_space<vmem>>, vector<16xi32>,
    %get3A_872 = vector.shape_cast %get3A_871 : vector<16xi32> to vector<16xi32>
    %get3A_873 = arith.constant 1264 : index
    %get3A_874 = tpu.vector_load %arg7[%get3A_873] {strides = array<i32>} : memref<3328xi32, #tpu.memory_space<vmem>>, vector<16xi32>,
    %get3A_875 = vector.shape_cast %get3A_874 : vector<16xi32> to vector<16xi32>
    %add3A_876 = arith.addi %get3A_872, %get3A_875 : vector<16xi32>
    %swap3A_877 = arith.constant 1264 : index
    %swap3A_878 = tpu.vector_load %arg6[%swap3A_877] {strides = array<i32>} : memref<3328xi32, #tpu.memory_space<vmem>>, vector<16xi32>,
    %swap3A_879 = vector.shape_cast %swap3A_878 : vector<16xi32> to vector<16xi32>
    %swap3A_880 = vector.shape_cast %add3A_876 : vector<16xi32> to vector<16xi32>
    tpu.vector_store %arg6[%swap3A_877], %swap3A_880 {strides = array<i32>} : memref<3328xi32, #tpu.memory_space<vmem>>, vector<16xi32>,
    %get3A_881 = arith.constant 1280 : index
    %get3A_882 = tpu.vector_load %arg6[%get3A_881] {strides = array<i32>} : memref<3328xi32, #tpu.memory_space<vmem>>, vector<16xi32>,
    %get3A_883 = vector.shape_cast %get3A_882 : vector<16xi32> to vector<16xi32>
    %get3A_884 = arith.constant 1280 : index
    %get3A_885 = tpu.vector_load %arg7[%get3A_884] {strides = array<i32>} : memref<3328xi32, #tpu.memory_space<vmem>>, vector<16xi32>,
    %get3A_886 = vector.shape_cast %get3A_885 : vector<16xi32> to vector<16xi32>
    %add3A_887 = arith.addi %get3A_883, %get3A_886 : vector<16xi32>
    %swap3A_888 = arith.constant 1280 : index
    %swap3A_889 = tpu.vector_load %arg6[%swap3A_888] {strides = array<i32>} : memref<3328xi32, #tpu.memory_space<vmem>>, vector<16xi32>,
    %swap3A_890 = vector.shape_cast %swap3A_889 : vector<16xi32> to vector<16xi32>
    %swap3A_891 = vector.shape_cast %add3A_887 : vector<16xi32> to vector<16xi32>
    tpu.vector_store %arg6[%swap3A_888], %swap3A_891 {strides = array<i32>} : memref<3328xi32, #tpu.memory_space<vmem>>, vector<16xi32>,
    %get3A_892 = arith.constant 1296 : index
    %get3A_893 = tpu.vector_load %arg6[%get3A_892] {strides = array<i32>} : memref<3328xi32, #tpu.memory_space<vmem>>, vector<16xi32>,
    %get3A_894 = vector.shape_cast %get3A_893 : vector<16xi32> to vector<16xi32>
    %get3A_895 = arith.constant 1296 : index
    %get3A_896 = tpu.vector_load %arg7[%get3A_895] {strides = array<i32>} : memref<3328xi32, #tpu.memory_space<vmem>>, vector<16xi32>,
    %get3A_897 = vector.shape_cast %get3A_896 : vector<16xi32> to vector<16xi32>
    %add3A_898 = arith.addi %get3A_894, %get3A_897 : vector<16xi32>
    %swap3A_899 = arith.constant 1296 : index
    %swap3A_900 = tpu.vector_load %arg6[%swap3A_899] {strides = array<i32>} : memref<3328xi32, #tpu.memory_space<vmem>>, vector<16xi32>,
    %swap3A_901 = vector.shape_cast %swap3A_900 : vector<16xi32> to vector<16xi32>
    %swap3A_902 = vector.shape_cast %add3A_898 : vector<16xi32> to vector<16xi32>
    tpu.vector_store %arg6[%swap3A_899], %swap3A_902 {strides = array<i32>} : memref<3328xi32, #tpu.memory_space<vmem>>, vector<16xi32>,
    %get3A_903 = arith.constant 1312 : index
    %get3A_904 = tpu.vector_load %arg6[%get3A_903] {strides = array<i32>} : memref<3328xi32, #tpu.memory_space<vmem>>, vector<16xi32>,
    %get3A_905 = vector.shape_cast %get3A_904 : vector<16xi32> to vector<16xi32>
    %get3A_906 = arith.constant 1312 : index
    %get3A_907 = tpu.vector_load %arg7[%get3A_906] {strides = array<i32>} : memref<3328xi32, #tpu.memory_space<vmem>>, vector<16xi32>,
    %get3A_908 = vector.shape_cast %get3A_907 : vector<16xi32> to vector<16xi32>
    %add3A_909 = arith.addi %get3A_905, %get3A_908 : vector<16xi32>
    %swap3A_910 = arith.constant 1312 : index
    %swap3A_911 = tpu.vector_load %arg6[%swap3A_910] {strides = array<i32>} : memref<3328xi32, #tpu.memory_space<vmem>>, vector<16xi32>,
    %swap3A_912 = vector.shape_cast %swap3A_911 : vector<16xi32> to vector<16xi32>
    %swap3A_913 = vector.shape_cast %add3A_909 : vector<16xi32> to vector<16xi32>
    tpu.vector_store %arg6[%swap3A_910], %swap3A_913 {strides = array<i32>} : memref<3328xi32, #tpu.memory_space<vmem>>, vector<16xi32>,
    %get3A_914 = arith.constant 1328 : index
    %get3A_915 = tpu.vector_load %arg6[%get3A_914] {strides = array<i32>} : memref<3328xi32, #tpu.memory_space<vmem>>, vector<16xi32>,
    %get3A_916 = vector.shape_cast %get3A_915 : vector<16xi32> to vector<16xi32>
    %get3A_917 = arith.constant 1328 : index
    %get3A_918 = tpu.vector_load %arg7[%get3A_917] {strides = array<i32>} : memref<3328xi32, #tpu.memory_space<vmem>>, vector<16xi32>,
    %get3A_919 = vector.shape_cast %get3A_918 : vector<16xi32> to vector<16xi32>
    %add3A_920 = arith.addi %get3A_916, %get3A_919 : vector<16xi32>
    %swap3A_921 = arith.constant 1328 : index
    %swap3A_922 = tpu.vector_load %arg6[%swap3A_921] {strides = array<i32>} : memref<3328xi32, #tpu.memory_space<vmem>>, vector<16xi32>,
    %swap3A_923 = vector.shape_cast %swap3A_922 : vector<16xi32> to vector<16xi32>
    %swap3A_924 = vector.shape_cast %add3A_920 : vector<16xi32> to vector<16xi32>
    tpu.vector_store %arg6[%swap3A_921], %swap3A_924 {strides = array<i32>} : memref<3328xi32, #tpu.memory_space<vmem>>, vector<16xi32>,
    %get3A_925 = arith.constant 1344 : index
    %get3A_926 = tpu.vector_load %arg6[%get3A_925] {strides = array<i32>} : memref<3328xi32, #tpu.memory_space<vmem>>, vector<16xi32>,
    %get3A_927 = vector.shape_cast %get3A_926 : vector<16xi32> to vector<16xi32>
    %get3A_928 = arith.constant 1344 : index
    %get3A_929 = tpu.vector_load %arg7[%get3A_928] {strides = array<i32>} : memref<3328xi32, #tpu.memory_space<vmem>>, vector<16xi32>,
    %get3A_930 = vector.shape_cast %get3A_929 : vector<16xi32> to vector<16xi32>
    %add3A_931 = arith.addi %get3A_927, %get3A_930 : vector<16xi32>
    %swap3A_932 = arith.constant 1344 : index
    %swap3A_933 = tpu.vector_load %arg6[%swap3A_932] {strides = array<i32>} : memref<3328xi32, #tpu.memory_space<vmem>>, vector<16xi32>,
    %swap3A_934 = vector.shape_cast %swap3A_933 : vector<16xi32> to vector<16xi32>
    %swap3A_935 = vector.shape_cast %add3A_931 : vector<16xi32> to vector<16xi32>
    tpu.vector_store %arg6[%swap3A_932], %swap3A_935 {strides = array<i32>} : memref<3328xi32, #tpu.memory_space<vmem>>, vector<16xi32>,
    %get3A_936 = arith.constant 1360 : index
    %get3A_937 = tpu.vector_load %arg6[%get3A_936] {strides = array<i32>} : memref<3328xi32, #tpu.memory_space<vmem>>, vector<16xi32>,
    %get3A_938 = vector.shape_cast %get3A_937 : vector<16xi32> to vector<16xi32>
    %get3A_939 = arith.constant 1360 : index
    %get3A_940 = tpu.vector_load %arg7[%get3A_939] {strides = array<i32>} : memref<3328xi32, #tpu.memory_space<vmem>>, vector<16xi32>,
    %get3A_941 = vector.shape_cast %get3A_940 : vector<16xi32> to vector<16xi32>
    %add3A_942 = arith.addi %get3A_938, %get3A_941 : vector<16xi32>
    %swap3A_943 = arith.constant 1360 : index
    %swap3A_944 = tpu.vector_load %arg6[%swap3A_943] {strides = array<i32>} : memref<3328xi32, #tpu.memory_space<vmem>>, vector<16xi32>,
    %swap3A_945 = vector.shape_cast %swap3A_944 : vector<16xi32> to vector<16xi32>
    %swap3A_946 = vector.shape_cast %add3A_942 : vector<16xi32> to vector<16xi32>
    tpu.vector_store %arg6[%swap3A_943], %swap3A_946 {strides = array<i32>} : memref<3328xi32, #tpu.memory_space<vmem>>, vector<16xi32>,
    %get3A_947 = arith.constant 1376 : index
    %get3A_948 = tpu.vector_load %arg6[%get3A_947] {strides = array<i32>} : memref<3328xi32, #tpu.memory_space<vmem>>, vector<16xi32>,
    %get3A_949 = vector.shape_cast %get3A_948 : vector<16xi32> to vector<16xi32>
    %get3A_950 = arith.constant 1376 : index
    %get3A_951 = tpu.vector_load %arg7[%get3A_950] {strides = array<i32>} : memref<3328xi32, #tpu.memory_space<vmem>>, vector<16xi32>,
    %get3A_952 = vector.shape_cast %get3A_951 : vector<16xi32> to vector<16xi32>
    %add3A_953 = arith.addi %get3A_949, %get3A_952 : vector<16xi32>
    %swap3A_954 = arith.constant 1376 : index
    %swap3A_955 = tpu.vector_load %arg6[%swap3A_954] {strides = array<i32>} : memref<3328xi32, #tpu.memory_space<vmem>>, vector<16xi32>,
    %swap3A_956 = vector.shape_cast %swap3A_955 : vector<16xi32> to vector<16xi32>
    %swap3A_957 = vector.shape_cast %add3A_953 : vector<16xi32> to vector<16xi32>
    tpu.vector_store %arg6[%swap3A_954], %swap3A_957 {strides = array<i32>} : memref<3328xi32, #tpu.memory_space<vmem>>, vector<16xi32>,
    %get3A_958 = arith.constant 1392 : index
    %get3A_959 = tpu.vector_load %arg6[%get3A_958] {strides = array<i32>} : memref<3328xi32, #tpu.memory_space<vmem>>, vector<16xi32>,
    %get3A_960 = vector.shape_cast %get3A_959 : vector<16xi32> to vector<16xi32>
    %get3A_961 = arith.constant 1392 : index
    %get3A_962 = tpu.vector_load %arg7[%get3A_961] {strides = array<i32>} : memref<3328xi32, #tpu.memory_space<vmem>>, vector<16xi32>,
    %get3A_963 = vector.shape_cast %get3A_962 : vector<16xi32> to vector<16xi32>
    %add3A_964 = arith.addi %get3A_960, %get3A_963 : vector<16xi32>
    %swap3A_965 = arith.constant 1392 : index
    %swap3A_966 = tpu.vector_load %arg6[%swap3A_965] {strides = array<i32>} : memref<3328xi32, #tpu.memory_space<vmem>>, vector<16xi32>,
    %swap3A_967 = vector.shape_cast %swap3A_966 : vector<16xi32> to vector<16xi32>
    %swap3A_968 = vector.shape_cast %add3A_964 : vector<16xi32> to vector<16xi32>
    tpu.vector_store %arg6[%swap3A_965], %swap3A_968 {strides = array<i32>} : memref<3328xi32, #tpu.memory_space<vmem>>, vector<16xi32>,
    %get3A_969 = arith.constant 1408 : index
    %get3A_970 = tpu.vector_load %arg6[%get3A_969] {strides = array<i32>} : memref<3328xi32, #tpu.memory_space<vmem>>, vector<16xi32>,
    %get3A_971 = vector.shape_cast %get3A_970 : vector<16xi32> to vector<16xi32>
    %get3A_972 = arith.constant 1408 : index
    %get3A_973 = tpu.vector_load %arg7[%get3A_972] {strides = array<i32>} : memref<3328xi32, #tpu.memory_space<vmem>>, vector<16xi32>,
    %get3A_974 = vector.shape_cast %get3A_973 : vector<16xi32> to vector<16xi32>
    %add3A_975 = arith.addi %get3A_971, %get3A_974 : vector<16xi32>
    %swap3A_976 = arith.constant 1408 : index
    %swap3A_977 = tpu.vector_load %arg6[%swap3A_976] {strides = array<i32>} : memref<3328xi32, #tpu.memory_space<vmem>>, vector<16xi32>,
    %swap3A_978 = vector.shape_cast %swap3A_977 : vector<16xi32> to vector<16xi32>
    %swap3A_979 = vector.shape_cast %add3A_975 : vector<16xi32> to vector<16xi32>
    tpu.vector_store %arg6[%swap3A_976], %swap3A_979 {strides = array<i32>} : memref<3328xi32, #tpu.memory_space<vmem>>, vector<16xi32>,
    %get3A_980 = arith.constant 1424 : index
    %get3A_981 = tpu.vector_load %arg6[%get3A_980] {strides = array<i32>} : memref<3328xi32, #tpu.memory_space<vmem>>, vector<16xi32>,
    %get3A_982 = vector.shape_cast %get3A_981 : vector<16xi32> to vector<16xi32>
    %get3A_983 = arith.constant 1424 : index
    %get3A_984 = tpu.vector_load %arg7[%get3A_983] {strides = array<i32>} : memref<3328xi32, #tpu.memory_space<vmem>>, vector<16xi32>,
    %get3A_985 = vector.shape_cast %get3A_984 : vector<16xi32> to vector<16xi32>
    %add3A_986 = arith.addi %get3A_982, %get3A_985 : vector<16xi32>
    %swap3A_987 = arith.constant 1424 : index
    %swap3A_988 = tpu.vector_load %arg6[%swap3A_987] {strides = array<i32>} : memref<3328xi32, #tpu.memory_space<vmem>>, vector<16xi32>,
    %swap3A_989 = vector.shape_cast %swap3A_988 : vector<16xi32> to vector<16xi32>
    %swap3A_990 = vector.shape_cast %add3A_986 : vector<16xi32> to vector<16xi32>
    tpu.vector_store %arg6[%swap3A_987], %swap3A_990 {strides = array<i32>} : memref<3328xi32, #tpu.memory_space<vmem>>, vector<16xi32>,
    %get3A_991 = arith.constant 1440 : index
    %get3A_992 = tpu.vector_load %arg6[%get3A_991] {strides = array<i32>} : memref<3328xi32, #tpu.memory_space<vmem>>, vector<16xi32>,
    %get3A_993 = vector.shape_cast %get3A_992 : vector<16xi32> to vector<16xi32>
    %get3A_994 = arith.constant 1440 : index
    %get3A_995 = tpu.vector_load %arg7[%get3A_994] {strides = array<i32>} : memref<3328xi32, #tpu.memory_space<vmem>>, vector<16xi32>,
    %get3A_996 = vector.shape_cast %get3A_995 : vector<16xi32> to vector<16xi32>
    %add3A_997 = arith.addi %get3A_993, %get3A_996 : vector<16xi32>
    %swap3A_998 = arith.constant 1440 : index
    %swap3A_999 = tpu.vector_load %arg6[%swap3A_998] {strides = array<i32>} : memref<3328xi32, #tpu.memory_space<vmem>>, vector<16xi32>,
    %swap3A_1000 = vector.shape_cast %swap3A_999 : vector<16xi32> to vector<16xi32>
    %swap3A_1001 = vector.shape_cast %add3A_997 : vector<16xi32> to vector<16xi32>
    tpu.vector_store %arg6[%swap3A_998], %swap3A_1001 {strides = array<i32>} : memref<3328xi32, #tpu.memory_space<vmem>>, vector<16xi32>,
    %get3A_1002 = arith.constant 1456 : index
    %get3A_1003 = tpu.vector_load %arg6[%get3A_1002] {strides = array<i32>} : memref<3328xi32, #tpu.memory_space<vmem>>, vector<16xi32>,
    %get3A_1004 = vector.shape_cast %get3A_1003 : vector<16xi32> to vector<16xi32>
    %get3A_1005 = arith.constant 1456 : index
    %get3A_1006 = tpu.vector_load %arg7[%get3A_1005] {strides = array<i32>} : memref<3328xi32, #tpu.memory_space<vmem>>, vector<16xi32>,
    %get3A_1007 = vector.shape_cast %get3A_1006 : vector<16xi32> to vector<16xi32>
    %add3A_1008 = arith.addi %get3A_1004, %get3A_1007 : vector<16xi32>
    %swap3A_1009 = arith.constant 1456 : index
    %swap3A_1010 = tpu.vector_load %arg6[%swap3A_1009] {strides = array<i32>} : memref<3328xi32, #tpu.memory_space<vmem>>, vector<16xi32>,
    %swap3A_1011 = vector.shape_cast %swap3A_1010 : vector<16xi32> to vector<16xi32>
    %swap3A_1012 = vector.shape_cast %add3A_1008 : vector<16xi32> to vector<16xi32>
    tpu.vector_store %arg6[%swap3A_1009], %swap3A_1012 {strides = array<i32>} : memref<3328xi32, #tpu.memory_space<vmem>>, vector<16xi32>,
    %get3A_1013 = arith.constant 1472 : index
    %get3A_1014 = tpu.vector_load %arg6[%get3A_1013] {strides = array<i32>} : memref<3328xi32, #tpu.memory_space<vmem>>, vector<16xi32>,
    %get3A_1015 = vector.shape_cast %get3A_1014 : vector<16xi32> to vector<16xi32>
    %get3A_1016 = arith.constant 1472 : index
    %get3A_1017 = tpu.vector_load %arg7[%get3A_1016] {strides = array<i32>} : memref<3328xi32, #tpu.memory_space<vmem>>, vector<16xi32>,
    %get3A_1018 = vector.shape_cast %get3A_1017 : vector<16xi32> to vector<16xi32>
    %add3A_1019 = arith.addi %get3A_1015, %get3A_1018 : vector<16xi32>
    %swap3A_1020 = arith.constant 1472 : index
    %swap3A_1021 = tpu.vector_load %arg6[%swap3A_1020] {strides = array<i32>} : memref<3328xi32, #tpu.memory_space<vmem>>, vector<16xi32>,
    %swap3A_1022 = vector.shape_cast %swap3A_1021 : vector<16xi32> to vector<16xi32>
    %swap3A_1023 = vector.shape_cast %add3A_1019 : vector<16xi32> to vector<16xi32>
    tpu.vector_store %arg6[%swap3A_1020], %swap3A_1023 {strides = array<i32>} : memref<3328xi32, #tpu.memory_space<vmem>>, vector<16xi32>,
    %get3A_1024 = arith.constant 1488 : index
    %get3A_1025 = tpu.vector_load %arg6[%get3A_1024] {strides = array<i32>} : memref<3328xi32, #tpu.memory_space<vmem>>, vector<16xi32>,
    %get3A_1026 = vector.shape_cast %get3A_1025 : vector<16xi32> to vector<16xi32>
    %get3A_1027 = arith.constant 1488 : index
    %get3A_1028 = tpu.vector_load %arg7[%get3A_1027] {strides = array<i32>} : memref<3328xi32, #tpu.memory_space<vmem>>, vector<16xi32>,
    %get3A_1029 = vector.shape_cast %get3A_1028 : vector<16xi32> to vector<16xi32>
    %add3A_1030 = arith.addi %get3A_1026, %get3A_1029 : vector<16xi32>
    %swap3A_1031 = arith.constant 1488 : index
    %swap3A_1032 = tpu.vector_load %arg6[%swap3A_1031] {strides = array<i32>} : memref<3328xi32, #tpu.memory_space<vmem>>, vector<16xi32>,
    %swap3A_1033 = vector.shape_cast %swap3A_1032 : vector<16xi32> to vector<16xi32>
    %swap3A_1034 = vector.shape_cast %add3A_1030 : vector<16xi32> to vector<16xi32>
    tpu.vector_store %arg6[%swap3A_1031], %swap3A_1034 {strides = array<i32>} : memref<3328xi32, #tpu.memory_space<vmem>>, vector<16xi32>,
    %get3A_1035 = arith.constant 1504 : index
    %get3A_1036 = tpu.vector_load %arg6[%get3A_1035] {strides = array<i32>} : memref<3328xi32, #tpu.memory_space<vmem>>, vector<16xi32>,
    %get3A_1037 = vector.shape_cast %get3A_1036 : vector<16xi32> to vector<16xi32>
    %get3A_1038 = arith.constant 1504 : index
    %get3A_1039 = tpu.vector_load %arg7[%get3A_1038] {strides = array<i32>} : memref<3328xi32, #tpu.memory_space<vmem>>, vector<16xi32>,
    %get3A_1040 = vector.shape_cast %get3A_1039 : vector<16xi32> to vector<16xi32>
    %add3A_1041 = arith.addi %get3A_1037, %get3A_1040 : vector<16xi32>
    %swap3A_1042 = arith.constant 1504 : index
    %swap3A_1043 = tpu.vector_load %arg6[%swap3A_1042] {strides = array<i32>} : memref<3328xi32, #tpu.memory_space<vmem>>, vector<16xi32>,
    %swap3A_1044 = vector.shape_cast %swap3A_1043 : vector<16xi32> to vector<16xi32>
    %swap3A_1045 = vector.shape_cast %add3A_1041 : vector<16xi32> to vector<16xi32>
    tpu.vector_store %arg6[%swap3A_1042], %swap3A_1045 {strides = array<i32>} : memref<3328xi32, #tpu.memory_space<vmem>>, vector<16xi32>,
    %get3A_1046 = arith.constant 1520 : index
    %get3A_1047 = tpu.vector_load %arg6[%get3A_1046] {strides = array<i32>} : memref<3328xi32, #tpu.memory_space<vmem>>, vector<16xi32>,
    %get3A_1048 = vector.shape_cast %get3A_1047 : vector<16xi32> to vector<16xi32>
    %get3A_1049 = arith.constant 1520 : index
    %get3A_1050 = tpu.vector_load %arg7[%get3A_1049] {strides = array<i32>} : memref<3328xi32, #tpu.memory_space<vmem>>, vector<16xi32>,
    %get3A_1051 = vector.shape_cast %get3A_1050 : vector<16xi32> to vector<16xi32>
    %add3A_1052 = arith.addi %get3A_1048, %get3A_1051 : vector<16xi32>
    %swap3A_1053 = arith.constant 1520 : index
    %swap3A_1054 = tpu.vector_load %arg6[%swap3A_1053] {strides = array<i32>} : memref<3328xi32, #tpu.memory_space<vmem>>, vector<16xi32>,
    %swap3A_1055 = vector.shape_cast %swap3A_1054 : vector<16xi32> to vector<16xi32>
    %swap3A_1056 = vector.shape_cast %add3A_1052 : vector<16xi32> to vector<16xi32>
    tpu.vector_store %arg6[%swap3A_1053], %swap3A_1056 {strides = array<i32>} : memref<3328xi32, #tpu.memory_space<vmem>>, vector<16xi32>,
    %get3A_1057 = arith.constant 1536 : index
    %get3A_1058 = tpu.vector_load %arg6[%get3A_1057] {strides = array<i32>} : memref<3328xi32, #tpu.memory_space<vmem>>, vector<16xi32>,
    %get3A_1059 = vector.shape_cast %get3A_1058 : vector<16xi32> to vector<16xi32>
    %get3A_1060 = arith.constant 1536 : index
    %get3A_1061 = tpu.vector_load %arg7[%get3A_1060] {strides = array<i32>} : memref<3328xi32, #tpu.memory_space<vmem>>, vector<16xi32>,
    %get3A_1062 = vector.shape_cast %get3A_1061 : vector<16xi32> to vector<16xi32>
    %add3A_1063 = arith.addi %get3A_1059, %get3A_1062 : vector<16xi32>
    %swap3A_1064 = arith.constant 1536 : index
    %swap3A_1065 = tpu.vector_load %arg6[%swap3A_1064] {strides = array<i32>} : memref<3328xi32, #tpu.memory_space<vmem>>, vector<16xi32>,
    %swap3A_1066 = vector.shape_cast %swap3A_1065 : vector<16xi32> to vector<16xi32>
    %swap3A_1067 = vector.shape_cast %add3A_1063 : vector<16xi32> to vector<16xi32>
    tpu.vector_store %arg6[%swap3A_1064], %swap3A_1067 {strides = array<i32>} : memref<3328xi32, #tpu.memory_space<vmem>>, vector<16xi32>,
    %get3A_1068 = arith.constant 1552 : index
    %get3A_1069 = tpu.vector_load %arg6[%get3A_1068] {strides = array<i32>} : memref<3328xi32, #tpu.memory_space<vmem>>, vector<16xi32>,
    %get3A_1070 = vector.shape_cast %get3A_1069 : vector<16xi32> to vector<16xi32>
    %get3A_1071 = arith.constant 1552 : index
    %get3A_1072 = tpu.vector_load %arg7[%get3A_1071] {strides = array<i32>} : memref<3328xi32, #tpu.memory_space<vmem>>, vector<16xi32>,
    %get3A_1073 = vector.shape_cast %get3A_1072 : vector<16xi32> to vector<16xi32>
    %add3A_1074 = arith.addi %get3A_1070, %get3A_1073 : vector<16xi32>
    %swap3A_1075 = arith.constant 1552 : index
    %swap3A_1076 = tpu.vector_load %arg6[%swap3A_1075] {strides = array<i32>} : memref<3328xi32, #tpu.memory_space<vmem>>, vector<16xi32>,
    %swap3A_1077 = vector.shape_cast %swap3A_1076 : vector<16xi32> to vector<16xi32>
    %swap3A_1078 = vector.shape_cast %add3A_1074 : vector<16xi32> to vector<16xi32>
    tpu.vector_store %arg6[%swap3A_1075], %swap3A_1078 {strides = array<i32>} : memref<3328xi32, #tpu.memory_space<vmem>>, vector<16xi32>,
    %get3A_1079 = arith.constant 1568 : index
    %get3A_1080 = tpu.vector_load %arg6[%get3A_1079] {strides = array<i32>} : memref<3328xi32, #tpu.memory_space<vmem>>, vector<16xi32>,
    %get3A_1081 = vector.shape_cast %get3A_1080 : vector<16xi32> to vector<16xi32>
    %get3A_1082 = arith.constant 1568 : index
    %get3A_1083 = tpu.vector_load %arg7[%get3A_1082] {strides = array<i32>} : memref<3328xi32, #tpu.memory_space<vmem>>, vector<16xi32>,
    %get3A_1084 = vector.shape_cast %get3A_1083 : vector<16xi32> to vector<16xi32>
    %add3A_1085 = arith.addi %get3A_1081, %get3A_1084 : vector<16xi32>
    %swap3A_1086 = arith.constant 1568 : index
    %swap3A_1087 = tpu.vector_load %arg6[%swap3A_1086] {strides = array<i32>} : memref<3328xi32, #tpu.memory_space<vmem>>, vector<16xi32>,
    %swap3A_1088 = vector.shape_cast %swap3A_1087 : vector<16xi32> to vector<16xi32>
    %swap3A_1089 = vector.shape_cast %add3A_1085 : vector<16xi32> to vector<16xi32>
    tpu.vector_store %arg6[%swap3A_1086], %swap3A_1089 {strides = array<i32>} : memref<3328xi32, #tpu.memory_space<vmem>>, vector<16xi32>,
    %get3A_1090 = arith.constant 1584 : index
    %get3A_1091 = tpu.vector_load %arg6[%get3A_1090] {strides = array<i32>} : memref<3328xi32, #tpu.memory_space<vmem>>, vector<16xi32>,
    %get3A_1092 = vector.shape_cast %get3A_1091 : vector<16xi32> to vector<16xi32>
    %get3A_1093 = arith.constant 1584 : index
    %get3A_1094 = tpu.vector_load %arg7[%get3A_1093] {strides = array<i32>} : memref<3328xi32, #tpu.memory_space<vmem>>, vector<16xi32>,
    %get3A_1095 = vector.shape_cast %get3A_1094 : vector<16xi32> to vector<16xi32>
    %add3A_1096 = arith.addi %get3A_1092, %get3A_1095 : vector<16xi32>
    %swap3A_1097 = arith.constant 1584 : index
    %swap3A_1098 = tpu.vector_load %arg6[%swap3A_1097] {strides = array<i32>} : memref<3328xi32, #tpu.memory_space<vmem>>, vector<16xi32>,
    %swap3A_1099 = vector.shape_cast %swap3A_1098 : vector<16xi32> to vector<16xi32>
    %swap3A_1100 = vector.shape_cast %add3A_1096 : vector<16xi32> to vector<16xi32>
    tpu.vector_store %arg6[%swap3A_1097], %swap3A_1100 {strides = array<i32>} : memref<3328xi32, #tpu.memory_space<vmem>>, vector<16xi32>,
    %get3A_1101 = arith.constant 1600 : index
    %get3A_1102 = tpu.vector_load %arg6[%get3A_1101] {strides = array<i32>} : memref<3328xi32, #tpu.memory_space<vmem>>, vector<16xi32>,
    %get3A_1103 = vector.shape_cast %get3A_1102 : vector<16xi32> to vector<16xi32>
    %get3A_1104 = arith.constant 1600 : index
    %get3A_1105 = tpu.vector_load %arg7[%get3A_1104] {strides = array<i32>} : memref<3328xi32, #tpu.memory_space<vmem>>, vector<16xi32>,
    %get3A_1106 = vector.shape_cast %get3A_1105 : vector<16xi32> to vector<16xi32>
    %add3A_1107 = arith.addi %get3A_1103, %get3A_1106 : vector<16xi32>
    %swap3A_1108 = arith.constant 1600 : index
    %swap3A_1109 = tpu.vector_load %arg6[%swap3A_1108] {strides = array<i32>} : memref<3328xi32, #tpu.memory_space<vmem>>, vector<16xi32>,
    %swap3A_1110 = vector.shape_cast %swap3A_1109 : vector<16xi32> to vector<16xi32>
    %swap3A_1111 = vector.shape_cast %add3A_1107 : vector<16xi32> to vector<16xi32>
    tpu.vector_store %arg6[%swap3A_1108], %swap3A_1111 {strides = array<i32>} : memref<3328xi32, #tpu.memory_space<vmem>>, vector<16xi32>,
    %get3A_1112 = arith.constant 1616 : index
    %get3A_1113 = tpu.vector_load %arg6[%get3A_1112] {strides = array<i32>} : memref<3328xi32, #tpu.memory_space<vmem>>, vector<16xi32>,
    %get3A_1114 = vector.shape_cast %get3A_1113 : vector<16xi32> to vector<16xi32>
    %get3A_1115 = arith.constant 1616 : index
    %get3A_1116 = tpu.vector_load %arg7[%get3A_1115] {strides = array<i32>} : memref<3328xi32, #tpu.memory_space<vmem>>, vector<16xi32>,
    %get3A_1117 = vector.shape_cast %get3A_1116 : vector<16xi32> to vector<16xi32>
    %add3A_1118 = arith.addi %get3A_1114, %get3A_1117 : vector<16xi32>
    %swap3A_1119 = arith.constant 1616 : index
    %swap3A_1120 = tpu.vector_load %arg6[%swap3A_1119] {strides = array<i32>} : memref<3328xi32, #tpu.memory_space<vmem>>, vector<16xi32>,
    %swap3A_1121 = vector.shape_cast %swap3A_1120 : vector<16xi32> to vector<16xi32>
    %swap3A_1122 = vector.shape_cast %add3A_1118 : vector<16xi32> to vector<16xi32>
    tpu.vector_store %arg6[%swap3A_1119], %swap3A_1122 {strides = array<i32>} : memref<3328xi32, #tpu.memory_space<vmem>>, vector<16xi32>,
    %get3A_1123 = arith.constant 1632 : index
    %get3A_1124 = tpu.vector_load %arg6[%get3A_1123] {strides = array<i32>} : memref<3328xi32, #tpu.memory_space<vmem>>, vector<16xi32>,
    %get3A_1125 = vector.shape_cast %get3A_1124 : vector<16xi32> to vector<16xi32>
    %get3A_1126 = arith.constant 1632 : index
    %get3A_1127 = tpu.vector_load %arg7[%get3A_1126] {strides = array<i32>} : memref<3328xi32, #tpu.memory_space<vmem>>, vector<16xi32>,
    %get3A_1128 = vector.shape_cast %get3A_1127 : vector<16xi32> to vector<16xi32>
    %add3A_1129 = arith.addi %get3A_1125, %get3A_1128 : vector<16xi32>
    %swap3A_1130 = arith.constant 1632 : index
    %swap3A_1131 = tpu.vector_load %arg6[%swap3A_1130] {strides = array<i32>} : memref<3328xi32, #tpu.memory_space<vmem>>, vector<16xi32>,
    %swap3A_1132 = vector.shape_cast %swap3A_1131 : vector<16xi32> to vector<16xi32>
    %swap3A_1133 = vector.shape_cast %add3A_1129 : vector<16xi32> to vector<16xi32>
    tpu.vector_store %arg6[%swap3A_1130], %swap3A_1133 {strides = array<i32>} : memref<3328xi32, #tpu.memory_space<vmem>>, vector<16xi32>,
    %get3A_1134 = arith.constant 1648 : index
    %get3A_1135 = tpu.vector_load %arg6[%get3A_1134] {strides = array<i32>} : memref<3328xi32, #tpu.memory_space<vmem>>, vector<16xi32>,
    %get3A_1136 = vector.shape_cast %get3A_1135 : vector<16xi32> to vector<16xi32>
    %get3A_1137 = arith.constant 1648 : index
    %get3A_1138 = tpu.vector_load %arg7[%get3A_1137] {strides = array<i32>} : memref<3328xi32, #tpu.memory_space<vmem>>, vector<16xi32>,
    %get3A_1139 = vector.shape_cast %get3A_1138 : vector<16xi32> to vector<16xi32>
    %add3A_1140 = arith.addi %get3A_1136, %get3A_1139 : vector<16xi32>
    %swap3A_1141 = arith.constant 1648 : index
    %swap3A_1142 = tpu.vector_load %arg6[%swap3A_1141] {strides = array<i32>} : memref<3328xi32, #tpu.memory_space<vmem>>, vector<16xi32>,
    %swap3A_1143 = vector.shape_cast %swap3A_1142 : vector<16xi32> to vector<16xi32>
    %swap3A_1144 = vector.shape_cast %add3A_1140 : vector<16xi32> to vector<16xi32>
    tpu.vector_store %arg6[%swap3A_1141], %swap3A_1144 {strides = array<i32>} : memref<3328xi32, #tpu.memory_space<vmem>>, vector<16xi32>,
    %get3A_1145 = arith.constant 1664 : index
    %get3A_1146 = tpu.vector_load %arg6[%get3A_1145] {strides = array<i32>} : memref<3328xi32, #tpu.memory_space<vmem>>, vector<16xi32>,
    %get3A_1147 = vector.shape_cast %get3A_1146 : vector<16xi32> to vector<16xi32>
    %get3A_1148 = arith.constant 1664 : index
    %get3A_1149 = tpu.vector_load %arg7[%get3A_1148] {strides = array<i32>} : memref<3328xi32, #tpu.memory_space<vmem>>, vector<16xi32>,
    %get3A_1150 = vector.shape_cast %get3A_1149 : vector<16xi32> to vector<16xi32>
    %add3A_1151 = arith.addi %get3A_1147, %get3A_1150 : vector<16xi32>
    %swap3A_1152 = arith.constant 1664 : index
    %swap3A_1153 = tpu.vector_load %arg6[%swap3A_1152] {strides = array<i32>} : memref<3328xi32, #tpu.memory_space<vmem>>, vector<16xi32>,
    %swap3A_1154 = vector.shape_cast %swap3A_1153 : vector<16xi32> to vector<16xi32>
    %swap3A_1155 = vector.shape_cast %add3A_1151 : vector<16xi32> to vector<16xi32>
    tpu.vector_store %arg6[%swap3A_1152], %swap3A_1155 {strides = array<i32>} : memref<3328xi32, #tpu.memory_space<vmem>>, vector<16xi32>,
    %get3A_1156 = arith.constant 1680 : index
    %get3A_1157 = tpu.vector_load %arg6[%get3A_1156] {strides = array<i32>} : memref<3328xi32, #tpu.memory_space<vmem>>, vector<16xi32>,
    %get3A_1158 = vector.shape_cast %get3A_1157 : vector<16xi32> to vector<16xi32>
    %get3A_1159 = arith.constant 1680 : index
    %get3A_1160 = tpu.vector_load %arg7[%get3A_1159] {strides = array<i32>} : memref<3328xi32, #tpu.memory_space<vmem>>, vector<16xi32>,
    %get3A_1161 = vector.shape_cast %get3A_1160 : vector<16xi32> to vector<16xi32>
    %add3A_1162 = arith.addi %get3A_1158, %get3A_1161 : vector<16xi32>
    %swap3A_1163 = arith.constant 1680 : index
    %swap3A_1164 = tpu.vector_load %arg6[%swap3A_1163] {strides = array<i32>} : memref<3328xi32, #tpu.memory_space<vmem>>, vector<16xi32>,
    %swap3A_1165 = vector.shape_cast %swap3A_1164 : vector<16xi32> to vector<16xi32>
    %swap3A_1166 = vector.shape_cast %add3A_1162 : vector<16xi32> to vector<16xi32>
    tpu.vector_store %arg6[%swap3A_1163], %swap3A_1166 {strides = array<i32>} : memref<3328xi32, #tpu.memory_space<vmem>>, vector<16xi32>,
    %get3A_1167 = arith.constant 1696 : index
    %get3A_1168 = tpu.vector_load %arg6[%get3A_1167] {strides = array<i32>} : memref<3328xi32, #tpu.memory_space<vmem>>, vector<16xi32>,
    %get3A_1169 = vector.shape_cast %get3A_1168 : vector<16xi32> to vector<16xi32>
    %get3A_1170 = arith.constant 1696 : index
    %get3A_1171 = tpu.vector_load %arg7[%get3A_1170] {strides = array<i32>} : memref<3328xi32, #tpu.memory_space<vmem>>, vector<16xi32>,
    %get3A_1172 = vector.shape_cast %get3A_1171 : vector<16xi32> to vector<16xi32>
    %add3A_1173 = arith.addi %get3A_1169, %get3A_1172 : vector<16xi32>
    %swap3A_1174 = arith.constant 1696 : index
    %swap3A_1175 = tpu.vector_load %arg6[%swap3A_1174] {strides = array<i32>} : memref<3328xi32, #tpu.memory_space<vmem>>, vector<16xi32>,
    %swap3A_1176 = vector.shape_cast %swap3A_1175 : vector<16xi32> to vector<16xi32>
    %swap3A_1177 = vector.shape_cast %add3A_1173 : vector<16xi32> to vector<16xi32>
    tpu.vector_store %arg6[%swap3A_1174], %swap3A_1177 {strides = array<i32>} : memref<3328xi32, #tpu.memory_space<vmem>>, vector<16xi32>,
    %get3A_1178 = arith.constant 1712 : index
    %get3A_1179 = tpu.vector_load %arg6[%get3A_1178] {strides = array<i32>} : memref<3328xi32, #tpu.memory_space<vmem>>, vector<16xi32>,
    %get3A_1180 = vector.shape_cast %get3A_1179 : vector<16xi32> to vector<16xi32>
    %get3A_1181 = arith.constant 1712 : index
    %get3A_1182 = tpu.vector_load %arg7[%get3A_1181] {strides = array<i32>} : memref<3328xi32, #tpu.memory_space<vmem>>, vector<16xi32>,
    %get3A_1183 = vector.shape_cast %get3A_1182 : vector<16xi32> to vector<16xi32>
    %add3A_1184 = arith.addi %get3A_1180, %get3A_1183 : vector<16xi32>
    %swap3A_1185 = arith.constant 1712 : index
    %swap3A_1186 = tpu.vector_load %arg6[%swap3A_1185] {strides = array<i32>} : memref<3328xi32, #tpu.memory_space<vmem>>, vector<16xi32>,
    %swap3A_1187 = vector.shape_cast %swap3A_1186 : vector<16xi32> to vector<16xi32>
    %swap3A_1188 = vector.shape_cast %add3A_1184 : vector<16xi32> to vector<16xi32>
    tpu.vector_store %arg6[%swap3A_1185], %swap3A_1188 {strides = array<i32>} : memref<3328xi32, #tpu.memory_space<vmem>>, vector<16xi32>,
    %get3A_1189 = arith.constant 1728 : index
    %get3A_1190 = tpu.vector_load %arg6[%get3A_1189] {strides = array<i32>} : memref<3328xi32, #tpu.memory_space<vmem>>, vector<16xi32>,
    %get3A_1191 = vector.shape_cast %get3A_1190 : vector<16xi32> to vector<16xi32>
    %get3A_1192 = arith.constant 1728 : index
    %get3A_1193 = tpu.vector_load %arg7[%get3A_1192] {strides = array<i32>} : memref<3328xi32, #tpu.memory_space<vmem>>, vector<16xi32>,
    %get3A_1194 = vector.shape_cast %get3A_1193 : vector<16xi32> to vector<16xi32>
    %add3A_1195 = arith.addi %get3A_1191, %get3A_1194 : vector<16xi32>
    %swap3A_1196 = arith.constant 1728 : index
    %swap3A_1197 = tpu.vector_load %arg6[%swap3A_1196] {strides = array<i32>} : memref<3328xi32, #tpu.memory_space<vmem>>, vector<16xi32>,
    %swap3A_1198 = vector.shape_cast %swap3A_1197 : vector<16xi32> to vector<16xi32>
    %swap3A_1199 = vector.shape_cast %add3A_1195 : vector<16xi32> to vector<16xi32>
    tpu.vector_store %arg6[%swap3A_1196], %swap3A_1199 {strides = array<i32>} : memref<3328xi32, #tpu.memory_space<vmem>>, vector<16xi32>,
    %get3A_1200 = arith.constant 1744 : index
    %get3A_1201 = tpu.vector_load %arg6[%get3A_1200] {strides = array<i32>} : memref<3328xi32, #tpu.memory_space<vmem>>, vector<16xi32>,
    %get3A_1202 = vector.shape_cast %get3A_1201 : vector<16xi32> to vector<16xi32>
    %get3A_1203 = arith.constant 1744 : index
    %get3A_1204 = tpu.vector_load %arg7[%get3A_1203] {strides = array<i32>} : memref<3328xi32, #tpu.memory_space<vmem>>, vector<16xi32>,
    %get3A_1205 = vector.shape_cast %get3A_1204 : vector<16xi32> to vector<16xi32>
    %add3A_1206 = arith.addi %get3A_1202, %get3A_1205 : vector<16xi32>
    %swap3A_1207 = arith.constant 1744 : index
    %swap3A_1208 = tpu.vector_load %arg6[%swap3A_1207] {strides = array<i32>} : memref<3328xi32, #tpu.memory_space<vmem>>, vector<16xi32>,
    %swap3A_1209 = vector.shape_cast %swap3A_1208 : vector<16xi32> to vector<16xi32>
    %swap3A_1210 = vector.shape_cast %add3A_1206 : vector<16xi32> to vector<16xi32>
    tpu.vector_store %arg6[%swap3A_1207], %swap3A_1210 {strides = array<i32>} : memref<3328xi32, #tpu.memory_space<vmem>>, vector<16xi32>,
    %get3A_1211 = arith.constant 1760 : index
    %get3A_1212 = tpu.vector_load %arg6[%get3A_1211] {strides = array<i32>} : memref<3328xi32, #tpu.memory_space<vmem>>, vector<16xi32>,
    %get3A_1213 = vector.shape_cast %get3A_1212 : vector<16xi32> to vector<16xi32>
    %get3A_1214 = arith.constant 1760 : index
    %get3A_1215 = tpu.vector_load %arg7[%get3A_1214] {strides = array<i32>} : memref<3328xi32, #tpu.memory_space<vmem>>, vector<16xi32>,
    %get3A_1216 = vector.shape_cast %get3A_1215 : vector<16xi32> to vector<16xi32>
    %add3A_1217 = arith.addi %get3A_1213, %get3A_1216 : vector<16xi32>
    %swap3A_1218 = arith.constant 1760 : index
    %swap3A_1219 = tpu.vector_load %arg6[%swap3A_1218] {strides = array<i32>} : memref<3328xi32, #tpu.memory_space<vmem>>, vector<16xi32>,
    %swap3A_1220 = vector.shape_cast %swap3A_1219 : vector<16xi32> to vector<16xi32>
    %swap3A_1221 = vector.shape_cast %add3A_1217 : vector<16xi32> to vector<16xi32>
    tpu.vector_store %arg6[%swap3A_1218], %swap3A_1221 {strides = array<i32>} : memref<3328xi32, #tpu.memory_space<vmem>>, vector<16xi32>,
    %get3A_1222 = arith.constant 1776 : index
    %get3A_1223 = tpu.vector_load %arg6[%get3A_1222] {strides = array<i32>} : memref<3328xi32, #tpu.memory_space<vmem>>, vector<16xi32>,
    %get3A_1224 = vector.shape_cast %get3A_1223 : vector<16xi32> to vector<16xi32>
    %get3A_1225 = arith.constant 1776 : index
    %get3A_1226 = tpu.vector_load %arg7[%get3A_1225] {strides = array<i32>} : memref<3328xi32, #tpu.memory_space<vmem>>, vector<16xi32>,
    %get3A_1227 = vector.shape_cast %get3A_1226 : vector<16xi32> to vector<16xi32>
    %add3A_1228 = arith.addi %get3A_1224, %get3A_1227 : vector<16xi32>
    %swap3A_1229 = arith.constant 1776 : index
    %swap3A_1230 = tpu.vector_load %arg6[%swap3A_1229] {strides = array<i32>} : memref<3328xi32, #tpu.memory_space<vmem>>, vector<16xi32>,
    %swap3A_1231 = vector.shape_cast %swap3A_1230 : vector<16xi32> to vector<16xi32>
    %swap3A_1232 = vector.shape_cast %add3A_1228 : vector<16xi32> to vector<16xi32>
    tpu.vector_store %arg6[%swap3A_1229], %swap3A_1232 {strides = array<i32>} : memref<3328xi32, #tpu.memory_space<vmem>>, vector<16xi32>,
    %get3A_1233 = arith.constant 1792 : index
    %get3A_1234 = tpu.vector_load %arg6[%get3A_1233] {strides = array<i32>} : memref<3328xi32, #tpu.memory_space<vmem>>, vector<16xi32>,
    %get3A_1235 = vector.shape_cast %get3A_1234 : vector<16xi32> to vector<16xi32>
    %get3A_1236 = arith.constant 1792 : index
    %get3A_1237 = tpu.vector_load %arg7[%get3A_1236] {strides = array<i32>} : memref<3328xi32, #tpu.memory_space<vmem>>, vector<16xi32>,
    %get3A_1238 = vector.shape_cast %get3A_1237 : vector<16xi32> to vector<16xi32>
    %add3A_1239 = arith.addi %get3A_1235, %get3A_1238 : vector<16xi32>
    %swap3A_1240 = arith.constant 1792 : index
    %swap3A_1241 = tpu.vector_load %arg6[%swap3A_1240] {strides = array<i32>} : memref<3328xi32, #tpu.memory_space<vmem>>, vector<16xi32>,
    %swap3A_1242 = vector.shape_cast %swap3A_1241 : vector<16xi32> to vector<16xi32>
    %swap3A_1243 = vector.shape_cast %add3A_1239 : vector<16xi32> to vector<16xi32>
    tpu.vector_store %arg6[%swap3A_1240], %swap3A_1243 {strides = array<i32>} : memref<3328xi32, #tpu.memory_space<vmem>>, vector<16xi32>,
    %get3A_1244 = arith.constant 1808 : index
    %get3A_1245 = tpu.vector_load %arg6[%get3A_1244] {strides = array<i32>} : memref<3328xi32, #tpu.memory_space<vmem>>, vector<16xi32>,
    %get3A_1246 = vector.shape_cast %get3A_1245 : vector<16xi32> to vector<16xi32>
    %get3A_1247 = arith.constant 1808 : index
    %get3A_1248 = tpu.vector_load %arg7[%get3A_1247] {strides = array<i32>} : memref<3328xi32, #tpu.memory_space<vmem>>, vector<16xi32>,
    %get3A_1249 = vector.shape_cast %get3A_1248 : vector<16xi32> to vector<16xi32>
    %add3A_1250 = arith.addi %get3A_1246, %get3A_1249 : vector<16xi32>
    %swap3A_1251 = arith.constant 1808 : index
    %swap3A_1252 = tpu.vector_load %arg6[%swap3A_1251] {strides = array<i32>} : memref<3328xi32, #tpu.memory_space<vmem>>, vector<16xi32>,
    %swap3A_1253 = vector.shape_cast %swap3A_1252 : vector<16xi32> to vector<16xi32>
    %swap3A_1254 = vector.shape_cast %add3A_1250 : vector<16xi32> to vector<16xi32>
    tpu.vector_store %arg6[%swap3A_1251], %swap3A_1254 {strides = array<i32>} : memref<3328xi32, #tpu.memory_space<vmem>>, vector<16xi32>,
    %get3A_1255 = arith.constant 1824 : index
    %get3A_1256 = tpu.vector_load %arg6[%get3A_1255] {strides = array<i32>} : memref<3328xi32, #tpu.memory_space<vmem>>, vector<16xi32>,
    %get3A_1257 = vector.shape_cast %get3A_1256 : vector<16xi32> to vector<16xi32>
    %get3A_1258 = arith.constant 1824 : index
    %get3A_1259 = tpu.vector_load %arg7[%get3A_1258] {strides = array<i32>} : memref<3328xi32, #tpu.memory_space<vmem>>, vector<16xi32>,
    %get3A_1260 = vector.shape_cast %get3A_1259 : vector<16xi32> to vector<16xi32>
    %add3A_1261 = arith.addi %get3A_1257, %get3A_1260 : vector<16xi32>
    %swap3A_1262 = arith.constant 1824 : index
    %swap3A_1263 = tpu.vector_load %arg6[%swap3A_1262] {strides = array<i32>} : memref<3328xi32, #tpu.memory_space<vmem>>, vector<16xi32>,
    %swap3A_1264 = vector.shape_cast %swap3A_1263 : vector<16xi32> to vector<16xi32>
    %swap3A_1265 = vector.shape_cast %add3A_1261 : vector<16xi32> to vector<16xi32>
    tpu.vector_store %arg6[%swap3A_1262], %swap3A_1265 {strides = array<i32>} : memref<3328xi32, #tpu.memory_space<vmem>>, vector<16xi32>,
    %get3A_1266 = arith.constant 1840 : index
    %get3A_1267 = tpu.vector_load %arg6[%get3A_1266] {strides = array<i32>} : memref<3328xi32, #tpu.memory_space<vmem>>, vector<16xi32>,
    %get3A_1268 = vector.shape_cast %get3A_1267 : vector<16xi32> to vector<16xi32>
    %get3A_1269 = arith.constant 1840 : index
    %get3A_1270 = tpu.vector_load %arg7[%get3A_1269] {strides = array<i32>} : memref<3328xi32, #tpu.memory_space<vmem>>, vector<16xi32>,
    %get3A_1271 = vector.shape_cast %get3A_1270 : vector<16xi32> to vector<16xi32>
    %add3A_1272 = arith.addi %get3A_1268, %get3A_1271 : vector<16xi32>
    %swap3A_1273 = arith.constant 1840 : index
    %swap3A_1274 = tpu.vector_load %arg6[%swap3A_1273] {strides = array<i32>} : memref<3328xi32, #tpu.memory_space<vmem>>, vector<16xi32>,
    %swap3A_1275 = vector.shape_cast %swap3A_1274 : vector<16xi32> to vector<16xi32>
    %swap3A_1276 = vector.shape_cast %add3A_1272 : vector<16xi32> to vector<16xi32>
    tpu.vector_store %arg6[%swap3A_1273], %swap3A_1276 {strides = array<i32>} : memref<3328xi32, #tpu.memory_space<vmem>>, vector<16xi32>,
    %get3A_1277 = arith.constant 1856 : index
    %get3A_1278 = tpu.vector_load %arg6[%get3A_1277] {strides = array<i32>} : memref<3328xi32, #tpu.memory_space<vmem>>, vector<16xi32>,
    %get3A_1279 = vector.shape_cast %get3A_1278 : vector<16xi32> to vector<16xi32>
    %get3A_1280 = arith.constant 1856 : index
    %get3A_1281 = tpu.vector_load %arg7[%get3A_1280] {strides = array<i32>} : memref<3328xi32, #tpu.memory_space<vmem>>, vector<16xi32>,
    %get3A_1282 = vector.shape_cast %get3A_1281 : vector<16xi32> to vector<16xi32>
    %add3A_1283 = arith.addi %get3A_1279, %get3A_1282 : vector<16xi32>
    %swap3A_1284 = arith.constant 1856 : index
    %swap3A_1285 = tpu.vector_load %arg6[%swap3A_1284] {strides = array<i32>} : memref<3328xi32, #tpu.memory_space<vmem>>, vector<16xi32>,
    %swap3A_1286 = vector.shape_cast %swap3A_1285 : vector<16xi32> to vector<16xi32>
    %swap3A_1287 = vector.shape_cast %add3A_1283 : vector<16xi32> to vector<16xi32>
    tpu.vector_store %arg6[%swap3A_1284], %swap3A_1287 {strides = array<i32>} : memref<3328xi32, #tpu.memory_space<vmem>>, vector<16xi32>,
    %get3A_1288 = arith.constant 1872 : index
    %get3A_1289 = tpu.vector_load %arg6[%get3A_1288] {strides = array<i32>} : memref<3328xi32, #tpu.memory_space<vmem>>, vector<16xi32>,
    %get3A_1290 = vector.shape_cast %get3A_1289 : vector<16xi32> to vector<16xi32>
    %get3A_1291 = arith.constant 1872 : index
    %get3A_1292 = tpu.vector_load %arg7[%get3A_1291] {strides = array<i32>} : memref<3328xi32, #tpu.memory_space<vmem>>, vector<16xi32>,
    %get3A_1293 = vector.shape_cast %get3A_1292 : vector<16xi32> to vector<16xi32>
    %add3A_1294 = arith.addi %get3A_1290, %get3A_1293 : vector<16xi32>
    %swap3A_1295 = arith.constant 1872 : index
    %swap3A_1296 = tpu.vector_load %arg6[%swap3A_1295] {strides = array<i32>} : memref<3328xi32, #tpu.memory_space<vmem>>, vector<16xi32>,
    %swap3A_1297 = vector.shape_cast %swap3A_1296 : vector<16xi32> to vector<16xi32>
    %swap3A_1298 = vector.shape_cast %add3A_1294 : vector<16xi32> to vector<16xi32>
    tpu.vector_store %arg6[%swap3A_1295], %swap3A_1298 {strides = array<i32>} : memref<3328xi32, #tpu.memory_space<vmem>>, vector<16xi32>,
    %get3A_1299 = arith.constant 1888 : index
    %get3A_1300 = tpu.vector_load %arg6[%get3A_1299] {strides = array<i32>} : memref<3328xi32, #tpu.memory_space<vmem>>, vector<16xi32>,
    %get3A_1301 = vector.shape_cast %get3A_1300 : vector<16xi32> to vector<16xi32>
    %get3A_1302 = arith.constant 1888 : index
    %get3A_1303 = tpu.vector_load %arg7[%get3A_1302] {strides = array<i32>} : memref<3328xi32, #tpu.memory_space<vmem>>, vector<16xi32>,
    %get3A_1304 = vector.shape_cast %get3A_1303 : vector<16xi32> to vector<16xi32>
    %add3A_1305 = arith.addi %get3A_1301, %get3A_1304 : vector<16xi32>
    %swap3A_1306 = arith.constant 1888 : index
    %swap3A_1307 = tpu.vector_load %arg6[%swap3A_1306] {strides = array<i32>} : memref<3328xi32, #tpu.memory_space<vmem>>, vector<16xi32>,
    %swap3A_1308 = vector.shape_cast %swap3A_1307 : vector<16xi32> to vector<16xi32>
    %swap3A_1309 = vector.shape_cast %add3A_1305 : vector<16xi32> to vector<16xi32>
    tpu.vector_store %arg6[%swap3A_1306], %swap3A_1309 {strides = array<i32>} : memref<3328xi32, #tpu.memory_space<vmem>>, vector<16xi32>,
    %get3A_1310 = arith.constant 1904 : index
    %get3A_1311 = tpu.vector_load %arg6[%get3A_1310] {strides = array<i32>} : memref<3328xi32, #tpu.memory_space<vmem>>, vector<16xi32>,
    %get3A_1312 = vector.shape_cast %get3A_1311 : vector<16xi32> to vector<16xi32>
    %get3A_1313 = arith.constant 1904 : index
    %get3A_1314 = tpu.vector_load %arg7[%get3A_1313] {strides = array<i32>} : memref<3328xi32, #tpu.memory_space<vmem>>, vector<16xi32>,
    %get3A_1315 = vector.shape_cast %get3A_1314 : vector<16xi32> to vector<16xi32>
    %add3A_1316 = arith.addi %get3A_1312, %get3A_1315 : vector<16xi32>
    %swap3A_1317 = arith.constant 1904 : index
    %swap3A_1318 = tpu.vector_load %arg6[%swap3A_1317] {strides = array<i32>} : memref<3328xi32, #tpu.memory_space<vmem>>, vector<16xi32>,
    %swap3A_1319 = vector.shape_cast %swap3A_1318 : vector<16xi32> to vector<16xi32>
    %swap3A_1320 = vector.shape_cast %add3A_1316 : vector<16xi32> to vector<16xi32>
    tpu.vector_store %arg6[%swap3A_1317], %swap3A_1320 {strides = array<i32>} : memref<3328xi32, #tpu.memory_space<vmem>>, vector<16xi32>,
    %get3A_1321 = arith.constant 1920 : index
    %get3A_1322 = tpu.vector_load %arg6[%get3A_1321] {strides = array<i32>} : memref<3328xi32, #tpu.memory_space<vmem>>, vector<16xi32>,
    %get3A_1323 = vector.shape_cast %get3A_1322 : vector<16xi32> to vector<16xi32>
    %get3A_1324 = arith.constant 1920 : index
    %get3A_1325 = tpu.vector_load %arg7[%get3A_1324] {strides = array<i32>} : memref<3328xi32, #tpu.memory_space<vmem>>, vector<16xi32>,
    %get3A_1326 = vector.shape_cast %get3A_1325 : vector<16xi32> to vector<16xi32>
    %add3A_1327 = arith.addi %get3A_1323, %get3A_1326 : vector<16xi32>
    %swap3A_1328 = arith.constant 1920 : index
    %swap3A_1329 = tpu.vector_load %arg6[%swap3A_1328] {strides = array<i32>} : memref<3328xi32, #tpu.memory_space<vmem>>, vector<16xi32>,
    %swap3A_1330 = vector.shape_cast %swap3A_1329 : vector<16xi32> to vector<16xi32>
    %swap3A_1331 = vector.shape_cast %add3A_1327 : vector<16xi32> to vector<16xi32>
    tpu.vector_store %arg6[%swap3A_1328], %swap3A_1331 {strides = array<i32>} : memref<3328xi32, #tpu.memory_space<vmem>>, vector<16xi32>,
    %get3A_1332 = arith.constant 1936 : index
    %get3A_1333 = tpu.vector_load %arg6[%get3A_1332] {strides = array<i32>} : memref<3328xi32, #tpu.memory_space<vmem>>, vector<16xi32>,
    %get3A_1334 = vector.shape_cast %get3A_1333 : vector<16xi32> to vector<16xi32>
    %get3A_1335 = arith.constant 1936 : index
    %get3A_1336 = tpu.vector_load %arg7[%get3A_1335] {strides = array<i32>} : memref<3328xi32, #tpu.memory_space<vmem>>, vector<16xi32>,
    %get3A_1337 = vector.shape_cast %get3A_1336 : vector<16xi32> to vector<16xi32>
    %add3A_1338 = arith.addi %get3A_1334, %get3A_1337 : vector<16xi32>
    %swap3A_1339 = arith.constant 1936 : index
    %swap3A_1340 = tpu.vector_load %arg6[%swap3A_1339] {strides = array<i32>} : memref<3328xi32, #tpu.memory_space<vmem>>, vector<16xi32>,
    %swap3A_1341 = vector.shape_cast %swap3A_1340 : vector<16xi32> to vector<16xi32>
    %swap3A_1342 = vector.shape_cast %add3A_1338 : vector<16xi32> to vector<16xi32>
    tpu.vector_store %arg6[%swap3A_1339], %swap3A_1342 {strides = array<i32>} : memref<3328xi32, #tpu.memory_space<vmem>>, vector<16xi32>,
    %get3A_1343 = arith.constant 1952 : index
    %get3A_1344 = tpu.vector_load %arg6[%get3A_1343] {strides = array<i32>} : memref<3328xi32, #tpu.memory_space<vmem>>, vector<16xi32>,
    %get3A_1345 = vector.shape_cast %get3A_1344 : vector<16xi32> to vector<16xi32>
    %get3A_1346 = arith.constant 1952 : index
    %get3A_1347 = tpu.vector_load %arg7[%get3A_1346] {strides = array<i32>} : memref<3328xi32, #tpu.memory_space<vmem>>, vector<16xi32>,
    %get3A_1348 = vector.shape_cast %get3A_1347 : vector<16xi32> to vector<16xi32>
    %add3A_1349 = arith.addi %get3A_1345, %get3A_1348 : vector<16xi32>
    %swap3A_1350 = arith.constant 1952 : index
    %swap3A_1351 = tpu.vector_load %arg6[%swap3A_1350] {strides = array<i32>} : memref<3328xi32, #tpu.memory_space<vmem>>, vector<16xi32>,
    %swap3A_1352 = vector.shape_cast %swap3A_1351 : vector<16xi32> to vector<16xi32>
    %swap3A_1353 = vector.shape_cast %add3A_1349 : vector<16xi32> to vector<16xi32>
    tpu.vector_store %arg6[%swap3A_1350], %swap3A_1353 {strides = array<i32>} : memref<3328xi32, #tpu.memory_space<vmem>>, vector<16xi32>,
    %get3A_1354 = arith.constant 1968 : index
    %get3A_1355 = tpu.vector_load %arg6[%get3A_1354] {strides = array<i32>} : memref<3328xi32, #tpu.memory_space<vmem>>, vector<16xi32>,
    %get3A_1356 = vector.shape_cast %get3A_1355 : vector<16xi32> to vector<16xi32>
    %get3A_1357 = arith.constant 1968 : index
    %get3A_1358 = tpu.vector_load %arg7[%get3A_1357] {strides = array<i32>} : memref<3328xi32, #tpu.memory_space<vmem>>, vector<16xi32>,
    %get3A_1359 = vector.shape_cast %get3A_1358 : vector<16xi32> to vector<16xi32>
    %add3A_1360 = arith.addi %get3A_1356, %get3A_1359 : vector<16xi32>
    %swap3A_1361 = arith.constant 1968 : index
    %swap3A_1362 = tpu.vector_load %arg6[%swap3A_1361] {strides = array<i32>} : memref<3328xi32, #tpu.memory_space<vmem>>, vector<16xi32>,
    %swap3A_1363 = vector.shape_cast %swap3A_1362 : vector<16xi32> to vector<16xi32>
    %swap3A_1364 = vector.shape_cast %add3A_1360 : vector<16xi32> to vector<16xi32>
    tpu.vector_store %arg6[%swap3A_1361], %swap3A_1364 {strides = array<i32>} : memref<3328xi32, #tpu.memory_space<vmem>>, vector<16xi32>,
    %get3A_1365 = arith.constant 1984 : index
    %get3A_1366 = tpu.vector_load %arg6[%get3A_1365] {strides = array<i32>} : memref<3328xi32, #tpu.memory_space<vmem>>, vector<16xi32>,
    %get3A_1367 = vector.shape_cast %get3A_1366 : vector<16xi32> to vector<16xi32>
    %get3A_1368 = arith.constant 1984 : index
    %get3A_1369 = tpu.vector_load %arg7[%get3A_1368] {strides = array<i32>} : memref<3328xi32, #tpu.memory_space<vmem>>, vector<16xi32>,
    %get3A_1370 = vector.shape_cast %get3A_1369 : vector<16xi32> to vector<16xi32>
    %add3A_1371 = arith.addi %get3A_1367, %get3A_1370 : vector<16xi32>
    %swap3A_1372 = arith.constant 1984 : index
    %swap3A_1373 = tpu.vector_load %arg6[%swap3A_1372] {strides = array<i32>} : memref<3328xi32, #tpu.memory_space<vmem>>, vector<16xi32>,
    %swap3A_1374 = vector.shape_cast %swap3A_1373 : vector<16xi32> to vector<16xi32>
    %swap3A_1375 = vector.shape_cast %add3A_1371 : vector<16xi32> to vector<16xi32>
    tpu.vector_store %arg6[%swap3A_1372], %swap3A_1375 {strides = array<i32>} : memref<3328xi32, #tpu.memory_space<vmem>>, vector<16xi32>,
    %get3A_1376 = arith.constant 2000 : index
    %get3A_1377 = tpu.vector_load %arg6[%get3A_1376] {strides = array<i32>} : memref<3328xi32, #tpu.memory_space<vmem>>, vector<16xi32>,
    %get3A_1378 = vector.shape_cast %get3A_1377 : vector<16xi32> to vector<16xi32>
    %get3A_1379 = arith.constant 2000 : index
    %get3A_1380 = tpu.vector_load %arg7[%get3A_1379] {strides = array<i32>} : memref<3328xi32, #tpu.memory_space<vmem>>, vector<16xi32>,
    %get3A_1381 = vector.shape_cast %get3A_1380 : vector<16xi32> to vector<16xi32>
    %add3A_1382 = arith.addi %get3A_1378, %get3A_1381 : vector<16xi32>
    %swap3A_1383 = arith.constant 2000 : index
    %swap3A_1384 = tpu.vector_load %arg6[%swap3A_1383] {strides = array<i32>} : memref<3328xi32, #tpu.memory_space<vmem>>, vector<16xi32>,
    %swap3A_1385 = vector.shape_cast %swap3A_1384 : vector<16xi32> to vector<16xi32>
    %swap3A_1386 = vector.shape_cast %add3A_1382 : vector<16xi32> to vector<16xi32>
    tpu.vector_store %arg6[%swap3A_1383], %swap3A_1386 {strides = array<i32>} : memref<3328xi32, #tpu.memory_space<vmem>>, vector<16xi32>,
    %get3A_1387 = arith.constant 2016 : index
    %get3A_1388 = tpu.vector_load %arg6[%get3A_1387] {strides = array<i32>} : memref<3328xi32, #tpu.memory_space<vmem>>, vector<16xi32>,
    %get3A_1389 = vector.shape_cast %get3A_1388 : vector<16xi32> to vector<16xi32>
    %get3A_1390 = arith.constant 2016 : index
    %get3A_1391 = tpu.vector_load %arg7[%get3A_1390] {strides = array<i32>} : memref<3328xi32, #tpu.memory_space<vmem>>, vector<16xi32>,
    %get3A_1392 = vector.shape_cast %get3A_1391 : vector<16xi32> to vector<16xi32>
    %add3A_1393 = arith.addi %get3A_1389, %get3A_1392 : vector<16xi32>
    %swap3A_1394 = arith.constant 2016 : index
    %swap3A_1395 = tpu.vector_load %arg6[%swap3A_1394] {strides = array<i32>} : memref<3328xi32, #tpu.memory_space<vmem>>, vector<16xi32>,
    %swap3A_1396 = vector.shape_cast %swap3A_1395 : vector<16xi32> to vector<16xi32>
    %swap3A_1397 = vector.shape_cast %add3A_1393 : vector<16xi32> to vector<16xi32>
    tpu.vector_store %arg6[%swap3A_1394], %swap3A_1397 {strides = array<i32>} : memref<3328xi32, #tpu.memory_space<vmem>>, vector<16xi32>,
    %get3A_1398 = arith.constant 2032 : index
    %get3A_1399 = tpu.vector_load %arg6[%get3A_1398] {strides = array<i32>} : memref<3328xi32, #tpu.memory_space<vmem>>, vector<16xi32>,
    %get3A_1400 = vector.shape_cast %get3A_1399 : vector<16xi32> to vector<16xi32>
    %get3A_1401 = arith.constant 2032 : index
    %get3A_1402 = tpu.vector_load %arg7[%get3A_1401] {strides = array<i32>} : memref<3328xi32, #tpu.memory_space<vmem>>, vector<16xi32>,
    %get3A_1403 = vector.shape_cast %get3A_1402 : vector<16xi32> to vector<16xi32>
    %add3A_1404 = arith.addi %get3A_1400, %get3A_1403 : vector<16xi32>
    %swap3A_1405 = arith.constant 2032 : index
    %swap3A_1406 = tpu.vector_load %arg6[%swap3A_1405] {strides = array<i32>} : memref<3328xi32, #tpu.memory_space<vmem>>, vector<16xi32>,
    %swap3A_1407 = vector.shape_cast %swap3A_1406 : vector<16xi32> to vector<16xi32>
    %swap3A_1408 = vector.shape_cast %add3A_1404 : vector<16xi32> to vector<16xi32>
    tpu.vector_store %arg6[%swap3A_1405], %swap3A_1408 {strides = array<i32>} : memref<3328xi32, #tpu.memory_space<vmem>>, vector<16xi32>,
    %get3A_1409 = arith.constant 2048 : index
    %get3A_1410 = tpu.vector_load %arg6[%get3A_1409] {strides = array<i32>} : memref<3328xi32, #tpu.memory_space<vmem>>, vector<16xi32>,
    %get3A_1411 = vector.shape_cast %get3A_1410 : vector<16xi32> to vector<16xi32>
    %get3A_1412 = arith.constant 2048 : index
    %get3A_1413 = tpu.vector_load %arg7[%get3A_1412] {strides = array<i32>} : memref<3328xi32, #tpu.memory_space<vmem>>, vector<16xi32>,
    %get3A_1414 = vector.shape_cast %get3A_1413 : vector<16xi32> to vector<16xi32>
    %add3A_1415 = arith.addi %get3A_1411, %get3A_1414 : vector<16xi32>
    %swap3A_1416 = arith.constant 2048 : index
    %swap3A_1417 = tpu.vector_load %arg6[%swap3A_1416] {strides = array<i32>} : memref<3328xi32, #tpu.memory_space<vmem>>, vector<16xi32>,
    %swap3A_1418 = vector.shape_cast %swap3A_1417 : vector<16xi32> to vector<16xi32>
    %swap3A_1419 = vector.shape_cast %add3A_1415 : vector<16xi32> to vector<16xi32>
    tpu.vector_store %arg6[%swap3A_1416], %swap3A_1419 {strides = array<i32>} : memref<3328xi32, #tpu.memory_space<vmem>>, vector<16xi32>,
    %get3A_1420 = arith.constant 2064 : index
    %get3A_1421 = tpu.vector_load %arg6[%get3A_1420] {strides = array<i32>} : memref<3328xi32, #tpu.memory_space<vmem>>, vector<16xi32>,
    %get3A_1422 = vector.shape_cast %get3A_1421 : vector<16xi32> to vector<16xi32>
    %get3A_1423 = arith.constant 2064 : index
    %get3A_1424 = tpu.vector_load %arg7[%get3A_1423] {strides = array<i32>} : memref<3328xi32, #tpu.memory_space<vmem>>, vector<16xi32>,
    %get3A_1425 = vector.shape_cast %get3A_1424 : vector<16xi32> to vector<16xi32>
    %add3A_1426 = arith.addi %get3A_1422, %get3A_1425 : vector<16xi32>
    %swap3A_1427 = arith.constant 2064 : index
    %swap3A_1428 = tpu.vector_load %arg6[%swap3A_1427] {strides = array<i32>} : memref<3328xi32, #tpu.memory_space<vmem>>, vector<16xi32>,
    %swap3A_1429 = vector.shape_cast %swap3A_1428 : vector<16xi32> to vector<16xi32>
    %swap3A_1430 = vector.shape_cast %add3A_1426 : vector<16xi32> to vector<16xi32>
    tpu.vector_store %arg6[%swap3A_1427], %swap3A_1430 {strides = array<i32>} : memref<3328xi32, #tpu.memory_space<vmem>>, vector<16xi32>,
    %get3A_1431 = arith.constant 2080 : index
    %get3A_1432 = tpu.vector_load %arg6[%get3A_1431] {strides = array<i32>} : memref<3328xi32, #tpu.memory_space<vmem>>, vector<16xi32>,
    %get3A_1433 = vector.shape_cast %get3A_1432 : vector<16xi32> to vector<16xi32>
    %get3A_1434 = arith.constant 2080 : index
    %get3A_1435 = tpu.vector_load %arg7[%get3A_1434] {strides = array<i32>} : memref<3328xi32, #tpu.memory_space<vmem>>, vector<16xi32>,
    %get3A_1436 = vector.shape_cast %get3A_1435 : vector<16xi32> to vector<16xi32>
    %add3A_1437 = arith.addi %get3A_1433, %get3A_1436 : vector<16xi32>
    %swap3A_1438 = arith.constant 2080 : index
    %swap3A_1439 = tpu.vector_load %arg6[%swap3A_1438] {strides = array<i32>} : memref<3328xi32, #tpu.memory_space<vmem>>, vector<16xi32>,
    %swap3A_1440 = vector.shape_cast %swap3A_1439 : vector<16xi32> to vector<16xi32>
    %swap3A_1441 = vector.shape_cast %add3A_1437 : vector<16xi32> to vector<16xi32>
    tpu.vector_store %arg6[%swap3A_1438], %swap3A_1441 {strides = array<i32>} : memref<3328xi32, #tpu.memory_space<vmem>>, vector<16xi32>,
    %get3A_1442 = arith.constant 2096 : index
    %get3A_1443 = tpu.vector_load %arg6[%get3A_1442] {strides = array<i32>} : memref<3328xi32, #tpu.memory_space<vmem>>, vector<16xi32>,
    %get3A_1444 = vector.shape_cast %get3A_1443 : vector<16xi32> to vector<16xi32>
    %get3A_1445 = arith.constant 2096 : index
    %get3A_1446 = tpu.vector_load %arg7[%get3A_1445] {strides = array<i32>} : memref<3328xi32, #tpu.memory_space<vmem>>, vector<16xi32>,
    %get3A_1447 = vector.shape_cast %get3A_1446 : vector<16xi32> to vector<16xi32>
    %add3A_1448 = arith.addi %get3A_1444, %get3A_1447 : vector<16xi32>
    %swap3A_1449 = arith.constant 2096 : index
    %swap3A_1450 = tpu.vector_load %arg6[%swap3A_1449] {strides = array<i32>} : memref<3328xi32, #tpu.memory_space<vmem>>, vector<16xi32>,
    %swap3A_1451 = vector.shape_cast %swap3A_1450 : vector<16xi32> to vector<16xi32>
    %swap3A_1452 = vector.shape_cast %add3A_1448 : vector<16xi32> to vector<16xi32>
    tpu.vector_store %arg6[%swap3A_1449], %swap3A_1452 {strides = array<i32>} : memref<3328xi32, #tpu.memory_space<vmem>>, vector<16xi32>,
    %get3A_1453 = arith.constant 2112 : index
    %get3A_1454 = tpu.vector_load %arg6[%get3A_1453] {strides = array<i32>} : memref<3328xi32, #tpu.memory_space<vmem>>, vector<16xi32>,
    %get3A_1455 = vector.shape_cast %get3A_1454 : vector<16xi32> to vector<16xi32>
    %get3A_1456 = arith.constant 2112 : index
    %get3A_1457 = tpu.vector_load %arg7[%get3A_1456] {strides = array<i32>} : memref<3328xi32, #tpu.memory_space<vmem>>, vector<16xi32>,
    %get3A_1458 = vector.shape_cast %get3A_1457 : vector<16xi32> to vector<16xi32>
    %add3A_1459 = arith.addi %get3A_1455, %get3A_1458 : vector<16xi32>
    %swap3A_1460 = arith.constant 2112 : index
    %swap3A_1461 = tpu.vector_load %arg6[%swap3A_1460] {strides = array<i32>} : memref<3328xi32, #tpu.memory_space<vmem>>, vector<16xi32>,
    %swap3A_1462 = vector.shape_cast %swap3A_1461 : vector<16xi32> to vector<16xi32>
    %swap3A_1463 = vector.shape_cast %add3A_1459 : vector<16xi32> to vector<16xi32>
    tpu.vector_store %arg6[%swap3A_1460], %swap3A_1463 {strides = array<i32>} : memref<3328xi32, #tpu.memory_space<vmem>>, vector<16xi32>,
    %get3A_1464 = arith.constant 2128 : index
    %get3A_1465 = tpu.vector_load %arg6[%get3A_1464] {strides = array<i32>} : memref<3328xi32, #tpu.memory_space<vmem>>, vector<16xi32>,
    %get3A_1466 = vector.shape_cast %get3A_1465 : vector<16xi32> to vector<16xi32>
    %get3A_1467 = arith.constant 2128 : index
    %get3A_1468 = tpu.vector_load %arg7[%get3A_1467] {strides = array<i32>} : memref<3328xi32, #tpu.memory_space<vmem>>, vector<16xi32>,
    %get3A_1469 = vector.shape_cast %get3A_1468 : vector<16xi32> to vector<16xi32>
    %add3A_1470 = arith.addi %get3A_1466, %get3A_1469 : vector<16xi32>
    %swap3A_1471 = arith.constant 2128 : index
    %swap3A_1472 = tpu.vector_load %arg6[%swap3A_1471] {strides = array<i32>} : memref<3328xi32, #tpu.memory_space<vmem>>, vector<16xi32>,
    %swap3A_1473 = vector.shape_cast %swap3A_1472 : vector<16xi32> to vector<16xi32>
    %swap3A_1474 = vector.shape_cast %add3A_1470 : vector<16xi32> to vector<16xi32>
    tpu.vector_store %arg6[%swap3A_1471], %swap3A_1474 {strides = array<i32>} : memref<3328xi32, #tpu.memory_space<vmem>>, vector<16xi32>,
    %get3A_1475 = arith.constant 2144 : index
    %get3A_1476 = tpu.vector_load %arg6[%get3A_1475] {strides = array<i32>} : memref<3328xi32, #tpu.memory_space<vmem>>, vector<16xi32>,
    %get3A_1477 = vector.shape_cast %get3A_1476 : vector<16xi32> to vector<16xi32>
    %get3A_1478 = arith.constant 2144 : index
    %get3A_1479 = tpu.vector_load %arg7[%get3A_1478] {strides = array<i32>} : memref<3328xi32, #tpu.memory_space<vmem>>, vector<16xi32>,
    %get3A_1480 = vector.shape_cast %get3A_1479 : vector<16xi32> to vector<16xi32>
    %add3A_1481 = arith.addi %get3A_1477, %get3A_1480 : vector<16xi32>
    %swap3A_1482 = arith.constant 2144 : index
    %swap3A_1483 = tpu.vector_load %arg6[%swap3A_1482] {strides = array<i32>} : memref<3328xi32, #tpu.memory_space<vmem>>, vector<16xi32>,
    %swap3A_1484 = vector.shape_cast %swap3A_1483 : vector<16xi32> to vector<16xi32>
    %swap3A_1485 = vector.shape_cast %add3A_1481 : vector<16xi32> to vector<16xi32>
    tpu.vector_store %arg6[%swap3A_1482], %swap3A_1485 {strides = array<i32>} : memref<3328xi32, #tpu.memory_space<vmem>>, vector<16xi32>,
    %get3A_1486 = arith.constant 2160 : index
    %get3A_1487 = tpu.vector_load %arg6[%get3A_1486] {strides = array<i32>} : memref<3328xi32, #tpu.memory_space<vmem>>, vector<16xi32>,
    %get3A_1488 = vector.shape_cast %get3A_1487 : vector<16xi32> to vector<16xi32>
    %get3A_1489 = arith.constant 2160 : index
    %get3A_1490 = tpu.vector_load %arg7[%get3A_1489] {strides = array<i32>} : memref<3328xi32, #tpu.memory_space<vmem>>, vector<16xi32>,
    %get3A_1491 = vector.shape_cast %get3A_1490 : vector<16xi32> to vector<16xi32>
    %add3A_1492 = arith.addi %get3A_1488, %get3A_1491 : vector<16xi32>
    %swap3A_1493 = arith.constant 2160 : index
    %swap3A_1494 = tpu.vector_load %arg6[%swap3A_1493] {strides = array<i32>} : memref<3328xi32, #tpu.memory_space<vmem>>, vector<16xi32>,
    %swap3A_1495 = vector.shape_cast %swap3A_1494 : vector<16xi32> to vector<16xi32>
    %swap3A_1496 = vector.shape_cast %add3A_1492 : vector<16xi32> to vector<16xi32>
    tpu.vector_store %arg6[%swap3A_1493], %swap3A_1496 {strides = array<i32>} : memref<3328xi32, #tpu.memory_space<vmem>>, vector<16xi32>,
    %get3A_1497 = arith.constant 2176 : index
    %get3A_1498 = tpu.vector_load %arg6[%get3A_1497] {strides = array<i32>} : memref<3328xi32, #tpu.memory_space<vmem>>, vector<16xi32>,
    %get3A_1499 = vector.shape_cast %get3A_1498 : vector<16xi32> to vector<16xi32>
    %get3A_1500 = arith.constant 2176 : index
    %get3A_1501 = tpu.vector_load %arg7[%get3A_1500] {strides = array<i32>} : memref<3328xi32, #tpu.memory_space<vmem>>, vector<16xi32>,
    %get3A_1502 = vector.shape_cast %get3A_1501 : vector<16xi32> to vector<16xi32>
    %add3A_1503 = arith.addi %get3A_1499, %get3A_1502 : vector<16xi32>
    %swap3A_1504 = arith.constant 2176 : index
    %swap3A_1505 = tpu.vector_load %arg6[%swap3A_1504] {strides = array<i32>} : memref<3328xi32, #tpu.memory_space<vmem>>, vector<16xi32>,
    %swap3A_1506 = vector.shape_cast %swap3A_1505 : vector<16xi32> to vector<16xi32>
    %swap3A_1507 = vector.shape_cast %add3A_1503 : vector<16xi32> to vector<16xi32>
    tpu.vector_store %arg6[%swap3A_1504], %swap3A_1507 {strides = array<i32>} : memref<3328xi32, #tpu.memory_space<vmem>>, vector<16xi32>,
    %get3A_1508 = arith.constant 2192 : index
    %get3A_1509 = tpu.vector_load %arg6[%get3A_1508] {strides = array<i32>} : memref<3328xi32, #tpu.memory_space<vmem>>, vector<16xi32>,
    %get3A_1510 = vector.shape_cast %get3A_1509 : vector<16xi32> to vector<16xi32>
    %get3A_1511 = arith.constant 2192 : index
    %get3A_1512 = tpu.vector_load %arg7[%get3A_1511] {strides = array<i32>} : memref<3328xi32, #tpu.memory_space<vmem>>, vector<16xi32>,
    %get3A_1513 = vector.shape_cast %get3A_1512 : vector<16xi32> to vector<16xi32>
    %add3A_1514 = arith.addi %get3A_1510, %get3A_1513 : vector<16xi32>
    %swap3A_1515 = arith.constant 2192 : index
    %swap3A_1516 = tpu.vector_load %arg6[%swap3A_1515] {strides = array<i32>} : memref<3328xi32, #tpu.memory_space<vmem>>, vector<16xi32>,
    %swap3A_1517 = vector.shape_cast %swap3A_1516 : vector<16xi32> to vector<16xi32>
    %swap3A_1518 = vector.shape_cast %add3A_1514 : vector<16xi32> to vector<16xi32>
    tpu.vector_store %arg6[%swap3A_1515], %swap3A_1518 {strides = array<i32>} : memref<3328xi32, #tpu.memory_space<vmem>>, vector<16xi32>,
    %get3A_1519 = arith.constant 2208 : index
    %get3A_1520 = tpu.vector_load %arg6[%get3A_1519] {strides = array<i32>} : memref<3328xi32, #tpu.memory_space<vmem>>, vector<16xi32>,
    %get3A_1521 = vector.shape_cast %get3A_1520 : vector<16xi32> to vector<16xi32>
    %get3A_1522 = arith.constant 2208 : index
    %get3A_1523 = tpu.vector_load %arg7[%get3A_1522] {strides = array<i32>} : memref<3328xi32, #tpu.memory_space<vmem>>, vector<16xi32>,
    %get3A_1524 = vector.shape_cast %get3A_1523 : vector<16xi32> to vector<16xi32>
    %add3A_1525 = arith.addi %get3A_1521, %get3A_1524 : vector<16xi32>
    %swap3A_1526 = arith.constant 2208 : index
    %swap3A_1527 = tpu.vector_load %arg6[%swap3A_1526] {strides = array<i32>} : memref<3328xi32, #tpu.memory_space<vmem>>, vector<16xi32>,
    %swap3A_1528 = vector.shape_cast %swap3A_1527 : vector<16xi32> to vector<16xi32>
    %swap3A_1529 = vector.shape_cast %add3A_1525 : vector<16xi32> to vector<16xi32>
    tpu.vector_store %arg6[%swap3A_1526], %swap3A_1529 {strides = array<i32>} : memref<3328xi32, #tpu.memory_space<vmem>>, vector<16xi32>,
    %get3A_1530 = arith.constant 2224 : index
    %get3A_1531 = tpu.vector_load %arg6[%get3A_1530] {strides = array<i32>} : memref<3328xi32, #tpu.memory_space<vmem>>, vector<16xi32>,
    %get3A_1532 = vector.shape_cast %get3A_1531 : vector<16xi32> to vector<16xi32>
    %get3A_1533 = arith.constant 2224 : index
    %get3A_1534 = tpu.vector_load %arg7[%get3A_1533] {strides = array<i32>} : memref<3328xi32, #tpu.memory_space<vmem>>, vector<16xi32>,
    %get3A_1535 = vector.shape_cast %get3A_1534 : vector<16xi32> to vector<16xi32>
    %add3A_1536 = arith.addi %get3A_1532, %get3A_1535 : vector<16xi32>
    %swap3A_1537 = arith.constant 2224 : index
    %swap3A_1538 = tpu.vector_load %arg6[%swap3A_1537] {strides = array<i32>} : memref<3328xi32, #tpu.memory_space<vmem>>, vector<16xi32>,
    %swap3A_1539 = vector.shape_cast %swap3A_1538 : vector<16xi32> to vector<16xi32>
    %swap3A_1540 = vector.shape_cast %add3A_1536 : vector<16xi32> to vector<16xi32>
    tpu.vector_store %arg6[%swap3A_1537], %swap3A_1540 {strides = array<i32>} : memref<3328xi32, #tpu.memory_space<vmem>>, vector<16xi32>,
    %get3A_1541 = arith.constant 2240 : index
    %get3A_1542 = tpu.vector_load %arg6[%get3A_1541] {strides = array<i32>} : memref<3328xi32, #tpu.memory_space<vmem>>, vector<16xi32>,
    %get3A_1543 = vector.shape_cast %get3A_1542 : vector<16xi32> to vector<16xi32>
    %get3A_1544 = arith.constant 2240 : index
    %get3A_1545 = tpu.vector_load %arg7[%get3A_1544] {strides = array<i32>} : memref<3328xi32, #tpu.memory_space<vmem>>, vector<16xi32>,
    %get3A_1546 = vector.shape_cast %get3A_1545 : vector<16xi32> to vector<16xi32>
    %add3A_1547 = arith.addi %get3A_1543, %get3A_1546 : vector<16xi32>
    %swap3A_1548 = arith.constant 2240 : index
    %swap3A_1549 = tpu.vector_load %arg6[%swap3A_1548] {strides = array<i32>} : memref<3328xi32, #tpu.memory_space<vmem>>, vector<16xi32>,
    %swap3A_1550 = vector.shape_cast %swap3A_1549 : vector<16xi32> to vector<16xi32>
    %swap3A_1551 = vector.shape_cast %add3A_1547 : vector<16xi32> to vector<16xi32>
    tpu.vector_store %arg6[%swap3A_1548], %swap3A_1551 {strides = array<i32>} : memref<3328xi32, #tpu.memory_space<vmem>>, vector<16xi32>,
    %get3A_1552 = arith.constant 2256 : index
    %get3A_1553 = tpu.vector_load %arg6[%get3A_1552] {strides = array<i32>} : memref<3328xi32, #tpu.memory_space<vmem>>, vector<16xi32>,
    %get3A_1554 = vector.shape_cast %get3A_1553 : vector<16xi32> to vector<16xi32>
    %get3A_1555 = arith.constant 2256 : index
    %get3A_1556 = tpu.vector_load %arg7[%get3A_1555] {strides = array<i32>} : memref<3328xi32, #tpu.memory_space<vmem>>, vector<16xi32>,
    %get3A_1557 = vector.shape_cast %get3A_1556 : vector<16xi32> to vector<16xi32>
    %add3A_1558 = arith.addi %get3A_1554, %get3A_1557 : vector<16xi32>
    %swap3A_1559 = arith.constant 2256 : index
    %swap3A_1560 = tpu.vector_load %arg6[%swap3A_1559] {strides = array<i32>} : memref<3328xi32, #tpu.memory_space<vmem>>, vector<16xi32>,
    %swap3A_1561 = vector.shape_cast %swap3A_1560 : vector<16xi32> to vector<16xi32>
    %swap3A_1562 = vector.shape_cast %add3A_1558 : vector<16xi32> to vector<16xi32>
    tpu.vector_store %arg6[%swap3A_1559], %swap3A_1562 {strides = array<i32>} : memref<3328xi32, #tpu.memory_space<vmem>>, vector<16xi32>,
    %get3A_1563 = arith.constant 2272 : index
    %get3A_1564 = tpu.vector_load %arg6[%get3A_1563] {strides = array<i32>} : memref<3328xi32, #tpu.memory_space<vmem>>, vector<16xi32>,
    %get3A_1565 = vector.shape_cast %get3A_1564 : vector<16xi32> to vector<16xi32>
    %get3A_1566 = arith.constant 2272 : index
    %get3A_1567 = tpu.vector_load %arg7[%get3A_1566] {strides = array<i32>} : memref<3328xi32, #tpu.memory_space<vmem>>, vector<16xi32>,
    %get3A_1568 = vector.shape_cast %get3A_1567 : vector<16xi32> to vector<16xi32>
    %add3A_1569 = arith.addi %get3A_1565, %get3A_1568 : vector<16xi32>
    %swap3A_1570 = arith.constant 2272 : index
    %swap3A_1571 = tpu.vector_load %arg6[%swap3A_1570] {strides = array<i32>} : memref<3328xi32, #tpu.memory_space<vmem>>, vector<16xi32>,
    %swap3A_1572 = vector.shape_cast %swap3A_1571 : vector<16xi32> to vector<16xi32>
    %swap3A_1573 = vector.shape_cast %add3A_1569 : vector<16xi32> to vector<16xi32>
    tpu.vector_store %arg6[%swap3A_1570], %swap3A_1573 {strides = array<i32>} : memref<3328xi32, #tpu.memory_space<vmem>>, vector<16xi32>,
    %get3A_1574 = arith.constant 2288 : index
    %get3A_1575 = tpu.vector_load %arg6[%get3A_1574] {strides = array<i32>} : memref<3328xi32, #tpu.memory_space<vmem>>, vector<16xi32>,
    %get3A_1576 = vector.shape_cast %get3A_1575 : vector<16xi32> to vector<16xi32>
    %get3A_1577 = arith.constant 2288 : index
    %get3A_1578 = tpu.vector_load %arg7[%get3A_1577] {strides = array<i32>} : memref<3328xi32, #tpu.memory_space<vmem>>, vector<16xi32>,
    %get3A_1579 = vector.shape_cast %get3A_1578 : vector<16xi32> to vector<16xi32>
    %add3A_1580 = arith.addi %get3A_1576, %get3A_1579 : vector<16xi32>
    %swap3A_1581 = arith.constant 2288 : index
    %swap3A_1582 = tpu.vector_load %arg6[%swap3A_1581] {strides = array<i32>} : memref<3328xi32, #tpu.memory_space<vmem>>, vector<16xi32>,
    %swap3A_1583 = vector.shape_cast %swap3A_1582 : vector<16xi32> to vector<16xi32>
    %swap3A_1584 = vector.shape_cast %add3A_1580 : vector<16xi32> to vector<16xi32>
    tpu.vector_store %arg6[%swap3A_1581], %swap3A_1584 {strides = array<i32>} : memref<3328xi32, #tpu.memory_space<vmem>>, vector<16xi32>,
    %get3A_1585 = arith.constant 2304 : index
    %get3A_1586 = tpu.vector_load %arg6[%get3A_1585] {strides = array<i32>} : memref<3328xi32, #tpu.memory_space<vmem>>, vector<16xi32>,
    %get3A_1587 = vector.shape_cast %get3A_1586 : vector<16xi32> to vector<16xi32>
    %get3A_1588 = arith.constant 2304 : index
    %get3A_1589 = tpu.vector_load %arg7[%get3A_1588] {strides = array<i32>} : memref<3328xi32, #tpu.memory_space<vmem>>, vector<16xi32>,
    %get3A_1590 = vector.shape_cast %get3A_1589 : vector<16xi32> to vector<16xi32>
    %add3A_1591 = arith.addi %get3A_1587, %get3A_1590 : vector<16xi32>
    %swap3A_1592 = arith.constant 2304 : index
    %swap3A_1593 = tpu.vector_load %arg6[%swap3A_1592] {strides = array<i32>} : memref<3328xi32, #tpu.memory_space<vmem>>, vector<16xi32>,
    %swap3A_1594 = vector.shape_cast %swap3A_1593 : vector<16xi32> to vector<16xi32>
    %swap3A_1595 = vector.shape_cast %add3A_1591 : vector<16xi32> to vector<16xi32>
    tpu.vector_store %arg6[%swap3A_1592], %swap3A_1595 {strides = array<i32>} : memref<3328xi32, #tpu.memory_space<vmem>>, vector<16xi32>,
    %get3A_1596 = arith.constant 2320 : index
    %get3A_1597 = tpu.vector_load %arg6[%get3A_1596] {strides = array<i32>} : memref<3328xi32, #tpu.memory_space<vmem>>, vector<16xi32>,
    %get3A_1598 = vector.shape_cast %get3A_1597 : vector<16xi32> to vector<16xi32>
    %get3A_1599 = arith.constant 2320 : index
    %get3A_1600 = tpu.vector_load %arg7[%get3A_1599] {strides = array<i32>} : memref<3328xi32, #tpu.memory_space<vmem>>, vector<16xi32>,
    %get3A_1601 = vector.shape_cast %get3A_1600 : vector<16xi32> to vector<16xi32>
    %add3A_1602 = arith.addi %get3A_1598, %get3A_1601 : vector<16xi32>
    %swap3A_1603 = arith.constant 2320 : index
    %swap3A_1604 = tpu.vector_load %arg6[%swap3A_1603] {strides = array<i32>} : memref<3328xi32, #tpu.memory_space<vmem>>, vector<16xi32>,
    %swap3A_1605 = vector.shape_cast %swap3A_1604 : vector<16xi32> to vector<16xi32>
    %swap3A_1606 = vector.shape_cast %add3A_1602 : vector<16xi32> to vector<16xi32>
    tpu.vector_store %arg6[%swap3A_1603], %swap3A_1606 {strides = array<i32>} : memref<3328xi32, #tpu.memory_space<vmem>>, vector<16xi32>,
    %get3A_1607 = arith.constant 2336 : index
    %get3A_1608 = tpu.vector_load %arg6[%get3A_1607] {strides = array<i32>} : memref<3328xi32, #tpu.memory_space<vmem>>, vector<16xi32>,
    %get3A_1609 = vector.shape_cast %get3A_1608 : vector<16xi32> to vector<16xi32>
    %get3A_1610 = arith.constant 2336 : index
    %get3A_1611 = tpu.vector_load %arg7[%get3A_1610] {strides = array<i32>} : memref<3328xi32, #tpu.memory_space<vmem>>, vector<16xi32>,
    %get3A_1612 = vector.shape_cast %get3A_1611 : vector<16xi32> to vector<16xi32>
    %add3A_1613 = arith.addi %get3A_1609, %get3A_1612 : vector<16xi32>
    %swap3A_1614 = arith.constant 2336 : index
    %swap3A_1615 = tpu.vector_load %arg6[%swap3A_1614] {strides = array<i32>} : memref<3328xi32, #tpu.memory_space<vmem>>, vector<16xi32>,
    %swap3A_1616 = vector.shape_cast %swap3A_1615 : vector<16xi32> to vector<16xi32>
    %swap3A_1617 = vector.shape_cast %add3A_1613 : vector<16xi32> to vector<16xi32>
    tpu.vector_store %arg6[%swap3A_1614], %swap3A_1617 {strides = array<i32>} : memref<3328xi32, #tpu.memory_space<vmem>>, vector<16xi32>,
    %get3A_1618 = arith.constant 2352 : index
    %get3A_1619 = tpu.vector_load %arg6[%get3A_1618] {strides = array<i32>} : memref<3328xi32, #tpu.memory_space<vmem>>, vector<16xi32>,
    %get3A_1620 = vector.shape_cast %get3A_1619 : vector<16xi32> to vector<16xi32>
    %get3A_1621 = arith.constant 2352 : index
    %get3A_1622 = tpu.vector_load %arg7[%get3A_1621] {strides = array<i32>} : memref<3328xi32, #tpu.memory_space<vmem>>, vector<16xi32>,
    %get3A_1623 = vector.shape_cast %get3A_1622 : vector<16xi32> to vector<16xi32>
    %add3A_1624 = arith.addi %get3A_1620, %get3A_1623 : vector<16xi32>
    %swap3A_1625 = arith.constant 2352 : index
    %swap3A_1626 = tpu.vector_load %arg6[%swap3A_1625] {strides = array<i32>} : memref<3328xi32, #tpu.memory_space<vmem>>, vector<16xi32>,
    %swap3A_1627 = vector.shape_cast %swap3A_1626 : vector<16xi32> to vector<16xi32>
    %swap3A_1628 = vector.shape_cast %add3A_1624 : vector<16xi32> to vector<16xi32>
    tpu.vector_store %arg6[%swap3A_1625], %swap3A_1628 {strides = array<i32>} : memref<3328xi32, #tpu.memory_space<vmem>>, vector<16xi32>,
    %get3A_1629 = arith.constant 2368 : index
    %get3A_1630 = tpu.vector_load %arg6[%get3A_1629] {strides = array<i32>} : memref<3328xi32, #tpu.memory_space<vmem>>, vector<16xi32>,
    %get3A_1631 = vector.shape_cast %get3A_1630 : vector<16xi32> to vector<16xi32>
    %get3A_1632 = arith.constant 2368 : index
    %get3A_1633 = tpu.vector_load %arg7[%get3A_1632] {strides = array<i32>} : memref<3328xi32, #tpu.memory_space<vmem>>, vector<16xi32>,
    %get3A_1634 = vector.shape_cast %get3A_1633 : vector<16xi32> to vector<16xi32>
    %add3A_1635 = arith.addi %get3A_1631, %get3A_1634 : vector<16xi32>
    %swap3A_1636 = arith.constant 2368 : index
    %swap3A_1637 = tpu.vector_load %arg6[%swap3A_1636] {strides = array<i32>} : memref<3328xi32, #tpu.memory_space<vmem>>, vector<16xi32>,
    %swap3A_1638 = vector.shape_cast %swap3A_1637 : vector<16xi32> to vector<16xi32>
    %swap3A_1639 = vector.shape_cast %add3A_1635 : vector<16xi32> to vector<16xi32>
    tpu.vector_store %arg6[%swap3A_1636], %swap3A_1639 {strides = array<i32>} : memref<3328xi32, #tpu.memory_space<vmem>>, vector<16xi32>,
    %get3A_1640 = arith.constant 2384 : index
    %get3A_1641 = tpu.vector_load %arg6[%get3A_1640] {strides = array<i32>} : memref<3328xi32, #tpu.memory_space<vmem>>, vector<16xi32>,
    %get3A_1642 = vector.shape_cast %get3A_1641 : vector<16xi32> to vector<16xi32>
    %get3A_1643 = arith.constant 2384 : index
    %get3A_1644 = tpu.vector_load %arg7[%get3A_1643] {strides = array<i32>} : memref<3328xi32, #tpu.memory_space<vmem>>, vector<16xi32>,
    %get3A_1645 = vector.shape_cast %get3A_1644 : vector<16xi32> to vector<16xi32>
    %add3A_1646 = arith.addi %get3A_1642, %get3A_1645 : vector<16xi32>
    %swap3A_1647 = arith.constant 2384 : index
    %swap3A_1648 = tpu.vector_load %arg6[%swap3A_1647] {strides = array<i32>} : memref<3328xi32, #tpu.memory_space<vmem>>, vector<16xi32>,
    %swap3A_1649 = vector.shape_cast %swap3A_1648 : vector<16xi32> to vector<16xi32>
    %swap3A_1650 = vector.shape_cast %add3A_1646 : vector<16xi32> to vector<16xi32>
    tpu.vector_store %arg6[%swap3A_1647], %swap3A_1650 {strides = array<i32>} : memref<3328xi32, #tpu.memory_space<vmem>>, vector<16xi32>,
    %get3A_1651 = arith.constant 2400 : index
    %get3A_1652 = tpu.vector_load %arg6[%get3A_1651] {strides = array<i32>} : memref<3328xi32, #tpu.memory_space<vmem>>, vector<16xi32>,
    %get3A_1653 = vector.shape_cast %get3A_1652 : vector<16xi32> to vector<16xi32>
    %get3A_1654 = arith.constant 2400 : index
    %get3A_1655 = tpu.vector_load %arg7[%get3A_1654] {strides = array<i32>} : memref<3328xi32, #tpu.memory_space<vmem>>, vector<16xi32>,
    %get3A_1656 = vector.shape_cast %get3A_1655 : vector<16xi32> to vector<16xi32>
    %add3A_1657 = arith.addi %get3A_1653, %get3A_1656 : vector<16xi32>
    %swap3A_1658 = arith.constant 2400 : index
    %swap3A_1659 = tpu.vector_load %arg6[%swap3A_1658] {strides = array<i32>} : memref<3328xi32, #tpu.memory_space<vmem>>, vector<16xi32>,
    %swap3A_1660 = vector.shape_cast %swap3A_1659 : vector<16xi32> to vector<16xi32>
    %swap3A_1661 = vector.shape_cast %add3A_1657 : vector<16xi32> to vector<16xi32>
    tpu.vector_store %arg6[%swap3A_1658], %swap3A_1661 {strides = array<i32>} : memref<3328xi32, #tpu.memory_space<vmem>>, vector<16xi32>,
    %get3A_1662 = arith.constant 2416 : index
    %get3A_1663 = tpu.vector_load %arg6[%get3A_1662] {strides = array<i32>} : memref<3328xi32, #tpu.memory_space<vmem>>, vector<16xi32>,
    %get3A_1664 = vector.shape_cast %get3A_1663 : vector<16xi32> to vector<16xi32>
    %get3A_1665 = arith.constant 2416 : index
    %get3A_1666 = tpu.vector_load %arg7[%get3A_1665] {strides = array<i32>} : memref<3328xi32, #tpu.memory_space<vmem>>, vector<16xi32>,
    %get3A_1667 = vector.shape_cast %get3A_1666 : vector<16xi32> to vector<16xi32>
    %add3A_1668 = arith.addi %get3A_1664, %get3A_1667 : vector<16xi32>
    %swap3A_1669 = arith.constant 2416 : index
    %swap3A_1670 = tpu.vector_load %arg6[%swap3A_1669] {strides = array<i32>} : memref<3328xi32, #tpu.memory_space<vmem>>, vector<16xi32>,
    %swap3A_1671 = vector.shape_cast %swap3A_1670 : vector<16xi32> to vector<16xi32>
    %swap3A_1672 = vector.shape_cast %add3A_1668 : vector<16xi32> to vector<16xi32>
    tpu.vector_store %arg6[%swap3A_1669], %swap3A_1672 {strides = array<i32>} : memref<3328xi32, #tpu.memory_space<vmem>>, vector<16xi32>,
    %get3A_1673 = arith.constant 2432 : index
    %get3A_1674 = tpu.vector_load %arg6[%get3A_1673] {strides = array<i32>} : memref<3328xi32, #tpu.memory_space<vmem>>, vector<16xi32>,
    %get3A_1675 = vector.shape_cast %get3A_1674 : vector<16xi32> to vector<16xi32>
    %get3A_1676 = arith.constant 2432 : index
    %get3A_1677 = tpu.vector_load %arg7[%get3A_1676] {strides = array<i32>} : memref<3328xi32, #tpu.memory_space<vmem>>, vector<16xi32>,
    %get3A_1678 = vector.shape_cast %get3A_1677 : vector<16xi32> to vector<16xi32>
    %add3A_1679 = arith.addi %get3A_1675, %get3A_1678 : vector<16xi32>
    %swap3A_1680 = arith.constant 2432 : index
    %swap3A_1681 = tpu.vector_load %arg6[%swap3A_1680] {strides = array<i32>} : memref<3328xi32, #tpu.memory_space<vmem>>, vector<16xi32>,
    %swap3A_1682 = vector.shape_cast %swap3A_1681 : vector<16xi32> to vector<16xi32>
    %swap3A_1683 = vector.shape_cast %add3A_1679 : vector<16xi32> to vector<16xi32>
    tpu.vector_store %arg6[%swap3A_1680], %swap3A_1683 {strides = array<i32>} : memref<3328xi32, #tpu.memory_space<vmem>>, vector<16xi32>,
    %get3A_1684 = arith.constant 2448 : index
    %get3A_1685 = tpu.vector_load %arg6[%get3A_1684] {strides = array<i32>} : memref<3328xi32, #tpu.memory_space<vmem>>, vector<16xi32>,
    %get3A_1686 = vector.shape_cast %get3A_1685 : vector<16xi32> to vector<16xi32>
    %get3A_1687 = arith.constant 2448 : index
    %get3A_1688 = tpu.vector_load %arg7[%get3A_1687] {strides = array<i32>} : memref<3328xi32, #tpu.memory_space<vmem>>, vector<16xi32>,
    %get3A_1689 = vector.shape_cast %get3A_1688 : vector<16xi32> to vector<16xi32>
    %add3A_1690 = arith.addi %get3A_1686, %get3A_1689 : vector<16xi32>
    %swap3A_1691 = arith.constant 2448 : index
    %swap3A_1692 = tpu.vector_load %arg6[%swap3A_1691] {strides = array<i32>} : memref<3328xi32, #tpu.memory_space<vmem>>, vector<16xi32>,
    %swap3A_1693 = vector.shape_cast %swap3A_1692 : vector<16xi32> to vector<16xi32>
    %swap3A_1694 = vector.shape_cast %add3A_1690 : vector<16xi32> to vector<16xi32>
    tpu.vector_store %arg6[%swap3A_1691], %swap3A_1694 {strides = array<i32>} : memref<3328xi32, #tpu.memory_space<vmem>>, vector<16xi32>,
    %get3A_1695 = arith.constant 2464 : index
    %get3A_1696 = tpu.vector_load %arg6[%get3A_1695] {strides = array<i32>} : memref<3328xi32, #tpu.memory_space<vmem>>, vector<16xi32>,
    %get3A_1697 = vector.shape_cast %get3A_1696 : vector<16xi32> to vector<16xi32>
    %get3A_1698 = arith.constant 2464 : index
    %get3A_1699 = tpu.vector_load %arg7[%get3A_1698] {strides = array<i32>} : memref<3328xi32, #tpu.memory_space<vmem>>, vector<16xi32>,
    %get3A_1700 = vector.shape_cast %get3A_1699 : vector<16xi32> to vector<16xi32>
    %add3A_1701 = arith.addi %get3A_1697, %get3A_1700 : vector<16xi32>
    %swap3A_1702 = arith.constant 2464 : index
    %swap3A_1703 = tpu.vector_load %arg6[%swap3A_1702] {strides = array<i32>} : memref<3328xi32, #tpu.memory_space<vmem>>, vector<16xi32>,
    %swap3A_1704 = vector.shape_cast %swap3A_1703 : vector<16xi32> to vector<16xi32>
    %swap3A_1705 = vector.shape_cast %add3A_1701 : vector<16xi32> to vector<16xi32>
    tpu.vector_store %arg6[%swap3A_1702], %swap3A_1705 {strides = array<i32>} : memref<3328xi32, #tpu.memory_space<vmem>>, vector<16xi32>,
    %get3A_1706 = arith.constant 2480 : index
    %get3A_1707 = tpu.vector_load %arg6[%get3A_1706] {strides = array<i32>} : memref<3328xi32, #tpu.memory_space<vmem>>, vector<16xi32>,
    %get3A_1708 = vector.shape_cast %get3A_1707 : vector<16xi32> to vector<16xi32>
    %get3A_1709 = arith.constant 2480 : index
    %get3A_1710 = tpu.vector_load %arg7[%get3A_1709] {strides = array<i32>} : memref<3328xi32, #tpu.memory_space<vmem>>, vector<16xi32>,
    %get3A_1711 = vector.shape_cast %get3A_1710 : vector<16xi32> to vector<16xi32>
    %add3A_1712 = arith.addi %get3A_1708, %get3A_1711 : vector<16xi32>
    %swap3A_1713 = arith.constant 2480 : index
    %swap3A_1714 = tpu.vector_load %arg6[%swap3A_1713] {strides = array<i32>} : memref<3328xi32, #tpu.memory_space<vmem>>, vector<16xi32>,
    %swap3A_1715 = vector.shape_cast %swap3A_1714 : vector<16xi32> to vector<16xi32>
    %swap3A_1716 = vector.shape_cast %add3A_1712 : vector<16xi32> to vector<16xi32>
    tpu.vector_store %arg6[%swap3A_1713], %swap3A_1716 {strides = array<i32>} : memref<3328xi32, #tpu.memory_space<vmem>>, vector<16xi32>,
    %get3A_1717 = arith.constant 2496 : index
    %get3A_1718 = tpu.vector_load %arg6[%get3A_1717] {strides = array<i32>} : memref<3328xi32, #tpu.memory_space<vmem>>, vector<16xi32>,
    %get3A_1719 = vector.shape_cast %get3A_1718 : vector<16xi32> to vector<16xi32>
    %get3A_1720 = arith.constant 2496 : index
    %get3A_1721 = tpu.vector_load %arg7[%get3A_1720] {strides = array<i32>} : memref<3328xi32, #tpu.memory_space<vmem>>, vector<16xi32>,
    %get3A_1722 = vector.shape_cast %get3A_1721 : vector<16xi32> to vector<16xi32>
    %add3A_1723 = arith.addi %get3A_1719, %get3A_1722 : vector<16xi32>
    %swap3A_1724 = arith.constant 2496 : index
    %swap3A_1725 = tpu.vector_load %arg6[%swap3A_1724] {strides = array<i32>} : memref<3328xi32, #tpu.memory_space<vmem>>, vector<16xi32>,
    %swap3A_1726 = vector.shape_cast %swap3A_1725 : vector<16xi32> to vector<16xi32>
    %swap3A_1727 = vector.shape_cast %add3A_1723 : vector<16xi32> to vector<16xi32>
    tpu.vector_store %arg6[%swap3A_1724], %swap3A_1727 {strides = array<i32>} : memref<3328xi32, #tpu.memory_space<vmem>>, vector<16xi32>,
    %get3A_1728 = arith.constant 2512 : index
    %get3A_1729 = tpu.vector_load %arg6[%get3A_1728] {strides = array<i32>} : memref<3328xi32, #tpu.memory_space<vmem>>, vector<16xi32>,
    %get3A_1730 = vector.shape_cast %get3A_1729 : vector<16xi32> to vector<16xi32>
    %get3A_1731 = arith.constant 2512 : index
    %get3A_1732 = tpu.vector_load %arg7[%get3A_1731] {strides = array<i32>} : memref<3328xi32, #tpu.memory_space<vmem>>, vector<16xi32>,
    %get3A_1733 = vector.shape_cast %get3A_1732 : vector<16xi32> to vector<16xi32>
    %add3A_1734 = arith.addi %get3A_1730, %get3A_1733 : vector<16xi32>
    %swap3A_1735 = arith.constant 2512 : index
    %swap3A_1736 = tpu.vector_load %arg6[%swap3A_1735] {strides = array<i32>} : memref<3328xi32, #tpu.memory_space<vmem>>, vector<16xi32>,
    %swap3A_1737 = vector.shape_cast %swap3A_1736 : vector<16xi32> to vector<16xi32>
    %swap3A_1738 = vector.shape_cast %add3A_1734 : vector<16xi32> to vector<16xi32>
    tpu.vector_store %arg6[%swap3A_1735], %swap3A_1738 {strides = array<i32>} : memref<3328xi32, #tpu.memory_space<vmem>>, vector<16xi32>,
    %get3A_1739 = arith.constant 2528 : index
    %get3A_1740 = tpu.vector_load %arg6[%get3A_1739] {strides = array<i32>} : memref<3328xi32, #tpu.memory_space<vmem>>, vector<16xi32>,
    %get3A_1741 = vector.shape_cast %get3A_1740 : vector<16xi32> to vector<16xi32>
    %get3A_1742 = arith.constant 2528 : index
    %get3A_1743 = tpu.vector_load %arg7[%get3A_1742] {strides = array<i32>} : memref<3328xi32, #tpu.memory_space<vmem>>, vector<16xi32>,
    %get3A_1744 = vector.shape_cast %get3A_1743 : vector<16xi32> to vector<16xi32>
    %add3A_1745 = arith.addi %get3A_1741, %get3A_1744 : vector<16xi32>
    %swap3A_1746 = arith.constant 2528 : index
    %swap3A_1747 = tpu.vector_load %arg6[%swap3A_1746] {strides = array<i32>} : memref<3328xi32, #tpu.memory_space<vmem>>, vector<16xi32>,
    %swap3A_1748 = vector.shape_cast %swap3A_1747 : vector<16xi32> to vector<16xi32>
    %swap3A_1749 = vector.shape_cast %add3A_1745 : vector<16xi32> to vector<16xi32>
    tpu.vector_store %arg6[%swap3A_1746], %swap3A_1749 {strides = array<i32>} : memref<3328xi32, #tpu.memory_space<vmem>>, vector<16xi32>,
    %get3A_1750 = arith.constant 2544 : index
    %get3A_1751 = tpu.vector_load %arg6[%get3A_1750] {strides = array<i32>} : memref<3328xi32, #tpu.memory_space<vmem>>, vector<16xi32>,
    %get3A_1752 = vector.shape_cast %get3A_1751 : vector<16xi32> to vector<16xi32>
    %get3A_1753 = arith.constant 2544 : index
    %get3A_1754 = tpu.vector_load %arg7[%get3A_1753] {strides = array<i32>} : memref<3328xi32, #tpu.memory_space<vmem>>, vector<16xi32>,
    %get3A_1755 = vector.shape_cast %get3A_1754 : vector<16xi32> to vector<16xi32>
    %add3A_1756 = arith.addi %get3A_1752, %get3A_1755 : vector<16xi32>
    %swap3A_1757 = arith.constant 2544 : index
    %swap3A_1758 = tpu.vector_load %arg6[%swap3A_1757] {strides = array<i32>} : memref<3328xi32, #tpu.memory_space<vmem>>, vector<16xi32>,
    %swap3A_1759 = vector.shape_cast %swap3A_1758 : vector<16xi32> to vector<16xi32>
    %swap3A_1760 = vector.shape_cast %add3A_1756 : vector<16xi32> to vector<16xi32>
    tpu.vector_store %arg6[%swap3A_1757], %swap3A_1760 {strides = array<i32>} : memref<3328xi32, #tpu.memory_space<vmem>>, vector<16xi32>,
    %get3A_1761 = arith.constant 2560 : index
    %get3A_1762 = tpu.vector_load %arg6[%get3A_1761] {strides = array<i32>} : memref<3328xi32, #tpu.memory_space<vmem>>, vector<16xi32>,
    %get3A_1763 = vector.shape_cast %get3A_1762 : vector<16xi32> to vector<16xi32>
    %get3A_1764 = arith.constant 2560 : index
    %get3A_1765 = tpu.vector_load %arg7[%get3A_1764] {strides = array<i32>} : memref<3328xi32, #tpu.memory_space<vmem>>, vector<16xi32>,
    %get3A_1766 = vector.shape_cast %get3A_1765 : vector<16xi32> to vector<16xi32>
    %add3A_1767 = arith.addi %get3A_1763, %get3A_1766 : vector<16xi32>
    %swap3A_1768 = arith.constant 2560 : index
    %swap3A_1769 = tpu.vector_load %arg6[%swap3A_1768] {strides = array<i32>} : memref<3328xi32, #tpu.memory_space<vmem>>, vector<16xi32>,
    %swap3A_1770 = vector.shape_cast %swap3A_1769 : vector<16xi32> to vector<16xi32>
    %swap3A_1771 = vector.shape_cast %add3A_1767 : vector<16xi32> to vector<16xi32>
    tpu.vector_store %arg6[%swap3A_1768], %swap3A_1771 {strides = array<i32>} : memref<3328xi32, #tpu.memory_space<vmem>>, vector<16xi32>,
    %get3A_1772 = arith.constant 2576 : index
    %get3A_1773 = tpu.vector_load %arg6[%get3A_1772] {strides = array<i32>} : memref<3328xi32, #tpu.memory_space<vmem>>, vector<16xi32>,
    %get3A_1774 = vector.shape_cast %get3A_1773 : vector<16xi32> to vector<16xi32>
    %get3A_1775 = arith.constant 2576 : index
    %get3A_1776 = tpu.vector_load %arg7[%get3A_1775] {strides = array<i32>} : memref<3328xi32, #tpu.memory_space<vmem>>, vector<16xi32>,
    %get3A_1777 = vector.shape_cast %get3A_1776 : vector<16xi32> to vector<16xi32>
    %add3A_1778 = arith.addi %get3A_1774, %get3A_1777 : vector<16xi32>
    %swap3A_1779 = arith.constant 2576 : index
    %swap3A_1780 = tpu.vector_load %arg6[%swap3A_1779] {strides = array<i32>} : memref<3328xi32, #tpu.memory_space<vmem>>, vector<16xi32>,
    %swap3A_1781 = vector.shape_cast %swap3A_1780 : vector<16xi32> to vector<16xi32>
    %swap3A_1782 = vector.shape_cast %add3A_1778 : vector<16xi32> to vector<16xi32>
    tpu.vector_store %arg6[%swap3A_1779], %swap3A_1782 {strides = array<i32>} : memref<3328xi32, #tpu.memory_space<vmem>>, vector<16xi32>,
    %get3A_1783 = arith.constant 2592 : index
    %get3A_1784 = tpu.vector_load %arg6[%get3A_1783] {strides = array<i32>} : memref<3328xi32, #tpu.memory_space<vmem>>, vector<16xi32>,
    %get3A_1785 = vector.shape_cast %get3A_1784 : vector<16xi32> to vector<16xi32>
    %get3A_1786 = arith.constant 2592 : index
    %get3A_1787 = tpu.vector_load %arg7[%get3A_1786] {strides = array<i32>} : memref<3328xi32, #tpu.memory_space<vmem>>, vector<16xi32>,
    %get3A_1788 = vector.shape_cast %get3A_1787 : vector<16xi32> to vector<16xi32>
    %add3A_1789 = arith.addi %get3A_1785, %get3A_1788 : vector<16xi32>
    %swap3A_1790 = arith.constant 2592 : index
    %swap3A_1791 = tpu.vector_load %arg6[%swap3A_1790] {strides = array<i32>} : memref<3328xi32, #tpu.memory_space<vmem>>, vector<16xi32>,
    %swap3A_1792 = vector.shape_cast %swap3A_1791 : vector<16xi32> to vector<16xi32>
    %swap3A_1793 = vector.shape_cast %add3A_1789 : vector<16xi32> to vector<16xi32>
    tpu.vector_store %arg6[%swap3A_1790], %swap3A_1793 {strides = array<i32>} : memref<3328xi32, #tpu.memory_space<vmem>>, vector<16xi32>,
    %get3A_1794 = arith.constant 2608 : index
    %get3A_1795 = tpu.vector_load %arg6[%get3A_1794] {strides = array<i32>} : memref<3328xi32, #tpu.memory_space<vmem>>, vector<16xi32>,
    %get3A_1796 = vector.shape_cast %get3A_1795 : vector<16xi32> to vector<16xi32>
    %get3A_1797 = arith.constant 2608 : index
    %get3A_1798 = tpu.vector_load %arg7[%get3A_1797] {strides = array<i32>} : memref<3328xi32, #tpu.memory_space<vmem>>, vector<16xi32>,
    %get3A_1799 = vector.shape_cast %get3A_1798 : vector<16xi32> to vector<16xi32>
    %add3A_1800 = arith.addi %get3A_1796, %get3A_1799 : vector<16xi32>
    %swap3A_1801 = arith.constant 2608 : index
    %swap3A_1802 = tpu.vector_load %arg6[%swap3A_1801] {strides = array<i32>} : memref<3328xi32, #tpu.memory_space<vmem>>, vector<16xi32>,
    %swap3A_1803 = vector.shape_cast %swap3A_1802 : vector<16xi32> to vector<16xi32>
    %swap3A_1804 = vector.shape_cast %add3A_1800 : vector<16xi32> to vector<16xi32>
    tpu.vector_store %arg6[%swap3A_1801], %swap3A_1804 {strides = array<i32>} : memref<3328xi32, #tpu.memory_space<vmem>>, vector<16xi32>,
    %get3A_1805 = arith.constant 2624 : index
    %get3A_1806 = tpu.vector_load %arg6[%get3A_1805] {strides = array<i32>} : memref<3328xi32, #tpu.memory_space<vmem>>, vector<16xi32>,
    %get3A_1807 = vector.shape_cast %get3A_1806 : vector<16xi32> to vector<16xi32>
    %get3A_1808 = arith.constant 2624 : index
    %get3A_1809 = tpu.vector_load %arg7[%get3A_1808] {strides = array<i32>} : memref<3328xi32, #tpu.memory_space<vmem>>, vector<16xi32>,
    %get3A_1810 = vector.shape_cast %get3A_1809 : vector<16xi32> to vector<16xi32>
    %add3A_1811 = arith.addi %get3A_1807, %get3A_1810 : vector<16xi32>
    %swap3A_1812 = arith.constant 2624 : index
    %swap3A_1813 = tpu.vector_load %arg6[%swap3A_1812] {strides = array<i32>} : memref<3328xi32, #tpu.memory_space<vmem>>, vector<16xi32>,
    %swap3A_1814 = vector.shape_cast %swap3A_1813 : vector<16xi32> to vector<16xi32>
    %swap3A_1815 = vector.shape_cast %add3A_1811 : vector<16xi32> to vector<16xi32>
    tpu.vector_store %arg6[%swap3A_1812], %swap3A_1815 {strides = array<i32>} : memref<3328xi32, #tpu.memory_space<vmem>>, vector<16xi32>,
    %get3A_1816 = arith.constant 2640 : index
    %get3A_1817 = tpu.vector_load %arg6[%get3A_1816] {strides = array<i32>} : memref<3328xi32, #tpu.memory_space<vmem>>, vector<16xi32>,
    %get3A_1818 = vector.shape_cast %get3A_1817 : vector<16xi32> to vector<16xi32>
    %get3A_1819 = arith.constant 2640 : index
    %get3A_1820 = tpu.vector_load %arg7[%get3A_1819] {strides = array<i32>} : memref<3328xi32, #tpu.memory_space<vmem>>, vector<16xi32>,
    %get3A_1821 = vector.shape_cast %get3A_1820 : vector<16xi32> to vector<16xi32>
    %add3A_1822 = arith.addi %get3A_1818, %get3A_1821 : vector<16xi32>
    %swap3A_1823 = arith.constant 2640 : index
    %swap3A_1824 = tpu.vector_load %arg6[%swap3A_1823] {strides = array<i32>} : memref<3328xi32, #tpu.memory_space<vmem>>, vector<16xi32>,
    %swap3A_1825 = vector.shape_cast %swap3A_1824 : vector<16xi32> to vector<16xi32>
    %swap3A_1826 = vector.shape_cast %add3A_1822 : vector<16xi32> to vector<16xi32>
    tpu.vector_store %arg6[%swap3A_1823], %swap3A_1826 {strides = array<i32>} : memref<3328xi32, #tpu.memory_space<vmem>>, vector<16xi32>,
    %get3A_1827 = arith.constant 2656 : index
    %get3A_1828 = tpu.vector_load %arg6[%get3A_1827] {strides = array<i32>} : memref<3328xi32, #tpu.memory_space<vmem>>, vector<16xi32>,
    %get3A_1829 = vector.shape_cast %get3A_1828 : vector<16xi32> to vector<16xi32>
    %get3A_1830 = arith.constant 2656 : index
    %get3A_1831 = tpu.vector_load %arg7[%get3A_1830] {strides = array<i32>} : memref<3328xi32, #tpu.memory_space<vmem>>, vector<16xi32>,
    %get3A_1832 = vector.shape_cast %get3A_1831 : vector<16xi32> to vector<16xi32>
    %add3A_1833 = arith.addi %get3A_1829, %get3A_1832 : vector<16xi32>
    %swap3A_1834 = arith.constant 2656 : index
    %swap3A_1835 = tpu.vector_load %arg6[%swap3A_1834] {strides = array<i32>} : memref<3328xi32, #tpu.memory_space<vmem>>, vector<16xi32>,
    %swap3A_1836 = vector.shape_cast %swap3A_1835 : vector<16xi32> to vector<16xi32>
    %swap3A_1837 = vector.shape_cast %add3A_1833 : vector<16xi32> to vector<16xi32>
    tpu.vector_store %arg6[%swap3A_1834], %swap3A_1837 {strides = array<i32>} : memref<3328xi32, #tpu.memory_space<vmem>>, vector<16xi32>,
    %get3A_1838 = arith.constant 2672 : index
    %get3A_1839 = tpu.vector_load %arg6[%get3A_1838] {strides = array<i32>} : memref<3328xi32, #tpu.memory_space<vmem>>, vector<16xi32>,
    %get3A_1840 = vector.shape_cast %get3A_1839 : vector<16xi32> to vector<16xi32>
    %get3A_1841 = arith.constant 2672 : index
    %get3A_1842 = tpu.vector_load %arg7[%get3A_1841] {strides = array<i32>} : memref<3328xi32, #tpu.memory_space<vmem>>, vector<16xi32>,
    %get3A_1843 = vector.shape_cast %get3A_1842 : vector<16xi32> to vector<16xi32>
    %add3A_1844 = arith.addi %get3A_1840, %get3A_1843 : vector<16xi32>
    %swap3A_1845 = arith.constant 2672 : index
    %swap3A_1846 = tpu.vector_load %arg6[%swap3A_1845] {strides = array<i32>} : memref<3328xi32, #tpu.memory_space<vmem>>, vector<16xi32>,
    %swap3A_1847 = vector.shape_cast %swap3A_1846 : vector<16xi32> to vector<16xi32>
    %swap3A_1848 = vector.shape_cast %add3A_1844 : vector<16xi32> to vector<16xi32>
    tpu.vector_store %arg6[%swap3A_1845], %swap3A_1848 {strides = array<i32>} : memref<3328xi32, #tpu.memory_space<vmem>>, vector<16xi32>,
    %get3A_1849 = arith.constant 2688 : index
    %get3A_1850 = tpu.vector_load %arg6[%get3A_1849] {strides = array<i32>} : memref<3328xi32, #tpu.memory_space<vmem>>, vector<16xi32>,
    %get3A_1851 = vector.shape_cast %get3A_1850 : vector<16xi32> to vector<16xi32>
    %get3A_1852 = arith.constant 2688 : index
    %get3A_1853 = tpu.vector_load %arg7[%get3A_1852] {strides = array<i32>} : memref<3328xi32, #tpu.memory_space<vmem>>, vector<16xi32>,
    %get3A_1854 = vector.shape_cast %get3A_1853 : vector<16xi32> to vector<16xi32>
    %add3A_1855 = arith.addi %get3A_1851, %get3A_1854 : vector<16xi32>
    %swap3A_1856 = arith.constant 2688 : index
    %swap3A_1857 = tpu.vector_load %arg6[%swap3A_1856] {strides = array<i32>} : memref<3328xi32, #tpu.memory_space<vmem>>, vector<16xi32>,
    %swap3A_1858 = vector.shape_cast %swap3A_1857 : vector<16xi32> to vector<16xi32>
    %swap3A_1859 = vector.shape_cast %add3A_1855 : vector<16xi32> to vector<16xi32>
    tpu.vector_store %arg6[%swap3A_1856], %swap3A_1859 {strides = array<i32>} : memref<3328xi32, #tpu.memory_space<vmem>>, vector<16xi32>,
    %get3A_1860 = arith.constant 2704 : index
    %get3A_1861 = tpu.vector_load %arg6[%get3A_1860] {strides = array<i32>} : memref<3328xi32, #tpu.memory_space<vmem>>, vector<16xi32>,
    %get3A_1862 = vector.shape_cast %get3A_1861 : vector<16xi32> to vector<16xi32>
    %get3A_1863 = arith.constant 2704 : index
    %get3A_1864 = tpu.vector_load %arg7[%get3A_1863] {strides = array<i32>} : memref<3328xi32, #tpu.memory_space<vmem>>, vector<16xi32>,
    %get3A_1865 = vector.shape_cast %get3A_1864 : vector<16xi32> to vector<16xi32>
    %add3A_1866 = arith.addi %get3A_1862, %get3A_1865 : vector<16xi32>
    %swap3A_1867 = arith.constant 2704 : index
    %swap3A_1868 = tpu.vector_load %arg6[%swap3A_1867] {strides = array<i32>} : memref<3328xi32, #tpu.memory_space<vmem>>, vector<16xi32>,
    %swap3A_1869 = vector.shape_cast %swap3A_1868 : vector<16xi32> to vector<16xi32>
    %swap3A_1870 = vector.shape_cast %add3A_1866 : vector<16xi32> to vector<16xi32>
    tpu.vector_store %arg6[%swap3A_1867], %swap3A_1870 {strides = array<i32>} : memref<3328xi32, #tpu.memory_space<vmem>>, vector<16xi32>,
    %get3A_1871 = arith.constant 2720 : index
    %get3A_1872 = tpu.vector_load %arg6[%get3A_1871] {strides = array<i32>} : memref<3328xi32, #tpu.memory_space<vmem>>, vector<16xi32>,
    %get3A_1873 = vector.shape_cast %get3A_1872 : vector<16xi32> to vector<16xi32>
    %get3A_1874 = arith.constant 2720 : index
    %get3A_1875 = tpu.vector_load %arg7[%get3A_1874] {strides = array<i32>} : memref<3328xi32, #tpu.memory_space<vmem>>, vector<16xi32>,
    %get3A_1876 = vector.shape_cast %get3A_1875 : vector<16xi32> to vector<16xi32>
    %add3A_1877 = arith.addi %get3A_1873, %get3A_1876 : vector<16xi32>
    %swap3A_1878 = arith.constant 2720 : index
    %swap3A_1879 = tpu.vector_load %arg6[%swap3A_1878] {strides = array<i32>} : memref<3328xi32, #tpu.memory_space<vmem>>, vector<16xi32>,
    %swap3A_1880 = vector.shape_cast %swap3A_1879 : vector<16xi32> to vector<16xi32>
    %swap3A_1881 = vector.shape_cast %add3A_1877 : vector<16xi32> to vector<16xi32>
    tpu.vector_store %arg6[%swap3A_1878], %swap3A_1881 {strides = array<i32>} : memref<3328xi32, #tpu.memory_space<vmem>>, vector<16xi32>,
    %get3A_1882 = arith.constant 2736 : index
    %get3A_1883 = tpu.vector_load %arg6[%get3A_1882] {strides = array<i32>} : memref<3328xi32, #tpu.memory_space<vmem>>, vector<16xi32>,
    %get3A_1884 = vector.shape_cast %get3A_1883 : vector<16xi32> to vector<16xi32>
    %get3A_1885 = arith.constant 2736 : index
    %get3A_1886 = tpu.vector_load %arg7[%get3A_1885] {strides = array<i32>} : memref<3328xi32, #tpu.memory_space<vmem>>, vector<16xi32>,
    %get3A_1887 = vector.shape_cast %get3A_1886 : vector<16xi32> to vector<16xi32>
    %add3A_1888 = arith.addi %get3A_1884, %get3A_1887 : vector<16xi32>
    %swap3A_1889 = arith.constant 2736 : index
    %swap3A_1890 = tpu.vector_load %arg6[%swap3A_1889] {strides = array<i32>} : memref<3328xi32, #tpu.memory_space<vmem>>, vector<16xi32>,
    %swap3A_1891 = vector.shape_cast %swap3A_1890 : vector<16xi32> to vector<16xi32>
    %swap3A_1892 = vector.shape_cast %add3A_1888 : vector<16xi32> to vector<16xi32>
    tpu.vector_store %arg6[%swap3A_1889], %swap3A_1892 {strides = array<i32>} : memref<3328xi32, #tpu.memory_space<vmem>>, vector<16xi32>,
    %get3A_1893 = arith.constant 2752 : index
    %get3A_1894 = tpu.vector_load %arg6[%get3A_1893] {strides = array<i32>} : memref<3328xi32, #tpu.memory_space<vmem>>, vector<16xi32>,
    %get3A_1895 = vector.shape_cast %get3A_1894 : vector<16xi32> to vector<16xi32>
    %get3A_1896 = arith.constant 2752 : index
    %get3A_1897 = tpu.vector_load %arg7[%get3A_1896] {strides = array<i32>} : memref<3328xi32, #tpu.memory_space<vmem>>, vector<16xi32>,
    %get3A_1898 = vector.shape_cast %get3A_1897 : vector<16xi32> to vector<16xi32>
    %add3A_1899 = arith.addi %get3A_1895, %get3A_1898 : vector<16xi32>
    %swap3A_1900 = arith.constant 2752 : index
    %swap3A_1901 = tpu.vector_load %arg6[%swap3A_1900] {strides = array<i32>} : memref<3328xi32, #tpu.memory_space<vmem>>, vector<16xi32>,
    %swap3A_1902 = vector.shape_cast %swap3A_1901 : vector<16xi32> to vector<16xi32>
    %swap3A_1903 = vector.shape_cast %add3A_1899 : vector<16xi32> to vector<16xi32>
    tpu.vector_store %arg6[%swap3A_1900], %swap3A_1903 {strides = array<i32>} : memref<3328xi32, #tpu.memory_space<vmem>>, vector<16xi32>,
    %get3A_1904 = arith.constant 2768 : index
    %get3A_1905 = tpu.vector_load %arg6[%get3A_1904] {strides = array<i32>} : memref<3328xi32, #tpu.memory_space<vmem>>, vector<16xi32>,
    %get3A_1906 = vector.shape_cast %get3A_1905 : vector<16xi32> to vector<16xi32>
    %get3A_1907 = arith.constant 2768 : index
    %get3A_1908 = tpu.vector_load %arg7[%get3A_1907] {strides = array<i32>} : memref<3328xi32, #tpu.memory_space<vmem>>, vector<16xi32>,
    %get3A_1909 = vector.shape_cast %get3A_1908 : vector<16xi32> to vector<16xi32>
    %add3A_1910 = arith.addi %get3A_1906, %get3A_1909 : vector<16xi32>
    %swap3A_1911 = arith.constant 2768 : index
    %swap3A_1912 = tpu.vector_load %arg6[%swap3A_1911] {strides = array<i32>} : memref<3328xi32, #tpu.memory_space<vmem>>, vector<16xi32>,
    %swap3A_1913 = vector.shape_cast %swap3A_1912 : vector<16xi32> to vector<16xi32>
    %swap3A_1914 = vector.shape_cast %add3A_1910 : vector<16xi32> to vector<16xi32>
    tpu.vector_store %arg6[%swap3A_1911], %swap3A_1914 {strides = array<i32>} : memref<3328xi32, #tpu.memory_space<vmem>>, vector<16xi32>,
    %get3A_1915 = arith.constant 2784 : index
    %get3A_1916 = tpu.vector_load %arg6[%get3A_1915] {strides = array<i32>} : memref<3328xi32, #tpu.memory_space<vmem>>, vector<16xi32>,
    %get3A_1917 = vector.shape_cast %get3A_1916 : vector<16xi32> to vector<16xi32>
    %get3A_1918 = arith.constant 2784 : index
    %get3A_1919 = tpu.vector_load %arg7[%get3A_1918] {strides = array<i32>} : memref<3328xi32, #tpu.memory_space<vmem>>, vector<16xi32>,
    %get3A_1920 = vector.shape_cast %get3A_1919 : vector<16xi32> to vector<16xi32>
    %add3A_1921 = arith.addi %get3A_1917, %get3A_1920 : vector<16xi32>
    %swap3A_1922 = arith.constant 2784 : index
    %swap3A_1923 = tpu.vector_load %arg6[%swap3A_1922] {strides = array<i32>} : memref<3328xi32, #tpu.memory_space<vmem>>, vector<16xi32>,
    %swap3A_1924 = vector.shape_cast %swap3A_1923 : vector<16xi32> to vector<16xi32>
    %swap3A_1925 = vector.shape_cast %add3A_1921 : vector<16xi32> to vector<16xi32>
    tpu.vector_store %arg6[%swap3A_1922], %swap3A_1925 {strides = array<i32>} : memref<3328xi32, #tpu.memory_space<vmem>>, vector<16xi32>,
    %get3A_1926 = arith.constant 2800 : index
    %get3A_1927 = tpu.vector_load %arg6[%get3A_1926] {strides = array<i32>} : memref<3328xi32, #tpu.memory_space<vmem>>, vector<16xi32>,
    %get3A_1928 = vector.shape_cast %get3A_1927 : vector<16xi32> to vector<16xi32>
    %get3A_1929 = arith.constant 2800 : index
    %get3A_1930 = tpu.vector_load %arg7[%get3A_1929] {strides = array<i32>} : memref<3328xi32, #tpu.memory_space<vmem>>, vector<16xi32>,
    %get3A_1931 = vector.shape_cast %get3A_1930 : vector<16xi32> to vector<16xi32>
    %add3A_1932 = arith.addi %get3A_1928, %get3A_1931 : vector<16xi32>
    %swap3A_1933 = arith.constant 2800 : index
    %swap3A_1934 = tpu.vector_load %arg6[%swap3A_1933] {strides = array<i32>} : memref<3328xi32, #tpu.memory_space<vmem>>, vector<16xi32>,
    %swap3A_1935 = vector.shape_cast %swap3A_1934 : vector<16xi32> to vector<16xi32>
    %swap3A_1936 = vector.shape_cast %add3A_1932 : vector<16xi32> to vector<16xi32>
    tpu.vector_store %arg6[%swap3A_1933], %swap3A_1936 {strides = array<i32>} : memref<3328xi32, #tpu.memory_space<vmem>>, vector<16xi32>,
    %get3A_1937 = arith.constant 2816 : index
    %get3A_1938 = tpu.vector_load %arg6[%get3A_1937] {strides = array<i32>} : memref<3328xi32, #tpu.memory_space<vmem>>, vector<16xi32>,
    %get3A_1939 = vector.shape_cast %get3A_1938 : vector<16xi32> to vector<16xi32>
    %get3A_1940 = arith.constant 2816 : index
    %get3A_1941 = tpu.vector_load %arg7[%get3A_1940] {strides = array<i32>} : memref<3328xi32, #tpu.memory_space<vmem>>, vector<16xi32>,
    %get3A_1942 = vector.shape_cast %get3A_1941 : vector<16xi32> to vector<16xi32>
    %add3A_1943 = arith.addi %get3A_1939, %get3A_1942 : vector<16xi32>
    %swap3A_1944 = arith.constant 2816 : index
    %swap3A_1945 = tpu.vector_load %arg6[%swap3A_1944] {strides = array<i32>} : memref<3328xi32, #tpu.memory_space<vmem>>, vector<16xi32>,
    %swap3A_1946 = vector.shape_cast %swap3A_1945 : vector<16xi32> to vector<16xi32>
    %swap3A_1947 = vector.shape_cast %add3A_1943 : vector<16xi32> to vector<16xi32>
    tpu.vector_store %arg6[%swap3A_1944], %swap3A_1947 {strides = array<i32>} : memref<3328xi32, #tpu.memory_space<vmem>>, vector<16xi32>,
    %get3A_1948 = arith.constant 2832 : index
    %get3A_1949 = tpu.vector_load %arg6[%get3A_1948] {strides = array<i32>} : memref<3328xi32, #tpu.memory_space<vmem>>, vector<16xi32>,
    %get3A_1950 = vector.shape_cast %get3A_1949 : vector<16xi32> to vector<16xi32>
    %get3A_1951 = arith.constant 2832 : index
    %get3A_1952 = tpu.vector_load %arg7[%get3A_1951] {strides = array<i32>} : memref<3328xi32, #tpu.memory_space<vmem>>, vector<16xi32>,
    %get3A_1953 = vector.shape_cast %get3A_1952 : vector<16xi32> to vector<16xi32>
    %add3A_1954 = arith.addi %get3A_1950, %get3A_1953 : vector<16xi32>
    %swap3A_1955 = arith.constant 2832 : index
    %swap3A_1956 = tpu.vector_load %arg6[%swap3A_1955] {strides = array<i32>} : memref<3328xi32, #tpu.memory_space<vmem>>, vector<16xi32>,
    %swap3A_1957 = vector.shape_cast %swap3A_1956 : vector<16xi32> to vector<16xi32>
    %swap3A_1958 = vector.shape_cast %add3A_1954 : vector<16xi32> to vector<16xi32>
    tpu.vector_store %arg6[%swap3A_1955], %swap3A_1958 {strides = array<i32>} : memref<3328xi32, #tpu.memory_space<vmem>>, vector<16xi32>,
    %get3A_1959 = arith.constant 2848 : index
    %get3A_1960 = tpu.vector_load %arg6[%get3A_1959] {strides = array<i32>} : memref<3328xi32, #tpu.memory_space<vmem>>, vector<16xi32>,
    %get3A_1961 = vector.shape_cast %get3A_1960 : vector<16xi32> to vector<16xi32>
    %get3A_1962 = arith.constant 2848 : index
    %get3A_1963 = tpu.vector_load %arg7[%get3A_1962] {strides = array<i32>} : memref<3328xi32, #tpu.memory_space<vmem>>, vector<16xi32>,
    %get3A_1964 = vector.shape_cast %get3A_1963 : vector<16xi32> to vector<16xi32>
    %add3A_1965 = arith.addi %get3A_1961, %get3A_1964 : vector<16xi32>
    %swap3A_1966 = arith.constant 2848 : index
    %swap3A_1967 = tpu.vector_load %arg6[%swap3A_1966] {strides = array<i32>} : memref<3328xi32, #tpu.memory_space<vmem>>, vector<16xi32>,
    %swap3A_1968 = vector.shape_cast %swap3A_1967 : vector<16xi32> to vector<16xi32>
    %swap3A_1969 = vector.shape_cast %add3A_1965 : vector<16xi32> to vector<16xi32>
    tpu.vector_store %arg6[%swap3A_1966], %swap3A_1969 {strides = array<i32>} : memref<3328xi32, #tpu.memory_space<vmem>>, vector<16xi32>,
    %get3A_1970 = arith.constant 2864 : index
    %get3A_1971 = tpu.vector_load %arg6[%get3A_1970] {strides = array<i32>} : memref<3328xi32, #tpu.memory_space<vmem>>, vector<16xi32>,
    %get3A_1972 = vector.shape_cast %get3A_1971 : vector<16xi32> to vector<16xi32>
    %get3A_1973 = arith.constant 2864 : index
    %get3A_1974 = tpu.vector_load %arg7[%get3A_1973] {strides = array<i32>} : memref<3328xi32, #tpu.memory_space<vmem>>, vector<16xi32>,
    %get3A_1975 = vector.shape_cast %get3A_1974 : vector<16xi32> to vector<16xi32>
    %add3A_1976 = arith.addi %get3A_1972, %get3A_1975 : vector<16xi32>
    %swap3A_1977 = arith.constant 2864 : index
    %swap3A_1978 = tpu.vector_load %arg6[%swap3A_1977] {strides = array<i32>} : memref<3328xi32, #tpu.memory_space<vmem>>, vector<16xi32>,
    %swap3A_1979 = vector.shape_cast %swap3A_1978 : vector<16xi32> to vector<16xi32>
    %swap3A_1980 = vector.shape_cast %add3A_1976 : vector<16xi32> to vector<16xi32>
    tpu.vector_store %arg6[%swap3A_1977], %swap3A_1980 {strides = array<i32>} : memref<3328xi32, #tpu.memory_space<vmem>>, vector<16xi32>,
    %get3A_1981 = arith.constant 2880 : index
    %get3A_1982 = tpu.vector_load %arg6[%get3A_1981] {strides = array<i32>} : memref<3328xi32, #tpu.memory_space<vmem>>, vector<16xi32>,
    %get3A_1983 = vector.shape_cast %get3A_1982 : vector<16xi32> to vector<16xi32>
    %get3A_1984 = arith.constant 2880 : index
    %get3A_1985 = tpu.vector_load %arg7[%get3A_1984] {strides = array<i32>} : memref<3328xi32, #tpu.memory_space<vmem>>, vector<16xi32>,
    %get3A_1986 = vector.shape_cast %get3A_1985 : vector<16xi32> to vector<16xi32>
    %add3A_1987 = arith.addi %get3A_1983, %get3A_1986 : vector<16xi32>
    %swap3A_1988 = arith.constant 2880 : index
    %swap3A_1989 = tpu.vector_load %arg6[%swap3A_1988] {strides = array<i32>} : memref<3328xi32, #tpu.memory_space<vmem>>, vector<16xi32>,
    %swap3A_1990 = vector.shape_cast %swap3A_1989 : vector<16xi32> to vector<16xi32>
    %swap3A_1991 = vector.shape_cast %add3A_1987 : vector<16xi32> to vector<16xi32>
    tpu.vector_store %arg6[%swap3A_1988], %swap3A_1991 {strides = array<i32>} : memref<3328xi32, #tpu.memory_space<vmem>>, vector<16xi32>,
    %get3A_1992 = arith.constant 2896 : index
    %get3A_1993 = tpu.vector_load %arg6[%get3A_1992] {strides = array<i32>} : memref<3328xi32, #tpu.memory_space<vmem>>, vector<16xi32>,
    %get3A_1994 = vector.shape_cast %get3A_1993 : vector<16xi32> to vector<16xi32>
    %get3A_1995 = arith.constant 2896 : index
    %get3A_1996 = tpu.vector_load %arg7[%get3A_1995] {strides = array<i32>} : memref<3328xi32, #tpu.memory_space<vmem>>, vector<16xi32>,
    %get3A_1997 = vector.shape_cast %get3A_1996 : vector<16xi32> to vector<16xi32>
    %add3A_1998 = arith.addi %get3A_1994, %get3A_1997 : vector<16xi32>
    %swap3A_1999 = arith.constant 2896 : index
    %swap3A_2000 = tpu.vector_load %arg6[%swap3A_1999] {strides = array<i32>} : memref<3328xi32, #tpu.memory_space<vmem>>, vector<16xi32>,
    %swap3A_2001 = vector.shape_cast %swap3A_2000 : vector<16xi32> to vector<16xi32>
    %swap3A_2002 = vector.shape_cast %add3A_1998 : vector<16xi32> to vector<16xi32>
    tpu.vector_store %arg6[%swap3A_1999], %swap3A_2002 {strides = array<i32>} : memref<3328xi32, #tpu.memory_space<vmem>>, vector<16xi32>,
    %get3A_2003 = arith.constant 2912 : index
    %get3A_2004 = tpu.vector_load %arg6[%get3A_2003] {strides = array<i32>} : memref<3328xi32, #tpu.memory_space<vmem>>, vector<16xi32>,
    %get3A_2005 = vector.shape_cast %get3A_2004 : vector<16xi32> to vector<16xi32>
    %get3A_2006 = arith.constant 2912 : index
    %get3A_2007 = tpu.vector_load %arg7[%get3A_2006] {strides = array<i32>} : memref<3328xi32, #tpu.memory_space<vmem>>, vector<16xi32>,
    %get3A_2008 = vector.shape_cast %get3A_2007 : vector<16xi32> to vector<16xi32>
    %add3A_2009 = arith.addi %get3A_2005, %get3A_2008 : vector<16xi32>
    %swap3A_2010 = arith.constant 2912 : index
    %swap3A_2011 = tpu.vector_load %arg6[%swap3A_2010] {strides = array<i32>} : memref<3328xi32, #tpu.memory_space<vmem>>, vector<16xi32>,
    %swap3A_2012 = vector.shape_cast %swap3A_2011 : vector<16xi32> to vector<16xi32>
    %swap3A_2013 = vector.shape_cast %add3A_2009 : vector<16xi32> to vector<16xi32>
    tpu.vector_store %arg6[%swap3A_2010], %swap3A_2013 {strides = array<i32>} : memref<3328xi32, #tpu.memory_space<vmem>>, vector<16xi32>,
    %get3A_2014 = arith.constant 2928 : index
    %get3A_2015 = tpu.vector_load %arg6[%get3A_2014] {strides = array<i32>} : memref<3328xi32, #tpu.memory_space<vmem>>, vector<16xi32>,
    %get3A_2016 = vector.shape_cast %get3A_2015 : vector<16xi32> to vector<16xi32>
    %get3A_2017 = arith.constant 2928 : index
    %get3A_2018 = tpu.vector_load %arg7[%get3A_2017] {strides = array<i32>} : memref<3328xi32, #tpu.memory_space<vmem>>, vector<16xi32>,
    %get3A_2019 = vector.shape_cast %get3A_2018 : vector<16xi32> to vector<16xi32>
    %add3A_2020 = arith.addi %get3A_2016, %get3A_2019 : vector<16xi32>
    %swap3A_2021 = arith.constant 2928 : index
    %swap3A_2022 = tpu.vector_load %arg6[%swap3A_2021] {strides = array<i32>} : memref<3328xi32, #tpu.memory_space<vmem>>, vector<16xi32>,
    %swap3A_2023 = vector.shape_cast %swap3A_2022 : vector<16xi32> to vector<16xi32>
    %swap3A_2024 = vector.shape_cast %add3A_2020 : vector<16xi32> to vector<16xi32>
    tpu.vector_store %arg6[%swap3A_2021], %swap3A_2024 {strides = array<i32>} : memref<3328xi32, #tpu.memory_space<vmem>>, vector<16xi32>,
    %get3A_2025 = arith.constant 2944 : index
    %get3A_2026 = tpu.vector_load %arg6[%get3A_2025] {strides = array<i32>} : memref<3328xi32, #tpu.memory_space<vmem>>, vector<16xi32>,
    %get3A_2027 = vector.shape_cast %get3A_2026 : vector<16xi32> to vector<16xi32>
    %get3A_2028 = arith.constant 2944 : index
    %get3A_2029 = tpu.vector_load %arg7[%get3A_2028] {strides = array<i32>} : memref<3328xi32, #tpu.memory_space<vmem>>, vector<16xi32>,
    %get3A_2030 = vector.shape_cast %get3A_2029 : vector<16xi32> to vector<16xi32>
    %add3A_2031 = arith.addi %get3A_2027, %get3A_2030 : vector<16xi32>
    %swap3A_2032 = arith.constant 2944 : index
    %swap3A_2033 = tpu.vector_load %arg6[%swap3A_2032] {strides = array<i32>} : memref<3328xi32, #tpu.memory_space<vmem>>, vector<16xi32>,
    %swap3A_2034 = vector.shape_cast %swap3A_2033 : vector<16xi32> to vector<16xi32>
    %swap3A_2035 = vector.shape_cast %add3A_2031 : vector<16xi32> to vector<16xi32>
    tpu.vector_store %arg6[%swap3A_2032], %swap3A_2035 {strides = array<i32>} : memref<3328xi32, #tpu.memory_space<vmem>>, vector<16xi32>,
    %get3A_2036 = arith.constant 2960 : index
    %get3A_2037 = tpu.vector_load %arg6[%get3A_2036] {strides = array<i32>} : memref<3328xi32, #tpu.memory_space<vmem>>, vector<16xi32>,
    %get3A_2038 = vector.shape_cast %get3A_2037 : vector<16xi32> to vector<16xi32>
    %get3A_2039 = arith.constant 2960 : index
    %get3A_2040 = tpu.vector_load %arg7[%get3A_2039] {strides = array<i32>} : memref<3328xi32, #tpu.memory_space<vmem>>, vector<16xi32>,
    %get3A_2041 = vector.shape_cast %get3A_2040 : vector<16xi32> to vector<16xi32>
    %add3A_2042 = arith.addi %get3A_2038, %get3A_2041 : vector<16xi32>
    %swap3A_2043 = arith.constant 2960 : index
    %swap3A_2044 = tpu.vector_load %arg6[%swap3A_2043] {strides = array<i32>} : memref<3328xi32, #tpu.memory_space<vmem>>, vector<16xi32>,
    %swap3A_2045 = vector.shape_cast %swap3A_2044 : vector<16xi32> to vector<16xi32>
    %swap3A_2046 = vector.shape_cast %add3A_2042 : vector<16xi32> to vector<16xi32>
    tpu.vector_store %arg6[%swap3A_2043], %swap3A_2046 {strides = array<i32>} : memref<3328xi32, #tpu.memory_space<vmem>>, vector<16xi32>,
    %get3A_2047 = arith.constant 2976 : index
    %get3A_2048 = tpu.vector_load %arg6[%get3A_2047] {strides = array<i32>} : memref<3328xi32, #tpu.memory_space<vmem>>, vector<16xi32>,
    %get3A_2049 = vector.shape_cast %get3A_2048 : vector<16xi32> to vector<16xi32>
    %get3A_2050 = arith.constant 2976 : index
    %get3A_2051 = tpu.vector_load %arg7[%get3A_2050] {strides = array<i32>} : memref<3328xi32, #tpu.memory_space<vmem>>, vector<16xi32>,
    %get3A_2052 = vector.shape_cast %get3A_2051 : vector<16xi32> to vector<16xi32>
    %add3A_2053 = arith.addi %get3A_2049, %get3A_2052 : vector<16xi32>
    %swap3A_2054 = arith.constant 2976 : index
    %swap3A_2055 = tpu.vector_load %arg6[%swap3A_2054] {strides = array<i32>} : memref<3328xi32, #tpu.memory_space<vmem>>, vector<16xi32>,
    %swap3A_2056 = vector.shape_cast %swap3A_2055 : vector<16xi32> to vector<16xi32>
    %swap3A_2057 = vector.shape_cast %add3A_2053 : vector<16xi32> to vector<16xi32>
    tpu.vector_store %arg6[%swap3A_2054], %swap3A_2057 {strides = array<i32>} : memref<3328xi32, #tpu.memory_space<vmem>>, vector<16xi32>,
    %get3A_2058 = arith.constant 2992 : index
    %get3A_2059 = tpu.vector_load %arg6[%get3A_2058] {strides = array<i32>} : memref<3328xi32, #tpu.memory_space<vmem>>, vector<16xi32>,
    %get3A_2060 = vector.shape_cast %get3A_2059 : vector<16xi32> to vector<16xi32>
    %get3A_2061 = arith.constant 2992 : index
    %get3A_2062 = tpu.vector_load %arg7[%get3A_2061] {strides = array<i32>} : memref<3328xi32, #tpu.memory_space<vmem>>, vector<16xi32>,
    %get3A_2063 = vector.shape_cast %get3A_2062 : vector<16xi32> to vector<16xi32>
    %add3A_2064 = arith.addi %get3A_2060, %get3A_2063 : vector<16xi32>
    %swap3A_2065 = arith.constant 2992 : index
    %swap3A_2066 = tpu.vector_load %arg6[%swap3A_2065] {strides = array<i32>} : memref<3328xi32, #tpu.memory_space<vmem>>, vector<16xi32>,
    %swap3A_2067 = vector.shape_cast %swap3A_2066 : vector<16xi32> to vector<16xi32>
    %swap3A_2068 = vector.shape_cast %add3A_2064 : vector<16xi32> to vector<16xi32>
    tpu.vector_store %arg6[%swap3A_2065], %swap3A_2068 {strides = array<i32>} : memref<3328xi32, #tpu.memory_space<vmem>>, vector<16xi32>,
    %get3A_2069 = arith.constant 3008 : index
    %get3A_2070 = tpu.vector_load %arg6[%get3A_2069] {strides = array<i32>} : memref<3328xi32, #tpu.memory_space<vmem>>, vector<16xi32>,
    %get3A_2071 = vector.shape_cast %get3A_2070 : vector<16xi32> to vector<16xi32>
    %get3A_2072 = arith.constant 3008 : index
    %get3A_2073 = tpu.vector_load %arg7[%get3A_2072] {strides = array<i32>} : memref<3328xi32, #tpu.memory_space<vmem>>, vector<16xi32>,
    %get3A_2074 = vector.shape_cast %get3A_2073 : vector<16xi32> to vector<16xi32>
    %add3A_2075 = arith.addi %get3A_2071, %get3A_2074 : vector<16xi32>
    %swap3A_2076 = arith.constant 3008 : index
    %swap3A_2077 = tpu.vector_load %arg6[%swap3A_2076] {strides = array<i32>} : memref<3328xi32, #tpu.memory_space<vmem>>, vector<16xi32>,
    %swap3A_2078 = vector.shape_cast %swap3A_2077 : vector<16xi32> to vector<16xi32>
    %swap3A_2079 = vector.shape_cast %add3A_2075 : vector<16xi32> to vector<16xi32>
    tpu.vector_store %arg6[%swap3A_2076], %swap3A_2079 {strides = array<i32>} : memref<3328xi32, #tpu.memory_space<vmem>>, vector<16xi32>,
    %get3A_2080 = arith.constant 3024 : index
    %get3A_2081 = tpu.vector_load %arg6[%get3A_2080] {strides = array<i32>} : memref<3328xi32, #tpu.memory_space<vmem>>, vector<16xi32>,
    %get3A_2082 = vector.shape_cast %get3A_2081 : vector<16xi32> to vector<16xi32>
    %get3A_2083 = arith.constant 3024 : index
    %get3A_2084 = tpu.vector_load %arg7[%get3A_2083] {strides = array<i32>} : memref<3328xi32, #tpu.memory_space<vmem>>, vector<16xi32>,
    %get3A_2085 = vector.shape_cast %get3A_2084 : vector<16xi32> to vector<16xi32>
    %add3A_2086 = arith.addi %get3A_2082, %get3A_2085 : vector<16xi32>
    %swap3A_2087 = arith.constant 3024 : index
    %swap3A_2088 = tpu.vector_load %arg6[%swap3A_2087] {strides = array<i32>} : memref<3328xi32, #tpu.memory_space<vmem>>, vector<16xi32>,
    %swap3A_2089 = vector.shape_cast %swap3A_2088 : vector<16xi32> to vector<16xi32>
    %swap3A_2090 = vector.shape_cast %add3A_2086 : vector<16xi32> to vector<16xi32>
    tpu.vector_store %arg6[%swap3A_2087], %swap3A_2090 {strides = array<i32>} : memref<3328xi32, #tpu.memory_space<vmem>>, vector<16xi32>,
    %get3A_2091 = arith.constant 3040 : index
    %get3A_2092 = tpu.vector_load %arg6[%get3A_2091] {strides = array<i32>} : memref<3328xi32, #tpu.memory_space<vmem>>, vector<16xi32>,
    %get3A_2093 = vector.shape_cast %get3A_2092 : vector<16xi32> to vector<16xi32>
    %get3A_2094 = arith.constant 3040 : index
    %get3A_2095 = tpu.vector_load %arg7[%get3A_2094] {strides = array<i32>} : memref<3328xi32, #tpu.memory_space<vmem>>, vector<16xi32>,
    %get3A_2096 = vector.shape_cast %get3A_2095 : vector<16xi32> to vector<16xi32>
    %add3A_2097 = arith.addi %get3A_2093, %get3A_2096 : vector<16xi32>
    %swap3A_2098 = arith.constant 3040 : index
    %swap3A_2099 = tpu.vector_load %arg6[%swap3A_2098] {strides = array<i32>} : memref<3328xi32, #tpu.memory_space<vmem>>, vector<16xi32>,
    %swap3A_2100 = vector.shape_cast %swap3A_2099 : vector<16xi32> to vector<16xi32>
    %swap3A_2101 = vector.shape_cast %add3A_2097 : vector<16xi32> to vector<16xi32>
    tpu.vector_store %arg6[%swap3A_2098], %swap3A_2101 {strides = array<i32>} : memref<3328xi32, #tpu.memory_space<vmem>>, vector<16xi32>,
    %get3A_2102 = arith.constant 3056 : index
    %get3A_2103 = tpu.vector_load %arg6[%get3A_2102] {strides = array<i32>} : memref<3328xi32, #tpu.memory_space<vmem>>, vector<16xi32>,
    %get3A_2104 = vector.shape_cast %get3A_2103 : vector<16xi32> to vector<16xi32>
    %get3A_2105 = arith.constant 3056 : index
    %get3A_2106 = tpu.vector_load %arg7[%get3A_2105] {strides = array<i32>} : memref<3328xi32, #tpu.memory_space<vmem>>, vector<16xi32>,
    %get3A_2107 = vector.shape_cast %get3A_2106 : vector<16xi32> to vector<16xi32>
    %add3A_2108 = arith.addi %get3A_2104, %get3A_2107 : vector<16xi32>
    %swap3A_2109 = arith.constant 3056 : index
    %swap3A_2110 = tpu.vector_load %arg6[%swap3A_2109] {strides = array<i32>} : memref<3328xi32, #tpu.memory_space<vmem>>, vector<16xi32>,
    %swap3A_2111 = vector.shape_cast %swap3A_2110 : vector<16xi32> to vector<16xi32>
    %swap3A_2112 = vector.shape_cast %add3A_2108 : vector<16xi32> to vector<16xi32>
    tpu.vector_store %arg6[%swap3A_2109], %swap3A_2112 {strides = array<i32>} : memref<3328xi32, #tpu.memory_space<vmem>>, vector<16xi32>,
    %get3A_2113 = arith.constant 3072 : index
    %get3A_2114 = tpu.vector_load %arg6[%get3A_2113] {strides = array<i32>} : memref<3328xi32, #tpu.memory_space<vmem>>, vector<16xi32>,
    %get3A_2115 = vector.shape_cast %get3A_2114 : vector<16xi32> to vector<16xi32>
    %get3A_2116 = arith.constant 3072 : index
    %get3A_2117 = tpu.vector_load %arg7[%get3A_2116] {strides = array<i32>} : memref<3328xi32, #tpu.memory_space<vmem>>, vector<16xi32>,
    %get3A_2118 = vector.shape_cast %get3A_2117 : vector<16xi32> to vector<16xi32>
    %add3A_2119 = arith.addi %get3A_2115, %get3A_2118 : vector<16xi32>
    %swap3A_2120 = arith.constant 3072 : index
    %swap3A_2121 = tpu.vector_load %arg6[%swap3A_2120] {strides = array<i32>} : memref<3328xi32, #tpu.memory_space<vmem>>, vector<16xi32>,
    %swap3A_2122 = vector.shape_cast %swap3A_2121 : vector<16xi32> to vector<16xi32>
    %swap3A_2123 = vector.shape_cast %add3A_2119 : vector<16xi32> to vector<16xi32>
    tpu.vector_store %arg6[%swap3A_2120], %swap3A_2123 {strides = array<i32>} : memref<3328xi32, #tpu.memory_space<vmem>>, vector<16xi32>,
    %get3A_2124 = arith.constant 3088 : index
    %get3A_2125 = tpu.vector_load %arg6[%get3A_2124] {strides = array<i32>} : memref<3328xi32, #tpu.memory_space<vmem>>, vector<16xi32>,
    %get3A_2126 = vector.shape_cast %get3A_2125 : vector<16xi32> to vector<16xi32>
    %get3A_2127 = arith.constant 3088 : index
    %get3A_2128 = tpu.vector_load %arg7[%get3A_2127] {strides = array<i32>} : memref<3328xi32, #tpu.memory_space<vmem>>, vector<16xi32>,
    %get3A_2129 = vector.shape_cast %get3A_2128 : vector<16xi32> to vector<16xi32>
    %add3A_2130 = arith.addi %get3A_2126, %get3A_2129 : vector<16xi32>
    %swap3A_2131 = arith.constant 3088 : index
    %swap3A_2132 = tpu.vector_load %arg6[%swap3A_2131] {strides = array<i32>} : memref<3328xi32, #tpu.memory_space<vmem>>, vector<16xi32>,
    %swap3A_2133 = vector.shape_cast %swap3A_2132 : vector<16xi32> to vector<16xi32>
    %swap3A_2134 = vector.shape_cast %add3A_2130 : vector<16xi32> to vector<16xi32>
    tpu.vector_store %arg6[%swap3A_2131], %swap3A_2134 {strides = array<i32>} : memref<3328xi32, #tpu.memory_space<vmem>>, vector<16xi32>,
    %get3A_2135 = arith.constant 3104 : index
    %get3A_2136 = tpu.vector_load %arg6[%get3A_2135] {strides = array<i32>} : memref<3328xi32, #tpu.memory_space<vmem>>, vector<16xi32>,
    %get3A_2137 = vector.shape_cast %get3A_2136 : vector<16xi32> to vector<16xi32>
    %get3A_2138 = arith.constant 3104 : index
    %get3A_2139 = tpu.vector_load %arg7[%get3A_2138] {strides = array<i32>} : memref<3328xi32, #tpu.memory_space<vmem>>, vector<16xi32>,
    %get3A_2140 = vector.shape_cast %get3A_2139 : vector<16xi32> to vector<16xi32>
    %add3A_2141 = arith.addi %get3A_2137, %get3A_2140 : vector<16xi32>
    %swap3A_2142 = arith.constant 3104 : index
    %swap3A_2143 = tpu.vector_load %arg6[%swap3A_2142] {strides = array<i32>} : memref<3328xi32, #tpu.memory_space<vmem>>, vector<16xi32>,
    %swap3A_2144 = vector.shape_cast %swap3A_2143 : vector<16xi32> to vector<16xi32>
    %swap3A_2145 = vector.shape_cast %add3A_2141 : vector<16xi32> to vector<16xi32>
    tpu.vector_store %arg6[%swap3A_2142], %swap3A_2145 {strides = array<i32>} : memref<3328xi32, #tpu.memory_space<vmem>>, vector<16xi32>,
    %get3A_2146 = arith.constant 3120 : index
    %get3A_2147 = tpu.vector_load %arg6[%get3A_2146] {strides = array<i32>} : memref<3328xi32, #tpu.memory_space<vmem>>, vector<16xi32>,
    %get3A_2148 = vector.shape_cast %get3A_2147 : vector<16xi32> to vector<16xi32>
    %get3A_2149 = arith.constant 3120 : index
    %get3A_2150 = tpu.vector_load %arg7[%get3A_2149] {strides = array<i32>} : memref<3328xi32, #tpu.memory_space<vmem>>, vector<16xi32>,
    %get3A_2151 = vector.shape_cast %get3A_2150 : vector<16xi32> to vector<16xi32>
    %add3A_2152 = arith.addi %get3A_2148, %get3A_2151 : vector<16xi32>
    %swap3A_2153 = arith.constant 3120 : index
    %swap3A_2154 = tpu.vector_load %arg6[%swap3A_2153] {strides = array<i32>} : memref<3328xi32, #tpu.memory_space<vmem>>, vector<16xi32>,
    %swap3A_2155 = vector.shape_cast %swap3A_2154 : vector<16xi32> to vector<16xi32>
    %swap3A_2156 = vector.shape_cast %add3A_2152 : vector<16xi32> to vector<16xi32>
    tpu.vector_store %arg6[%swap3A_2153], %swap3A_2156 {strides = array<i32>} : memref<3328xi32, #tpu.memory_space<vmem>>, vector<16xi32>,
    %get3A_2157 = arith.constant 3136 : index
    %get3A_2158 = tpu.vector_load %arg6[%get3A_2157] {strides = array<i32>} : memref<3328xi32, #tpu.memory_space<vmem>>, vector<16xi32>,
    %get3A_2159 = vector.shape_cast %get3A_2158 : vector<16xi32> to vector<16xi32>
    %get3A_2160 = arith.constant 3136 : index
    %get3A_2161 = tpu.vector_load %arg7[%get3A_2160] {strides = array<i32>} : memref<3328xi32, #tpu.memory_space<vmem>>, vector<16xi32>,
    %get3A_2162 = vector.shape_cast %get3A_2161 : vector<16xi32> to vector<16xi32>
    %add3A_2163 = arith.addi %get3A_2159, %get3A_2162 : vector<16xi32>
    %swap3A_2164 = arith.constant 3136 : index
    %swap3A_2165 = tpu.vector_load %arg6[%swap3A_2164] {strides = array<i32>} : memref<3328xi32, #tpu.memory_space<vmem>>, vector<16xi32>,
    %swap3A_2166 = vector.shape_cast %swap3A_2165 : vector<16xi32> to vector<16xi32>
    %swap3A_2167 = vector.shape_cast %add3A_2163 : vector<16xi32> to vector<16xi32>
    tpu.vector_store %arg6[%swap3A_2164], %swap3A_2167 {strides = array<i32>} : memref<3328xi32, #tpu.memory_space<vmem>>, vector<16xi32>,
    %get3A_2168 = arith.constant 3152 : index
    %get3A_2169 = tpu.vector_load %arg6[%get3A_2168] {strides = array<i32>} : memref<3328xi32, #tpu.memory_space<vmem>>, vector<16xi32>,
    %get3A_2170 = vector.shape_cast %get3A_2169 : vector<16xi32> to vector<16xi32>
    %get3A_2171 = arith.constant 3152 : index
    %get3A_2172 = tpu.vector_load %arg7[%get3A_2171] {strides = array<i32>} : memref<3328xi32, #tpu.memory_space<vmem>>, vector<16xi32>,
    %get3A_2173 = vector.shape_cast %get3A_2172 : vector<16xi32> to vector<16xi32>
    %add3A_2174 = arith.addi %get3A_2170, %get3A_2173 : vector<16xi32>
    %swap3A_2175 = arith.constant 3152 : index
    %swap3A_2176 = tpu.vector_load %arg6[%swap3A_2175] {strides = array<i32>} : memref<3328xi32, #tpu.memory_space<vmem>>, vector<16xi32>,
    %swap3A_2177 = vector.shape_cast %swap3A_2176 : vector<16xi32> to vector<16xi32>
    %swap3A_2178 = vector.shape_cast %add3A_2174 : vector<16xi32> to vector<16xi32>
    tpu.vector_store %arg6[%swap3A_2175], %swap3A_2178 {strides = array<i32>} : memref<3328xi32, #tpu.memory_space<vmem>>, vector<16xi32>,
    %get3A_2179 = arith.constant 3168 : index
    %get3A_2180 = tpu.vector_load %arg6[%get3A_2179] {strides = array<i32>} : memref<3328xi32, #tpu.memory_space<vmem>>, vector<16xi32>,
    %get3A_2181 = vector.shape_cast %get3A_2180 : vector<16xi32> to vector<16xi32>
    %get3A_2182 = arith.constant 3168 : index
    %get3A_2183 = tpu.vector_load %arg7[%get3A_2182] {strides = array<i32>} : memref<3328xi32, #tpu.memory_space<vmem>>, vector<16xi32>,
    %get3A_2184 = vector.shape_cast %get3A_2183 : vector<16xi32> to vector<16xi32>
    %add3A_2185 = arith.addi %get3A_2181, %get3A_2184 : vector<16xi32>
    %swap3A_2186 = arith.constant 3168 : index
    %swap3A_2187 = tpu.vector_load %arg6[%swap3A_2186] {strides = array<i32>} : memref<3328xi32, #tpu.memory_space<vmem>>, vector<16xi32>,
    %swap3A_2188 = vector.shape_cast %swap3A_2187 : vector<16xi32> to vector<16xi32>
    %swap3A_2189 = vector.shape_cast %add3A_2185 : vector<16xi32> to vector<16xi32>
    tpu.vector_store %arg6[%swap3A_2186], %swap3A_2189 {strides = array<i32>} : memref<3328xi32, #tpu.memory_space<vmem>>, vector<16xi32>,
    %get3A_2190 = arith.constant 3184 : index
    %get3A_2191 = tpu.vector_load %arg6[%get3A_2190] {strides = array<i32>} : memref<3328xi32, #tpu.memory_space<vmem>>, vector<16xi32>,
    %get3A_2192 = vector.shape_cast %get3A_2191 : vector<16xi32> to vector<16xi32>
    %get3A_2193 = arith.constant 3184 : index
    %get3A_2194 = tpu.vector_load %arg7[%get3A_2193] {strides = array<i32>} : memref<3328xi32, #tpu.memory_space<vmem>>, vector<16xi32>,
    %get3A_2195 = vector.shape_cast %get3A_2194 : vector<16xi32> to vector<16xi32>
    %add3A_2196 = arith.addi %get3A_2192, %get3A_2195 : vector<16xi32>
    %swap3A_2197 = arith.constant 3184 : index
    %swap3A_2198 = tpu.vector_load %arg6[%swap3A_2197] {strides = array<i32>} : memref<3328xi32, #tpu.memory_space<vmem>>, vector<16xi32>,
    %swap3A_2199 = vector.shape_cast %swap3A_2198 : vector<16xi32> to vector<16xi32>
    %swap3A_2200 = vector.shape_cast %add3A_2196 : vector<16xi32> to vector<16xi32>
    tpu.vector_store %arg6[%swap3A_2197], %swap3A_2200 {strides = array<i32>} : memref<3328xi32, #tpu.memory_space<vmem>>, vector<16xi32>,
    %get3A_2201 = arith.constant 3200 : index
    %get3A_2202 = tpu.vector_load %arg6[%get3A_2201] {strides = array<i32>} : memref<3328xi32, #tpu.memory_space<vmem>>, vector<16xi32>,
    %get3A_2203 = vector.shape_cast %get3A_2202 : vector<16xi32> to vector<16xi32>
    %get3A_2204 = arith.constant 3200 : index
    %get3A_2205 = tpu.vector_load %arg7[%get3A_2204] {strides = array<i32>} : memref<3328xi32, #tpu.memory_space<vmem>>, vector<16xi32>,
    %get3A_2206 = vector.shape_cast %get3A_2205 : vector<16xi32> to vector<16xi32>
    %add3A_2207 = arith.addi %get3A_2203, %get3A_2206 : vector<16xi32>
    %swap3A_2208 = arith.constant 3200 : index
    %swap3A_2209 = tpu.vector_load %arg6[%swap3A_2208] {strides = array<i32>} : memref<3328xi32, #tpu.memory_space<vmem>>, vector<16xi32>,
    %swap3A_2210 = vector.shape_cast %swap3A_2209 : vector<16xi32> to vector<16xi32>
    %swap3A_2211 = vector.shape_cast %add3A_2207 : vector<16xi32> to vector<16xi32>
    tpu.vector_store %arg6[%swap3A_2208], %swap3A_2211 {strides = array<i32>} : memref<3328xi32, #tpu.memory_space<vmem>>, vector<16xi32>,
    %get3A_2212 = arith.constant 3216 : index
    %get3A_2213 = tpu.vector_load %arg6[%get3A_2212] {strides = array<i32>} : memref<3328xi32, #tpu.memory_space<vmem>>, vector<16xi32>,
    %get3A_2214 = vector.shape_cast %get3A_2213 : vector<16xi32> to vector<16xi32>
    %get3A_2215 = arith.constant 3216 : index
    %get3A_2216 = tpu.vector_load %arg7[%get3A_2215] {strides = array<i32>} : memref<3328xi32, #tpu.memory_space<vmem>>, vector<16xi32>,
    %get3A_2217 = vector.shape_cast %get3A_2216 : vector<16xi32> to vector<16xi32>
    %add3A_2218 = arith.addi %get3A_2214, %get3A_2217 : vector<16xi32>
    %swap3A_2219 = arith.constant 3216 : index
    %swap3A_2220 = tpu.vector_load %arg6[%swap3A_2219] {strides = array<i32>} : memref<3328xi32, #tpu.memory_space<vmem>>, vector<16xi32>,
    %swap3A_2221 = vector.shape_cast %swap3A_2220 : vector<16xi32> to vector<16xi32>
    %swap3A_2222 = vector.shape_cast %add3A_2218 : vector<16xi32> to vector<16xi32>
    tpu.vector_store %arg6[%swap3A_2219], %swap3A_2222 {strides = array<i32>} : memref<3328xi32, #tpu.memory_space<vmem>>, vector<16xi32>,
    %get3A_2223 = arith.constant 3232 : index
    %get3A_2224 = tpu.vector_load %arg6[%get3A_2223] {strides = array<i32>} : memref<3328xi32, #tpu.memory_space<vmem>>, vector<16xi32>,
    %get3A_2225 = vector.shape_cast %get3A_2224 : vector<16xi32> to vector<16xi32>
    %get3A_2226 = arith.constant 3232 : index
    %get3A_2227 = tpu.vector_load %arg7[%get3A_2226] {strides = array<i32>} : memref<3328xi32, #tpu.memory_space<vmem>>, vector<16xi32>,
    %get3A_2228 = vector.shape_cast %get3A_2227 : vector<16xi32> to vector<16xi32>
    %add3A_2229 = arith.addi %get3A_2225, %get3A_2228 : vector<16xi32>
    %swap3A_2230 = arith.constant 3232 : index
    %swap3A_2231 = tpu.vector_load %arg6[%swap3A_2230] {strides = array<i32>} : memref<3328xi32, #tpu.memory_space<vmem>>, vector<16xi32>,
    %swap3A_2232 = vector.shape_cast %swap3A_2231 : vector<16xi32> to vector<16xi32>
    %swap3A_2233 = vector.shape_cast %add3A_2229 : vector<16xi32> to vector<16xi32>
    tpu.vector_store %arg6[%swap3A_2230], %swap3A_2233 {strides = array<i32>} : memref<3328xi32, #tpu.memory_space<vmem>>, vector<16xi32>,
    %get3A_2234 = arith.constant 3248 : index
    %get3A_2235 = tpu.vector_load %arg6[%get3A_2234] {strides = array<i32>} : memref<3328xi32, #tpu.memory_space<vmem>>, vector<16xi32>,
    %get3A_2236 = vector.shape_cast %get3A_2235 : vector<16xi32> to vector<16xi32>
    %get3A_2237 = arith.constant 3248 : index
    %get3A_2238 = tpu.vector_load %arg7[%get3A_2237] {strides = array<i32>} : memref<3328xi32, #tpu.memory_space<vmem>>, vector<16xi32>,
    %get3A_2239 = vector.shape_cast %get3A_2238 : vector<16xi32> to vector<16xi32>
    %add3A_2240 = arith.addi %get3A_2236, %get3A_2239 : vector<16xi32>
    %swap3A_2241 = arith.constant 3248 : index
    %swap3A_2242 = tpu.vector_load %arg6[%swap3A_2241] {strides = array<i32>} : memref<3328xi32, #tpu.memory_space<vmem>>, vector<16xi32>,
    %swap3A_2243 = vector.shape_cast %swap3A_2242 : vector<16xi32> to vector<16xi32>
    %swap3A_2244 = vector.shape_cast %add3A_2240 : vector<16xi32> to vector<16xi32>
    tpu.vector_store %arg6[%swap3A_2241], %swap3A_2244 {strides = array<i32>} : memref<3328xi32, #tpu.memory_space<vmem>>, vector<16xi32>,
    %get3A_2245 = arith.constant 3264 : index
    %get3A_2246 = tpu.vector_load %arg6[%get3A_2245] {strides = array<i32>} : memref<3328xi32, #tpu.memory_space<vmem>>, vector<16xi32>,
    %get3A_2247 = vector.shape_cast %get3A_2246 : vector<16xi32> to vector<16xi32>
    %get3A_2248 = arith.constant 3264 : index
    %get3A_2249 = tpu.vector_load %arg7[%get3A_2248] {strides = array<i32>} : memref<3328xi32, #tpu.memory_space<vmem>>, vector<16xi32>,
    %get3A_2250 = vector.shape_cast %get3A_2249 : vector<16xi32> to vector<16xi32>
    %add3A_2251 = arith.addi %get3A_2247, %get3A_2250 : vector<16xi32>
    %swap3A_2252 = arith.constant 3264 : index
    %swap3A_2253 = tpu.vector_load %arg6[%swap3A_2252] {strides = array<i32>} : memref<3328xi32, #tpu.memory_space<vmem>>, vector<16xi32>,
    %swap3A_2254 = vector.shape_cast %swap3A_2253 : vector<16xi32> to vector<16xi32>
    %swap3A_2255 = vector.shape_cast %add3A_2251 : vector<16xi32> to vector<16xi32>
    tpu.vector_store %arg6[%swap3A_2252], %swap3A_2255 {strides = array<i32>} : memref<3328xi32, #tpu.memory_space<vmem>>, vector<16xi32>,
    %get3A_2256 = arith.constant 3280 : index
    %get3A_2257 = tpu.vector_load %arg6[%get3A_2256] {strides = array<i32>} : memref<3328xi32, #tpu.memory_space<vmem>>, vector<16xi32>,
    %get3A_2258 = vector.shape_cast %get3A_2257 : vector<16xi32> to vector<16xi32>
    %get3A_2259 = arith.constant 3280 : index
    %get3A_2260 = tpu.vector_load %arg7[%get3A_2259] {strides = array<i32>} : memref<3328xi32, #tpu.memory_space<vmem>>, vector<16xi32>,
    %get3A_2261 = vector.shape_cast %get3A_2260 : vector<16xi32> to vector<16xi32>
    %add3A_2262 = arith.addi %get3A_2258, %get3A_2261 : vector<16xi32>
    %swap3A_2263 = arith.constant 3280 : index
    %swap3A_2264 = tpu.vector_load %arg6[%swap3A_2263] {strides = array<i32>} : memref<3328xi32, #tpu.memory_space<vmem>>, vector<16xi32>,
    %swap3A_2265 = vector.shape_cast %swap3A_2264 : vector<16xi32> to vector<16xi32>
    %swap3A_2266 = vector.shape_cast %add3A_2262 : vector<16xi32> to vector<16xi32>
    tpu.vector_store %arg6[%swap3A_2263], %swap3A_2266 {strides = array<i32>} : memref<3328xi32, #tpu.memory_space<vmem>>, vector<16xi32>,
    %get3A_2267 = arith.constant 3296 : index
    %get3A_2268 = tpu.vector_load %arg6[%get3A_2267] {strides = array<i32>} : memref<3328xi32, #tpu.memory_space<vmem>>, vector<16xi32>,
    %get3A_2269 = vector.shape_cast %get3A_2268 : vector<16xi32> to vector<16xi32>
    %get3A_2270 = arith.constant 3296 : index
    %get3A_2271 = tpu.vector_load %arg7[%get3A_2270] {strides = array<i32>} : memref<3328xi32, #tpu.memory_space<vmem>>, vector<16xi32>,
    %get3A_2272 = vector.shape_cast %get3A_2271 : vector<16xi32> to vector<16xi32>
    %add3A_2273 = arith.addi %get3A_2269, %get3A_2272 : vector<16xi32>
    %swap3A_2274 = arith.constant 3296 : index
    %swap3A_2275 = tpu.vector_load %arg6[%swap3A_2274] {strides = array<i32>} : memref<3328xi32, #tpu.memory_space<vmem>>, vector<16xi32>,
    %swap3A_2276 = vector.shape_cast %swap3A_2275 : vector<16xi32> to vector<16xi32>
    %swap3A_2277 = vector.shape_cast %add3A_2273 : vector<16xi32> to vector<16xi32>
    tpu.vector_store %arg6[%swap3A_2274], %swap3A_2277 {strides = array<i32>} : memref<3328xi32, #tpu.memory_space<vmem>>, vector<16xi32>,
    %get3A_2278 = arith.constant 3312 : index
    %get3A_2279 = tpu.vector_load %arg6[%get3A_2278] {strides = array<i32>} : memref<3328xi32, #tpu.memory_space<vmem>>, vector<16xi32>,
    %get3A_2280 = vector.shape_cast %get3A_2279 : vector<16xi32> to vector<16xi32>
    %get3A_2281 = arith.constant 3312 : index
    %get3A_2282 = tpu.vector_load %arg7[%get3A_2281] {strides = array<i32>} : memref<3328xi32, #tpu.memory_space<vmem>>, vector<16xi32>,
    %get3A_2283 = vector.shape_cast %get3A_2282 : vector<16xi32> to vector<16xi32>
    %add3A_2284 = arith.addi %get3A_2280, %get3A_2283 : vector<16xi32>
    %swap3A_2285 = arith.constant 3312 : index
    %swap3A_2286 = tpu.vector_load %arg6[%swap3A_2285] {strides = array<i32>} : memref<3328xi32, #tpu.memory_space<vmem>>, vector<16xi32>,
    %swap3A_2287 = vector.shape_cast %swap3A_2286 : vector<16xi32> to vector<16xi32>
    %swap3A_2288 = vector.shape_cast %add3A_2284 : vector<16xi32> to vector<16xi32>
    tpu.vector_store %arg6[%swap3A_2285], %swap3A_2288 {strides = array<i32>} : memref<3328xi32, #tpu.memory_space<vmem>>, vector<16xi32>,
    %dma_start3A = arith.constant 0 : i32
    %dma_start3A_2289 = tpu.memref_slice %arg6[%dma_start3A] : memref<3328xi32, #tpu.memory_space<vmem>> -> memref<832xi32, #tpu.memory_space<vmem>>
    %dma_start3A_2290 = arith.constant 0 : i32
    %dma_start3A_2291 = arith.constant 0 : i32
    %dma_start3A_2292 = tpu.memref_slice %arg4[%dma_start3A_2290, %dma_start3A_2291] : memref<2600000x64xf32, #tpu.memory_space<hbm>> -> memref<2600000x64xf32, #tpu.memory_space<hbm>>
    tpu.enqueue_indirect_dma source(%dma_start3A_2292 : memref<2600000x64xf32, #tpu.memory_space<hbm>>) target(%arg8 : memref<832x64xf32, #tpu.memory_space<vmem>>) offsets(%dma_start3A_2289 : memref<832xi32, #tpu.memory_space<vmem>>) semaphore(%arg10 : memref<!tpu.dma_semaphore, #tpu.memory_space<semaphore_mem>>)
    %dma_wait3A = arith.constant 0 : i32
    %dma_wait3A_2293 = tpu.memref_slice %arg6[%dma_wait3A] : memref<3328xi32, #tpu.memory_space<vmem>> -> memref<832xi32, #tpu.memory_space<vmem>>
    %dma_wait3A_2294 = arith.constant 0 : i32
    %dma_wait3A_2295 = arith.constant 0 : i32
    %dma_wait3A_2296 = tpu.memref_slice %arg4[%dma_wait3A_2294, %dma_wait3A_2295] : memref<2600000x64xf32, #tpu.memory_space<hbm>> -> memref<2600000x64xf32, #tpu.memory_space<hbm>>
    tpu.wait_indirect_dma semaphore(%arg10 : memref<!tpu.dma_semaphore, #tpu.memory_space<semaphore_mem>>) src(%dma_wait3A_2296 : memref<2600000x64xf32, #tpu.memory_space<hbm>>) dst(%arg8 : memref<832x64xf32, #tpu.memory_space<vmem>>)
    %dma_start3A_2297 = arith.constant 832 : i32
    %dma_start3A_2298 = tpu.memref_slice %arg6[%dma_start3A_2297] : memref<3328xi32, #tpu.memory_space<vmem>> -> memref<832xi32, #tpu.memory_space<vmem>>
    %dma_start3A_2299 = arith.constant 0 : i32
    %dma_start3A_2300 = arith.constant 0 : i32
    %dma_start3A_2301 = tpu.memref_slice %arg4[%dma_start3A_2299, %dma_start3A_2300] : memref<2600000x64xf32, #tpu.memory_space<hbm>> -> memref<2600000x64xf32, #tpu.memory_space<hbm>>
    tpu.enqueue_indirect_dma source(%dma_start3A_2301 : memref<2600000x64xf32, #tpu.memory_space<hbm>>) target(%arg9 : memref<832x64xf32, #tpu.memory_space<vmem>>) offsets(%dma_start3A_2298 : memref<832xi32, #tpu.memory_space<vmem>>) semaphore(%arg10 : memref<!tpu.dma_semaphore, #tpu.memory_space<semaphore_mem>>)
    %add3A_2302 = arith.constant 0 : i32
    %add3A_2303 = arith.addi %mul3A_2, %add3A_2302 : i32
    %dma_start3A_2304 = arith.constant 0 : i32
    %dma_start3A_2305 = tpu.memref_slice %arg5[%add3A_2303, %dma_start3A_2304] : memref<106496x64xf32, #tpu.memory_space<hbm>> -> memref<832x64xf32, #tpu.memory_space<hbm>>
    %dma_start3A_2306 = arith.constant 0 : i32
    %dma_start3A_2307 = tpu.memref_slice %arg5[%add3A_2303, %dma_start3A_2306] : memref<106496x64xf32, #tpu.memory_space<hbm>> -> memref<832x64xf32, #tpu.memory_space<hbm>>
    tpu.enqueue_dma source(%arg8 : memref<832x64xf32, #tpu.memory_space<vmem>>) target(%dma_start3A_2307 : memref<832x64xf32, #tpu.memory_space<hbm>>) target_semaphore(%arg11 : memref<!tpu.dma_semaphore, #tpu.memory_space<semaphore_mem>>)
    %dma_wait3A_2308 = arith.constant 832 : i32
    %dma_wait3A_2309 = tpu.memref_slice %arg6[%dma_wait3A_2308] : memref<3328xi32, #tpu.memory_space<vmem>> -> memref<832xi32, #tpu.memory_space<vmem>>
    %dma_wait3A_2310 = arith.constant 0 : i32
    %dma_wait3A_2311 = arith.constant 0 : i32
    %dma_wait3A_2312 = tpu.memref_slice %arg4[%dma_wait3A_2310, %dma_wait3A_2311] : memref<2600000x64xf32, #tpu.memory_space<hbm>> -> memref<2600000x64xf32, #tpu.memory_space<hbm>>
    tpu.wait_indirect_dma semaphore(%arg10 : memref<!tpu.dma_semaphore, #tpu.memory_space<semaphore_mem>>) src(%dma_wait3A_2312 : memref<2600000x64xf32, #tpu.memory_space<hbm>>) dst(%arg9 : memref<832x64xf32, #tpu.memory_space<vmem>>)
    %dma_wait3A_2313 = arith.constant 0 : i32
    %dma_wait3A_2314 = tpu.memref_slice %arg5[%add3A_2303, %dma_wait3A_2313] : memref<106496x64xf32, #tpu.memory_space<hbm>> -> memref<832x64xf32, #tpu.memory_space<hbm>>
    %dma_wait3A_2315 = arith.constant 0 : i32
    %dma_wait3A_2316 = tpu.memref_slice %arg5[%add3A_2303, %dma_wait3A_2315] : memref<106496x64xf32, #tpu.memory_space<hbm>> -> memref<832x64xf32, #tpu.memory_space<hbm>>
    tpu.wait_dma2 semaphore(%arg11 : memref<!tpu.dma_semaphore, #tpu.memory_space<semaphore_mem>>) src(%arg8 : memref<832x64xf32, #tpu.memory_space<vmem>>) dst(%dma_wait3A_2316 : memref<832x64xf32, #tpu.memory_space<hbm>>)
    %dma_start3A_2317 = arith.constant 1664 : i32
    %dma_start3A_2318 = tpu.memref_slice %arg6[%dma_start3A_2317] : memref<3328xi32, #tpu.memory_space<vmem>> -> memref<832xi32, #tpu.memory_space<vmem>>
    %dma_start3A_2319 = arith.constant 0 : i32
    %dma_start3A_2320 = arith.constant 0 : i32
    %dma_start3A_2321 = tpu.memref_slice %arg4[%dma_start3A_2319, %dma_start3A_2320] : memref<2600000x64xf32, #tpu.memory_space<hbm>> -> memref<2600000x64xf32, #tpu.memory_space<hbm>>
    tpu.enqueue_indirect_dma source(%dma_start3A_2321 : memref<2600000x64xf32, #tpu.memory_space<hbm>>) target(%arg8 : memref<832x64xf32, #tpu.memory_space<vmem>>) offsets(%dma_start3A_2318 : memref<832xi32, #tpu.memory_space<vmem>>) semaphore(%arg10 : memref<!tpu.dma_semaphore, #tpu.memory_space<semaphore_mem>>)
    %add3A_2322 = arith.constant 832 : i32
    %add3A_2323 = arith.addi %mul3A_2, %add3A_2322 : i32
    %dma_start3A_2324 = arith.constant 0 : i32
    %dma_start3A_2325 = tpu.memref_slice %arg5[%add3A_2323, %dma_start3A_2324] : memref<106496x64xf32, #tpu.memory_space<hbm>> -> memref<832x64xf32, #tpu.memory_space<hbm>>
    %dma_start3A_2326 = arith.constant 0 : i32
    %dma_start3A_2327 = tpu.memref_slice %arg5[%add3A_2323, %dma_start3A_2326] : memref<106496x64xf32, #tpu.memory_space<hbm>> -> memref<832x64xf32, #tpu.memory_space<hbm>>
    tpu.enqueue_dma source(%arg9 : memref<832x64xf32, #tpu.memory_space<vmem>>) target(%dma_start3A_2327 : memref<832x64xf32, #tpu.memory_space<hbm>>) target_semaphore(%arg11 : memref<!tpu.dma_semaphore, #tpu.memory_space<semaphore_mem>>)
    %dma_wait3A_2328 = arith.constant 1664 : i32
    %dma_wait3A_2329 = tpu.memref_slice %arg6[%dma_wait3A_2328] : memref<3328xi32, #tpu.memory_space<vmem>> -> memref<832xi32, #tpu.memory_space<vmem>>
    %dma_wait3A_2330 = arith.constant 0 : i32
    %dma_wait3A_2331 = arith.constant 0 : i32
    %dma_wait3A_2332 = tpu.memref_slice %arg4[%dma_wait3A_2330, %dma_wait3A_2331] : memref<2600000x64xf32, #tpu.memory_space<hbm>> -> memref<2600000x64xf32, #tpu.memory_space<hbm>>
    tpu.wait_indirect_dma semaphore(%arg10 : memref<!tpu.dma_semaphore, #tpu.memory_space<semaphore_mem>>) src(%dma_wait3A_2332 : memref<2600000x64xf32, #tpu.memory_space<hbm>>) dst(%arg8 : memref<832x64xf32, #tpu.memory_space<vmem>>)
    %dma_wait3A_2333 = arith.constant 0 : i32
    %dma_wait3A_2334 = tpu.memref_slice %arg5[%add3A_2323, %dma_wait3A_2333] : memref<106496x64xf32, #tpu.memory_space<hbm>> -> memref<832x64xf32, #tpu.memory_space<hbm>>
    %dma_wait3A_2335 = arith.constant 0 : i32
    %dma_wait3A_2336 = tpu.memref_slice %arg5[%add3A_2323, %dma_wait3A_2335] : memref<106496x64xf32, #tpu.memory_space<hbm>> -> memref<832x64xf32, #tpu.memory_space<hbm>>
    tpu.wait_dma2 semaphore(%arg11 : memref<!tpu.dma_semaphore, #tpu.memory_space<semaphore_mem>>) src(%arg9 : memref<832x64xf32, #tpu.memory_space<vmem>>) dst(%dma_wait3A_2336 : memref<832x64xf32, #tpu.memory_space<hbm>>)
    %dma_start3A_2337 = arith.constant 2496 : i32
    %dma_start3A_2338 = tpu.memref_slice %arg6[%dma_start3A_2337] : memref<3328xi32, #tpu.memory_space<vmem>> -> memref<832xi32, #tpu.memory_space<vmem>>
    %dma_start3A_2339 = arith.constant 0 : i32
    %dma_start3A_2340 = arith.constant 0 : i32
    %dma_start3A_2341 = tpu.memref_slice %arg4[%dma_start3A_2339, %dma_start3A_2340] : memref<2600000x64xf32, #tpu.memory_space<hbm>> -> memref<2600000x64xf32, #tpu.memory_space<hbm>>
    tpu.enqueue_indirect_dma source(%dma_start3A_2341 : memref<2600000x64xf32, #tpu.memory_space<hbm>>) target(%arg9 : memref<832x64xf32, #tpu.memory_space<vmem>>) offsets(%dma_start3A_2338 : memref<832xi32, #tpu.memory_space<vmem>>) semaphore(%arg10 : memref<!tpu.dma_semaphore, #tpu.memory_space<semaphore_mem>>)
    %add3A_2342 = arith.constant 1664 : i32
    %add3A_2343 = arith.addi %mul3A_2, %add3A_2342 : i32
    %dma_start3A_2344 = arith.constant 0 : i32
    %dma_start3A_2345 = tpu.memref_slice %arg5[%add3A_2343, %dma_start3A_2344] : memref<106496x64xf32, #tpu.memory_space<hbm>> -> memref<832x64xf32, #tpu.memory_space<hbm>>
    %dma_start3A_2346 = arith.constant 0 : i32
    %dma_start3A_2347 = tpu.memref_slice %arg5[%add3A_2343, %dma_start3A_2346] : memref<106496x64xf32, #tpu.memory_space<hbm>> -> memref<832x64xf32, #tpu.memory_space<hbm>>
    tpu.enqueue_dma source(%arg8 : memref<832x64xf32, #tpu.memory_space<vmem>>) target(%dma_start3A_2347 : memref<832x64xf32, #tpu.memory_space<hbm>>) target_semaphore(%arg11 : memref<!tpu.dma_semaphore, #tpu.memory_space<semaphore_mem>>)
    %dma_wait3A_2348 = arith.constant 2496 : i32
    %dma_wait3A_2349 = tpu.memref_slice %arg6[%dma_wait3A_2348] : memref<3328xi32, #tpu.memory_space<vmem>> -> memref<832xi32, #tpu.memory_space<vmem>>
    %dma_wait3A_2350 = arith.constant 0 : i32
    %dma_wait3A_2351 = arith.constant 0 : i32
    %dma_wait3A_2352 = tpu.memref_slice %arg4[%dma_wait3A_2350, %dma_wait3A_2351] : memref<2600000x64xf32, #tpu.memory_space<hbm>> -> memref<2600000x64xf32, #tpu.memory_space<hbm>>
    tpu.wait_indirect_dma semaphore(%arg10 : memref<!tpu.dma_semaphore, #tpu.memory_space<semaphore_mem>>) src(%dma_wait3A_2352 : memref<2600000x64xf32, #tpu.memory_space<hbm>>) dst(%arg9 : memref<832x64xf32, #tpu.memory_space<vmem>>)
    %add3A_2353 = arith.constant 2496 : i32
    %add3A_2354 = arith.addi %mul3A_2, %add3A_2353 : i32
    %dma_start3A_2355 = arith.constant 0 : i32
    %dma_start3A_2356 = tpu.memref_slice %arg5[%add3A_2354, %dma_start3A_2355] : memref<106496x64xf32, #tpu.memory_space<hbm>> -> memref<832x64xf32, #tpu.memory_space<hbm>>
    %dma_start3A_2357 = arith.constant 0 : i32
    %dma_start3A_2358 = tpu.memref_slice %arg5[%add3A_2354, %dma_start3A_2357] : memref<106496x64xf32, #tpu.memory_space<hbm>> -> memref<832x64xf32, #tpu.memory_space<hbm>>
    tpu.enqueue_dma source(%arg9 : memref<832x64xf32, #tpu.memory_space<vmem>>) target(%dma_start3A_2358 : memref<832x64xf32, #tpu.memory_space<hbm>>) target_semaphore(%arg11 : memref<!tpu.dma_semaphore, #tpu.memory_space<semaphore_mem>>)
    %dma_wait3A_2359 = arith.constant 0 : i32
    %dma_wait3A_2360 = tpu.memref_slice %arg5[%add3A_2354, %dma_wait3A_2359] : memref<106496x64xf32, #tpu.memory_space<hbm>> -> memref<832x64xf32, #tpu.memory_space<hbm>>
    %dma_wait3A_2361 = arith.constant 0 : i32
    %dma_wait3A_2362 = tpu.memref_slice %arg5[%add3A_2354, %dma_wait3A_2361] : memref<106496x64xf32, #tpu.memory_space<hbm>> -> memref<832x64xf32, #tpu.memory_space<hbm>>
    tpu.wait_dma2 semaphore(%arg11 : memref<!tpu.dma_semaphore, #tpu.memory_space<semaphore_mem>>) src(%arg9 : memref<832x64xf32, #tpu.memory_space<vmem>>) dst(%dma_wait3A_2362 : memref<832x64xf32, #tpu.memory_space<hbm>>)
    return
  }
}

</mosaic_0001>

<sc_bundles>
// kernel: _lookup.3.cloned.1.call-start
scs
__scs_entry_jumppad:
0x0: {  	(pc) =	sbr.rel $0x88, $3  }
0x1: {  	(tag) =	ssettag $0x0;
	lr =	simm.s32 $0x1  }
0x2: {  	[smem:$0x3F9E] =	sst lr;
	_ =	strace $0xD0000000  }
0x3: {  	_ = 	snop  }
0x4: {  	_ = 	snop  }
0x5: {  	_ = 	snop  }
0x6: {  	_ = 	snop  }
0x7: {  	_ = 	snop  }
__scs_overlays_trampoline_lowered:
0x8: {  	[smem:$0x3FAD] =	sst s0  }
0x9: {  	[smem:$0x3FAE] =	sst s1  }
0xa: {  	[smem:$0x3FAF] =	sst s2  }
0xb: {  	[smem:$0x3FB0] =	sst s3  }
0xc: {  	[smem:$0x3FB1] =	sst s4  }
0xd: {  	[smem:$0x3FB2] =	sst s5  }
0xe: {  	[smem:$0x3FB3] =	sst s6  }
0xf: {  	[smem:$0x3FB4] =	sst s7  }
0x10: {  	[smem:$0x3FB5] =	sst s8  }
0x11: {  	[smem:$0x3FB6] =	sst s9;
	s0 =	simm.s32 @!p0 $0x0  }
0x12: {  	s1 =	sld [smem:$0x3F9C];
	s0 =	simm.s32 @p0 $0x1  }
0x13: {  	[smem:$0x3FB7] =	sst s0;
	s0 =	simm.s32 @!p1 $0x0  }
0x14: {  	s2 =	sld [smem:$0x3F9B];
	s0 =	simm.s32 @p1 $0x1  }
0x15: {  	[smem:$0x3FB8] =	sst s0;
	s0 =	simm.s32 @!p2 $0x0  }
0x16: {  	s3 =	sld [smem:$0x3FDB];
	s0 =	simm.s32 @p2 $0x1  }
0x17: {  	s4 =	simm.s32 $0x1BF5;
	[smem:$0x3FBA] =	sst s0  }
0x18: {  	s0 =	sld [smem:$0x3F9D];
	_ =	swait.ge [sflag:s4], $0x0  }
0x19: {  	s7 =	sld [smem:$0x3F9E]  }
0x1a: {  	s8 =	sadd.s32 $0xFFFFE003, lr  }
0x1b: {  	s9 =	sadd.s32 $0xFFFFFEF7, lr;
	s5 =	simm.s32 $0xFFFFFFFF;
	p2 =	slt.u32 s8, $0xFFFFF086  }
0x1c: {  	p1 =	slt.u32 s9, $0xF7A;
	s5 =	simm.s32 @!p2 $0x0  }
0x1d: {  	s5 =	simm.s32 @p1 $0x1;
	p0 =	seq.s32 s7, s2  }
0x1e: {  	s7 =	smul.u32 @!p0 $0xF7A, s2;
	p2 =	seq.s32 @!p0 s5, $0x0  }
0x1f: {  	s9 =	smul.u32 $0xF7A, s1;
	s8 =	simm.s32 @!p0 $0x1BF5;
	p2 =	por !p2, p0  }
0x20: {  	[sflag:s8] =	ssyncset.s32 @!p0 $0xFFFFF086;
	s6 =	sadd.s32 @!p0 s3, s7;
	s7 =	simm.s32 @!p0 $0x108  }
0x21: {  	s3 =	sadd.s32 s3, s9;
	s6 =	sadd.s32 @!p0 $0x88, s6;
	s7 =	simm.s32 @p2 $0x1082  }
0x22: {  	[simem:s7], [sflag:s8] =	dma.local @!p0 [hbm:s6], $0xF7A  }
0x23: {  	s9 =	sor.u32 $0xD0000000, s2;
	s6 =	simm.s32 $0x108;
	_ =	swait.ge @!p0 [sflag:s8], $0x0  }
0x24: {  	s3 =	sadd.s32 $0x88, s3;
	s6 =	simm.s32 @!p1 $0x1082;
	[sflag:s4] =	ssyncset.s32 $0xFFFFF086  }
0x25: {  	[simem:s6], [sflag:s4] =	dma.local [hbm:s3], $0xF7A  }
0x26: {  	[smem:$0x3F9E] =	sst s1;
	(tag) =	ssettag s2;
	_ =	strace s9  }
0x27: {  	s1 =	sld [smem:$0x3FAE]  }
0x28: {  	s2 =	sld [smem:$0x3FAF]  }
0x29: {  	s4 =	sld [smem:$0x3FB1]  }
0x2a: {  	p0 =	seq.s32 s5, $0x0;
	s5 =	sld [smem:$0x3FB2]  }
0x2b: {  	s6 =	sld [smem:$0x3FB3]  }
0x2c: {  	s7 =	sld [smem:$0x3FB4]  }
0x2d: {  	s3 =	simm.s32 $0x108;
	s8 =	sld [smem:$0x3FB5]  }
0x2e: {  	s3 =	simm.s32 @!p0 $0x1082;
	s9 =	sld [smem:$0x3FB6]  }
0x2f: {  	lr =	sadd.s32 s0, s3;
	s0 =	sld [smem:$0x3FAD]  }
0x30: {  	s3 =	sld [smem:$0x3FB0]  }
0x31: {  	[smem:$0x3FB9] =	sst s10  }
0x32: {  	s10 =	sld [smem:$0x3FB7];
	_ =	sdelay $0x3  }
0x33: {  	p0 =	seq.s32 s10, $0x1;
	s10 =	sld [smem:$0x3FB9];
	_ =	sdelay $0x3  }
0x34: {  	[smem:$0x3FB9] =	sst s10  }
0x35: {  	s10 =	sld [smem:$0x3FB8];
	_ =	sdelay $0x3  }
0x36: {  	p1 =	seq.s32 s10, $0x1;
	s10 =	sld [smem:$0x3FB9];
	_ =	sdelay $0x3  }
0x37: {  	[smem:$0x3FB9] =	sst s10  }
0x38: {  	s10 =	sld [smem:$0x3FBA]  }
0x39: {  	_ = 	snop;
	(pc) =	sbr.ind lr, $3  }
0x3a: {  	_ = 	snop  }
0x3b: {  	_ = 	snop  }
0x3c: {  	p2 =	seq.s32 s10, $0x1;
	s10 =	sld [smem:$0x3FB9]  }
0x3d: {  	_ =	shalt  }
0x3e: {  	_ =	shalt  }
0x3f: {  	_ =	shalt  }
0x40: {  	_ =	shalt  }
0x41: {  	_ =	shalt  }
0x42: {  	_ =	shalt  }
0x43: {  	_ =	shalt  }
0x44: {  	_ =	shalt  }
0x45: {  	_ =	shalt  }
0x46: {  	_ =	shalt  }
0x47: {  	_ =	shalt  }
0x48: {  	_ =	shalt  }
0x49: {  	_ =	shalt  }
0x4a: {  	_ =	shalt  }
0x4b: {  	_ =	shalt  }
0x4c: {  	_ =	shalt  }
0x4d: {  	_ =	shalt  }
0x4e: {  	_ =	shalt  }
0x4f: {  	_ =	shalt  }
0x50: {  	_ =	shalt  }
0x51: {  	_ =	shalt  }
0x52: {  	_ =	shalt  }
0x53: {  	_ =	shalt  }
0x54: {  	_ =	shalt  }
0x55: {  	_ =	shalt  }
0x56: {  	_ =	shalt  }
0x57: {  	_ =	shalt  }
0x58: {  	_ =	shalt  }
0x59: {  	_ =	shalt  }
0x5a: {  	_ =	shalt  }
0x5b: {  	_ =	shalt  }
0x5c: {  	_ =	shalt  }
0x5d: {  	_ =	shalt  }
0x5e: {  	_ =	shalt  }
0x5f: {  	_ =	shalt  }
0x60: {  	_ =	shalt  }
0x61: {  	_ =	shalt  }
0x62: {  	_ =	shalt  }
0x63: {  	_ =	shalt  }
0x64: {  	_ =	shalt  }
0x65: {  	_ =	shalt  }
0x66: {  	_ =	shalt  }
0x67: {  	_ =	shalt  }
0x68: {  	_ =	shalt  }
0x69: {  	_ =	shalt  }
0x6a: {  	_ =	shalt  }
0x6b: {  	_ =	shalt  }
0x6c: {  	_ =	shalt  }
0x6d: {  	_ =	shalt  }
0x6e: {  	_ =	shalt  }
0x6f: {  	_ =	shalt  }
0x70: {  	_ =	shalt  }
0x71: {  	_ =	shalt  }
0x72: {  	_ =	shalt  }
0x73: {  	_ =	shalt  }
0x74: {  	_ =	shalt  }
0x75: {  	_ =	shalt  }
0x76: {  	_ =	shalt  }
0x77: {  	_ =	shalt  }
0x78: {  	_ =	shalt  }
0x79: {  	_ =	shalt  }
0x7a: {  	_ =	shalt  }
0x7b: {  	_ =	shalt  }
0x7c: {  	_ =	shalt  }
0x7d: {  	_ =	shalt  }
0x7e: {  	_ =	shalt  }
0x7f: {  	_ =	shalt  }
0x80: {  	_ =	shalt  }
0x81: {  	_ =	shalt  }
0x82: {  	_ =	shalt  }
0x83: {  	_ =	shalt  }
0x84: {  	_ =	shalt  }
0x85: {  	_ =	shalt  }
0x86: {  	_ =	shalt  }
0x87: {  	_ =	shalt  }
.Lfunc_end0:
.L_simem_size_0:
called_computation_lowered:
.L_overlay_start_0:
0x88: {  	s2 =	sld [smem:$0x3FD9]  }
0x89: {  	s3 =	sld [smem:$0x3FFE];
	_ =	sdelay $0x1  }
0x8a: {  	s1 =	srdreg.scid  }
0x8b: {  	s0 =	sand.u32 $0x1, s1  }
0x8c: {  	s17 =	sshll.u32 s0, $0xA;
	s2 =	sadd.s32 s3, s2  }
0x8d: {  	s2 =	sadd.s32 s2, s17  }
0x8e: {  	[smem:$0x3FC5] =	sst s2  }
0x8f: {  	_ = 	snop  }
0x90: {  	s2 =	sld [smem:$0x3FC9]  }
0x91: {  	s18 =	sld [smem:$0x3FC8]  }
0x92: {  	s4 =	sld [smem:$0x3FD0];
	(tm) =	ssettm $0x1  }
0x93: {  	s5 =	sld [smem:$0x3FFB];
	_ =	sdelay $0x3  }
0x94: {  	_ =	strace s5  }
0x95: {  	s5 =	sld [smem:$0x3FFC];
	_ =	sdelay $0x3  }
0x96: {  	_ =	strace s5  }
0x97: {  	s5 =	sld [smem:$0x3FFD];
	_ =	sdelay $0x3  }
0x98: {  	_ =	strace s5  }
0x99: {  	_ =	strace $0x8FFFFFFF  }
0x9a: {  	s19 =	sld [smem:$0x3FDB];
	_ =	sdelay $0x1  }
0x9b: {  	s6 =	simm.s32 $_scs_section_size  }
0x9c: {  	s7 =	simm.s32 $_size__tile_overlayer_lowered;
	s8 =	simm.s32 $_tile_overlayer_lowered  }
0x9d: {  	s22 =	simm.s32 $0x1BFF;
	s21 =	sshll.u32 s8, $0x1;
	s5 =	sadd.s32 s6, s19  }
0x9e: {  	s9 =	simm.s32 $0x0;
	s20 =	sshll.u32 s7, $0x1;
	s7 =	sadd.s32 s21, s5  }
0x9f: {  	[timem:s9], [sflag:s22] =	dma.local [hbm:s7], s20  }
0xa0: {  	_ =	swait.ge [sflag:s22], s20  }
0xa1: {  	s6 =	ssub.s32 $0x0, s20;
	[sflag:s22] =	ssyncset.done $0x0  }
0xa2: {  	[sflag:s22] =	ssyncadd.s32 s6;
	_ =	sdelay $0x1  }
0xa3: {  	s23 =	simm.s32 $0x1B8B  }
0xa4: {  	_ =	swait.ge [sflag:s23], $0x1  }
0xa5: {  	[sflag:s23] =	ssyncset.done $0x0  }
0xa6: {  	s25 =	simm.s32 $0x1B8E;
	s24 =	sld [smem:$0x3FFE];
	[sflag:s23] =	ssyncadd.s32 $0xFFFFFFFF  }
0xa7: {  	s26 =	simm.s32 $execute0_lowered;
	[smem:$0x3FD2] =	sst s25  }
0xa8: {  	s7 =	sshll.u32 s26, $0x1;
	_ =	strace $0x80000046;
	[dreg:$0x1] =	wrdreg $0xFFFFFFFF  }
0xa9: {  	s28 =	simm.s32 $_size_execute0_lowered;
	s5 =	sadd.s32 s5, s7;
	[dreg:$0x0] =	wrdreg $0x0  }
0xaa: {  	s7 =	sshll.u32 s28, $0x1;
	[dreg:$0x2] =	wrdreg s5  }
0xab: {  	[dreg:$0x3] =	wrdreg s7  }
0xac: {  	[dreg:$0x4] =	wrdreg $0xC0  }
0xad: {  	_ =	task [dreg:s9], $0x5FFFF  }
0xae: {  	[dreg:$0x1] =	wrdreg $0xFFFFFFFF  }
0xaf: {  	[dreg:$0x0] =	wrdreg $0x60  }
0xb0: {  	[dreg:$0x2] =	wrdreg s2  }
0xb1: {  	[dreg:$0x3] =	wrdreg s18  }
0xb2: {  	[dreg:$0x4] =	wrdreg s24  }
0xb3: {  	[dreg:$0x5] =	wrdreg s4  }
0xb4: {  	[dreg:$0x6] =	wrdreg $0x9  }
0xb5: {  	_ =	task.clear_ibuf [dreg:s9], $0x7FFFF;
	_ =	strace $0x90000046  }
0xb6: {  	s29 =	simm.s32 $0x9;
	_ =	strace $0x80000048  }
0xb7: {  	_ =	swait.ge [sflag:s29], $0x1  }
0xb8: {  	[sflag:s29] =	ssyncadd.s32 $0xFFFFFFFF  }
0xb9: {  	_ =	strace $0x90000048  }
0xba: {  	_ =	sfence  }
0xbb: {  	s30 =	sld [smem:$0x0];
	_ =	sdelay $0x2  }
0xbc: {  	s31 =	sshll.u32 s1, $0xD;
	s1 =	sshrl.u32 s1, $0x2  }
0xbd: {  	s3 =	sand.u32 $0x4000, s31;
	s1 =	sadd.s32 s1, s30  }
0xbe: {  	s0 =	sor.u32 s3, s0;
	s1 =	sshll.u32 s1, $0x11  }
0xbf: {  	s0 =	sor.u32 s1, s0  }
0xc0: {  	s0 =	sadd.s32 $0x8F2B, s0  }
0xc1: {  	[sflag:s0] =	ssyncadd.remote.s32 $0x1  }
0xc2: {  	_ =	sfence.sel $0xFFFF  }
0xc3: {  	[dreg:$0x0] =	wrdreg $0xFFFFFFFF;
	(pc) =	sbr.abs _section_cstart, $3  }
0xc4: {  	[dreg:$0x1] =	wrdreg $0xFFFFFFFF  }
0xc5: {  	_ =	task.clear_ibuf [dreg:s9], $0x2FFFF;
	_ =	strace $0x9FFFFFFF  }
0xc6: {  	(tm) =	ssettm $0x7FFFFFFF  }
0xc7: {  	_ =	shalt  }
tec
execute0_lowered:
.L_overlay_start_1:
0x0: {  	(tag) =	ssettag $0x1  }
0x1: {  	s5 =	rddreg [dreg:$0x0]  }
0x2: {  	s1 =	rddreg [dreg:$0x1]  }
0x3: {  	s4 =	rddreg [dreg:$0x2];
	s2 =	srdreg.scid  }
0x4: {  	s0 =	stileid.u32;
	s6 =	rddreg [dreg:$0x3];
	s3 =	simm.s32 $0x0  }
0x5: {  	s12 =	simm.s32 $0xD00;
	s13 =	simm.s32 $0x340;
	s14 =	simm.s32 $0x1A00  }
0x6: {  	s15 =	simm.s32 $0x1;
	s16 =	simm.s32 $0xEA00;
	s17 =	simm.s32 $0x2  }
0x7: {  	s18 =	simm.s32 $0x680;
	s7 =	sand.u32 $0x1, s2;
	s8 =	sshll.u32 s0, $0x1  }
0x8: {  	s19 =	simm.s32 $0x9C0;
	s2 =	rddreg [dreg:$0x4];
	s8 =	sor.u32 s7, s8  }
0x9: {  	[smem:$0x7FF] =	sst s3;
	s7 =	ssub.s32 $0x2, s7;
	s9 =	smul.u32 $0x34000, s8  }
0xa: {  	s4 =	sadd.s32 $0x27AC800, s4;
	s10 =	smul.u32 $0x1A0, s8;
	s11 =	sshrl.u32 s7, $0x1  }
0xb: {  	_ =	strace $0x80000047;
	s8 =	smul.u32 $0x6800, s8;
	s11 =	ssub.s32 s7, s11  }
0xc: {  	s9 =	sshrl.u32 s9, $0x3;
	s5 =	sadd.s32 s5, s10;
	s10 =	smax.u32 s11, $0x1  }
0xd: {  	s11 =	simm.s32 $0x3;
	s9 =	sadd.s32 s6, s9;
	s6 =	sadd.s32 s6, s8  }
0xe: {  	s7 =	sadd.s32 $0x1A00, s9;
	s8 =	sadd.s32 $0x3400, s9;
	s9 =	sadd.s32 $0x4E00, s9  }
.LBB2_1:
0xf: {  	[tilespmem:s3], [sflag:$0x3] =	stream.linear.gather [hbm4b:s5+s3], $0xD00, $0x38;
	[tilespmem:$0x1BA00] =	vst v63  }
0x10: {  	_ =	swait.ge [sflag:s11], $0xD00  }
0x11: {  	[sflag:s11] =	ssyncset.done $0x0  }
0x12: {  	[sflag:s11] =	ssyncadd.s32 $0xFFFFF300  }
0x13: {  	[tilespmem:s12], [sflag:$0x3] =	stream.linear.gather [hbm4b:s1+s3], $0xD00, $0x38;
	[tilespmem:$0x1BA00] =	vst v63  }
0x14: {  	_ =	swait.ge [sflag:s11], $0xD00  }
0x15: {  	[sflag:s11] =	ssyncset.done $0x0  }
0x16: {  	[sflag:s11] =	ssyncadd.s32 $0xFFFFF300  }
0x17: {  	v2 =	vld [tilespmem:$0x10]  }
0x18: {  	v3 =	vld [tilespmem:$0xD10]  }
0x19: {  	v6 =	vld [tilespmem:$0x30]  }
0x1a: {  	v48 =	vld [tilespmem:$0x180]  }
0x1b: {  	v49 =	vld [tilespmem:$0xE80]  }
0x1c: {  	v50 =	vld [tilespmem:$0x190]  }
0x1d: {  	v51 =	vld [tilespmem:$0xE90]  }
0x1e: {  	v7 =	vld [tilespmem:$0xD30];
	_ =	sdelay $0x2  }
0x1f: {  	v56 =	vadd.s32 v48, v49;
	v48 =	vld [tilespmem:$0x2E0]  }
0x20: {  	v61 =	vadd.s32 v2, v3;
	v58 =	vadd.s32 v50, v51;
	v50 =	vld [tilespmem:$0xFE0]  }
0x21: {  	v63 =	vadd.s32 v6, v7;
	[tilespmem:$0x10] =	vst v61;
	v61 =	vld [tilespmem:$0x280]  }
0x22: {  	[tilespmem:$0x30] =	vst v63;
	v63 =	vld [tilespmem:$0xF80];
	_ =	sdelay $0x4  }
0x23: {  	v51 =	vadd.s32 v61, v63;
	v61 =	vadd.s32 v48, v50  }
0x24: {  	[tilespmem:$0x2E0] =	vst v61;
	v61 =	vld [tilespmem:$0x510];
	_ =	sdelay $0x4  }
0x25: {  	[tilespmem:$0x1F7C0] =	vst v61;
	v61 =	vld [tilespmem:$0x1210];
	_ =	sdelay $0x4  }
0x26: {  	[tilespmem:$0x1F7D0] =	vst v61;
	v61 =	vld [tilespmem:$0x520];
	_ =	sdelay $0x4  }
0x27: {  	[tilespmem:$0x1F7E0] =	vst v61;
	v61 =	vld [tilespmem:$0x1220];
	_ =	sdelay $0x4  }
0x28: {  	[tilespmem:$0x1F7F0] =	vst v61;
	v61 =	vld [tilespmem:$0x530];
	_ =	sdelay $0x4  }
0x29: {  	[tilespmem:$0x1F800] =	vst v61;
	v61 =	vld [tilespmem:$0x1230];
	_ =	sdelay $0x4  }
0x2a: {  	[tilespmem:$0x1F810] =	vst v61;
	v61 =	vld [tilespmem:$0x540];
	_ =	sdelay $0x4  }
0x2b: {  	[tilespmem:$0x1F820] =	vst v61;
	v61 =	vld [tilespmem:$0x1240];
	_ =	sdelay $0x4  }
0x2c: {  	[tilespmem:$0x1F830] =	vst v61;
	v61 =	vld [tilespmem:$0x550];
	_ =	sdelay $0x4  }
0x2d: {  	[tilespmem:$0x1F840] =	vst v61;
	v61 =	vld [tilespmem:$0x1250];
	_ =	sdelay $0x4  }
0x2e: {  	[tilespmem:$0x1F850] =	vst v61;
	v61 =	vld [tilespmem:$0x560];
	_ =	sdelay $0x4  }
0x2f: {  	[tilespmem:$0x1F860] =	vst v61;
	v61 =	vld [tilespmem:$0x1260];
	_ =	sdelay $0x4  }
0x30: {  	[tilespmem:$0x1F870] =	vst v61;
	v61 =	vld [tilespmem:$0x570];
	_ =	sdelay $0x4  }
0x31: {  	[tilespmem:$0x1F880] =	vst v61;
	v61 =	vld [tilespmem:$0x1270];
	_ =	sdelay $0x4  }
0x32: {  	[tilespmem:$0x1F890] =	vst v61;
	v61 =	vld [tilespmem:$0x580];
	_ =	sdelay $0x4  }
0x33: {  	[tilespmem:$0x1F8A0] =	vst v61;
	v61 =	vld [tilespmem:$0x1280];
	_ =	sdelay $0x4  }
0x34: {  	[tilespmem:$0x1F8B0] =	vst v61;
	v61 =	vld [tilespmem:$0x590];
	_ =	sdelay $0x4  }
0x35: {  	[tilespmem:$0x1F8C0] =	vst v61;
	v61 =	vld [tilespmem:$0x1290];
	_ =	sdelay $0x4  }
0x36: {  	[tilespmem:$0x1F8D0] =	vst v61;
	v61 =	vld [tilespmem:$0x5A0];
	_ =	sdelay $0x4  }
0x37: {  	[tilespmem:$0x1F8E0] =	vst v61;
	v61 =	vld [tilespmem:$0x12A0];
	_ =	sdelay $0x4  }
0x38: {  	[tilespmem:$0x1F8F0] =	vst v61;
	v61 =	vld [tilespmem:$0x5B0];
	_ =	sdelay $0x4  }
0x39: {  	[tilespmem:$0x1F900] =	vst v61;
	v61 =	vld [tilespmem:$0x12B0];
	_ =	sdelay $0x4  }
0x3a: {  	[tilespmem:$0x1F910] =	vst v61;
	v61 =	vld [tilespmem:$0x5C0];
	_ =	sdelay $0x4  }
0x3b: {  	[tilespmem:$0x1F920] =	vst v61;
	v61 =	vld [tilespmem:$0x12C0];
	_ =	sdelay $0x4  }
0x3c: {  	[tilespmem:$0x1F930] =	vst v61;
	v61 =	vld [tilespmem:$0x5D0];
	_ =	sdelay $0x4  }
0x3d: {  	[tilespmem:$0x1F940] =	vst v61;
	v61 =	vld [tilespmem:$0x12D0];
	_ =	sdelay $0x4  }
0x3e: {  	[tilespmem:$0x1F950] =	vst v61;
	v61 =	vld [tilespmem:$0x5E0];
	_ =	sdelay $0x4  }
0x3f: {  	[tilespmem:$0x1F960] =	vst v61;
	v61 =	vld [tilespmem:$0x12E0];
	_ =	sdelay $0x4  }
0x40: {  	[tilespmem:$0x1F970] =	vst v61;
	v61 =	vld [tilespmem:$0x5F0];
	_ =	sdelay $0x4  }
0x41: {  	[tilespmem:$0x1F980] =	vst v61;
	v61 =	vld [tilespmem:$0x12F0];
	_ =	sdelay $0x4  }
0x42: {  	[tilespmem:$0x1F990] =	vst v61;
	v61 =	vld [tilespmem:$0x600];
	_ =	sdelay $0x4  }
0x43: {  	[tilespmem:$0x1F9A0] =	vst v61;
	v61 =	vld [tilespmem:$0x1300];
	_ =	sdelay $0x4  }
0x44: {  	[tilespmem:$0x1F9B0] =	vst v61;
	v61 =	vld [tilespmem:$0x610];
	_ =	sdelay $0x4  }
0x45: {  	[tilespmem:$0x1F9C0] =	vst v61;
	v61 =	vld [tilespmem:$0x1310];
	_ =	sdelay $0x4  }
0x46: {  	[tilespmem:$0x1F9D0] =	vst v61;
	v61 =	vld [tilespmem:$0x620];
	_ =	sdelay $0x4  }
0x47: {  	[tilespmem:$0x1F9E0] =	vst v61;
	v61 =	vld [tilespmem:$0x1320];
	_ =	sdelay $0x4  }
0x48: {  	[tilespmem:$0x1F9F0] =	vst v61;
	v61 =	vld [tilespmem:$0x630];
	_ =	sdelay $0x4  }
0x49: {  	[tilespmem:$0x1FA00] =	vst v61;
	v61 =	vld [tilespmem:$0x1330];
	_ =	sdelay $0x4  }
0x4a: {  	[tilespmem:$0x1FA10] =	vst v61;
	v61 =	vld [tilespmem:$0x640];
	_ =	sdelay $0x4  }
0x4b: {  	[tilespmem:$0x1FA20] =	vst v61;
	v61 =	vld [tilespmem:$0x1340];
	_ =	sdelay $0x4  }
0x4c: {  	[tilespmem:$0x1FA30] =	vst v61;
	v61 =	vld [tilespmem:$0x650];
	_ =	sdelay $0x4  }
0x4d: {  	[tilespmem:$0x1FA40] =	vst v61;
	v61 =	vld [tilespmem:$0x1350];
	_ =	sdelay $0x4  }
0x4e: {  	[tilespmem:$0x1FA50] =	vst v61;
	v61 =	vld [tilespmem:$0x660];
	_ =	sdelay $0x4  }
0x4f: {  	[tilespmem:$0x1FA60] =	vst v61;
	v61 =	vld [tilespmem:$0x1360];
	_ =	sdelay $0x4  }
0x50: {  	[tilespmem:$0x1FA70] =	vst v61;
	v61 =	vld [tilespmem:$0x670];
	_ =	sdelay $0x4  }
0x51: {  	[tilespmem:$0x1FA80] =	vst v61;
	v61 =	vld [tilespmem:$0x1370];
	_ =	sdelay $0x4  }
0x52: {  	[tilespmem:$0x1FA90] =	vst v61;
	v61 =	vld [tilespmem:$0x680];
	_ =	sdelay $0x4  }
0x53: {  	[tilespmem:$0x1FAA0] =	vst v61;
	v61 =	vld [tilespmem:$0x1380];
	_ =	sdelay $0x4  }
0x54: {  	[tilespmem:$0x1FAB0] =	vst v61;
	v61 =	vld [tilespmem:$0x690];
	_ =	sdelay $0x4  }
0x55: {  	[tilespmem:$0x1FAC0] =	vst v61;
	v61 =	vld [tilespmem:$0x1390];
	_ =	sdelay $0x4  }
0x56: {  	[tilespmem:$0x1FAD0] =	vst v61;
	v61 =	vld [tilespmem:$0x6A0];
	_ =	sdelay $0x4  }
0x57: {  	[tilespmem:$0x1FAE0] =	vst v61;
	v61 =	vld [tilespmem:$0x13A0];
	_ =	sdelay $0x4  }
0x58: {  	[tilespmem:$0x1FAF0] =	vst v61;
	v61 =	vld [tilespmem:$0x6B0];
	_ =	sdelay $0x4  }
0x59: {  	[tilespmem:$0x1FB00] =	vst v61;
	v61 =	vld [tilespmem:$0x13B0];
	_ =	sdelay $0x4  }
0x5a: {  	[tilespmem:$0x1FB10] =	vst v61;
	v61 =	vld [tilespmem:$0x6C0];
	_ =	sdelay $0x4  }
0x5b: {  	[tilespmem:$0x1FB20] =	vst v61;
	v61 =	vld [tilespmem:$0x13C0];
	_ =	sdelay $0x4  }
0x5c: {  	[tilespmem:$0x1FB30] =	vst v61;
	v61 =	vld [tilespmem:$0x6D0];
	_ =	sdelay $0x4  }
0x5d: {  	[tilespmem:$0x1FB40] =	vst v61;
	v61 =	vld [tilespmem:$0x13D0];
	_ =	sdelay $0x4  }
0x5e: {  	[tilespmem:$0x1FB50] =	vst v61;
	v61 =	vld [tilespmem:$0x6E0];
	_ =	sdelay $0x4  }
0x5f: {  	[tilespmem:$0x1FB60] =	vst v61;
	v61 =	vld [tilespmem:$0x13E0];
	_ =	sdelay $0x4  }
0x60: {  	[tilespmem:$0x1FB70] =	vst v61;
	v61 =	vld [tilespmem:$0x6F0];
	_ =	sdelay $0x4  }
0x61: {  	[tilespmem:$0x1FB80] =	vst v61;
	v61 =	vld [tilespmem:$0x13F0];
	_ =	sdelay $0x2  }
0x62: {  	v0 =	vld [tilespmem:$0x0]  }
0x63: {  	v1 =	vld [tilespmem:$0xD00]  }
0x64: {  	[tilespmem:$0x1FB90] =	vst v61;
	v61 =	vld [tilespmem:$0x700]  }
0x65: {  	v4 =	vld [tilespmem:$0x20]  }
0x66: {  	v5 =	vld [tilespmem:$0xD20]  }
0x67: {  	v8 =	vld [tilespmem:$0x40]  }
0x68: {  	v9 =	vld [tilespmem:$0xD40]  }
0x69: {  	[tilespmem:$0x1FBA0] =	vst v61;
	v61 =	vld [tilespmem:$0x1400]  }
0x6a: {  	v10 =	vld [tilespmem:$0x50]  }
0x6b: {  	v11 =	vld [tilespmem:$0xD50]  }
0x6c: {  	v12 =	vld [tilespmem:$0x60]  }
0x6d: {  	v13 =	vld [tilespmem:$0xD60]  }
0x6e: {  	[tilespmem:$0x1FBB0] =	vst v61;
	v61 =	vld [tilespmem:$0x710]  }
0x6f: {  	v14 =	vld [tilespmem:$0x70]  }
0x70: {  	v15 =	vld [tilespmem:$0xD70]  }
0x71: {  	v16 =	vld [tilespmem:$0x80]  }
0x72: {  	v17 =	vld [tilespmem:$0xD80]  }
0x73: {  	[tilespmem:$0x1FBC0] =	vst v61;
	v61 =	vld [tilespmem:$0x1410]  }
0x74: {  	v18 =	vld [tilespmem:$0x90]  }
0x75: {  	v19 =	vld [tilespmem:$0xD90]  }
0x76: {  	v20 =	vld [tilespmem:$0xA0]  }
0x77: {  	v21 =	vld [tilespmem:$0xDA0]  }
0x78: {  	[tilespmem:$0x1FBD0] =	vst v61;
	v61 =	vld [tilespmem:$0x720]  }
0x79: {  	v22 =	vld [tilespmem:$0xB0]  }
0x7a: {  	v23 =	vld [tilespmem:$0xDB0]  }
0x7b: {  	v24 =	vld [tilespmem:$0xC0]  }
0x7c: {  	v25 =	vld [tilespmem:$0xDC0]  }
0x7d: {  	[tilespmem:$0x1FBE0] =	vst v61;
	v61 =	vld [tilespmem:$0x1420]  }
0x7e: {  	v26 =	vld [tilespmem:$0xD0]  }
0x7f: {  	v27 =	vld [tilespmem:$0xDD0]  }
0x80: {  	v28 =	vld [tilespmem:$0xE0]  }
0x81: {  	v29 =	vld [tilespmem:$0xDE0]  }
0x82: {  	[tilespmem:$0x1FBF0] =	vst v61;
	v61 =	vld [tilespmem:$0x730]  }
0x83: {  	v30 =	vld [tilespmem:$0xF0]  }
0x84: {  	v31 =	vld [tilespmem:$0xDF0]  }
0x85: {  	v32 =	vld [tilespmem:$0x100]  }
0x86: {  	v33 =	vld [tilespmem:$0xE00]  }
0x87: {  	[tilespmem:$0x1FC00] =	vst v61;
	v61 =	vld [tilespmem:$0x1430]  }
0x88: {  	v34 =	vld [tilespmem:$0x110]  }
0x89: {  	v35 =	vld [tilespmem:$0xE10]  }
0x8a: {  	v36 =	vld [tilespmem:$0x120]  }
0x8b: {  	v37 =	vld [tilespmem:$0xE20]  }
0x8c: {  	[tilespmem:$0x1FC10] =	vst v61;
	v61 =	vld [tilespmem:$0x740]  }
0x8d: {  	v38 =	vld [tilespmem:$0x130]  }
0x8e: {  	v39 =	vld [tilespmem:$0xE30]  }
0x8f: {  	v40 =	vld [tilespmem:$0x140]  }
0x90: {  	v41 =	vld [tilespmem:$0xE40]  }
0x91: {  	[tilespmem:$0x1FC20] =	vst v61;
	v61 =	vld [tilespmem:$0x1440]  }
0x92: {  	v42 =	vld [tilespmem:$0x150]  }
0x93: {  	v43 =	vld [tilespmem:$0xE50]  }
0x94: {  	v44 =	vld [tilespmem:$0x160]  }
0x95: {  	v45 =	vld [tilespmem:$0xE60]  }
0x96: {  	[tilespmem:$0x1FC30] =	vst v61;
	v61 =	vld [tilespmem:$0x750]  }
0x97: {  	v46 =	vld [tilespmem:$0x170]  }
0x98: {  	v47 =	vld [tilespmem:$0xE70]  }
0x99: {  	v52 =	vld [tilespmem:$0x1A0]  }
0x9a: {  	v53 =	vld [tilespmem:$0xEA0]  }
0x9b: {  	[tilespmem:$0x1FC40] =	vst v61;
	v61 =	vld [tilespmem:$0x1450]  }
0x9c: {  	v55 =	vld [tilespmem:$0xF60]  }
0x9d: {  	v57 =	vld [tilespmem:$0x270]  }
0x9e: {  	v59 =	vld [tilespmem:$0xF70]  }
0x9f: {  	v0 =	vadd.s32 v0, v1;
	v1 =	vld [tilespmem:$0x1B0]  }
0xa0: {  	[tilespmem:$0x1FC50] =	vst v61;
	v61 =	vld [tilespmem:$0x760]  }
0xa1: {  	v2 =	vld [tilespmem:$0xEB0]  }
0xa2: {  	v3 =	vld [tilespmem:$0x1C0]  }
0xa3: {  	v62 =	vadd.s32 v4, v5;
	v4 =	vld [tilespmem:$0xEC0]  }
0xa4: {  	v5 =	vld [tilespmem:$0x1D0]  }
0xa5: {  	[tilespmem:$0x1FC60] =	vst v61;
	v61 =	vld [tilespmem:$0x1460]  }
0xa6: {  	v6 =	vld [tilespmem:$0xED0]  }
0xa7: {  	v7 =	vld [tilespmem:$0x1E0]  }
0xa8: {  	v9 =	vadd.s32 v8, v9;
	v8 =	vld [tilespmem:$0xEE0]  }
0xa9: {  	v11 =	vadd.s32 v10, v11;
	v10 =	vld [tilespmem:$0xEF0]  }
0xaa: {  	[tilespmem:$0x1FC70] =	vst v61;
	v61 =	vld [tilespmem:$0x770]  }
0xab: {  	v13 =	vadd.s32 v12, v13;
	v12 =	vld [tilespmem:$0xF00]  }
0xac: {  	v15 =	vadd.s32 v14, v15;
	v14 =	vld [tilespmem:$0xF10]  }
0xad: {  	v17 =	vadd.s32 v16, v17;
	v16 =	vld [tilespmem:$0xF20]  }
0xae: {  	v19 =	vadd.s32 v18, v19;
	v18 =	vld [tilespmem:$0xF30]  }
0xaf: {  	[tilespmem:$0x1FC80] =	vst v61;
	v61 =	vld [tilespmem:$0x1470]  }
0xb0: {  	v21 =	vadd.s32 v20, v21;
	v20 =	vld [tilespmem:$0xF40]  }
0xb1: {  	v23 =	vadd.s32 v22, v23;
	v22 =	vld [tilespmem:$0xF50]  }
0xb2: {  	v29 =	vadd.s32 v28, v29;
	v28 =	vld [tilespmem:$0x290]  }
0xb3: {  	v31 =	vadd.s32 v30, v31;
	v30 =	vld [tilespmem:$0xF90]  }
0xb4: {  	[tilespmem:$0x1FC90] =	vst v61;
	v61 =	vld [tilespmem:$0x780]  }
0xb5: {  	v33 =	vadd.s32 v32, v33;
	v32 =	vld [tilespmem:$0x2A0]  }
0xb6: {  	v35 =	vadd.s32 v34, v35;
	v34 =	vld [tilespmem:$0xFA0]  }
0xb7: {  	v37 =	vadd.s32 v36, v37;
	v36 =	vld [tilespmem:$0x2B0]  }
0xb8: {  	v39 =	vadd.s32 v38, v39;
	v38 =	vld [tilespmem:$0xFB0]  }
0xb9: {  	[tilespmem:$0x1FCA0] =	vst v61;
	v61 =	vld [tilespmem:$0x1480]  }
0xba: {  	v41 =	vadd.s32 v40, v41;
	v40 =	vld [tilespmem:$0x2C0]  }
0xbb: {  	v43 =	vadd.s32 v42, v43;
	v42 =	vld [tilespmem:$0xFC0]  }
0xbc: {  	v45 =	vadd.s32 v44, v45;
	v44 =	vld [tilespmem:$0x2D0]  }
0xbd: {  	v54 =	vadd.s32 v46, v47;
	v46 =	vld [tilespmem:$0xFD0]  }
0xbe: {  	[tilespmem:$0x1FCB0] =	vst v61;
	v61 =	vld [tilespmem:$0x790]  }
0xbf: {  	v60 =	vadd.s32 v52, v53;
	v52 =	vld [tilespmem:$0x2F0]  }
0xc0: {  	v25 =	vadd.s32 v24, v25;
	v24 =	vld [tilespmem:$0x3C0]  }
0xc1: {  	v27 =	vadd.s32 v26, v27;
	v26 =	vld [tilespmem:$0x3D0]  }
0xc2: {  	[tilespmem:$0x40] =	vst v9;
	v9 =	vld [tilespmem:$0x1F0]  }
0xc3: {  	[tilespmem:$0x1FCC0] =	vst v61;
	v61 =	vld [tilespmem:$0x1490]  }
0xc4: {  	[tilespmem:$0x50] =	vst v11;
	v11 =	vld [tilespmem:$0x200]  }
0xc5: {  	[tilespmem:$0x60] =	vst v13;
	v13 =	vld [tilespmem:$0x210]  }
0xc6: {  	[tilespmem:$0x70] =	vst v15;
	v15 =	vld [tilespmem:$0x220]  }
0xc7: {  	[tilespmem:$0x80] =	vst v17;
	v17 =	vld [tilespmem:$0x230]  }
0xc8: {  	[tilespmem:$0x1FCD0] =	vst v61;
	v61 =	vld [tilespmem:$0x7A0]  }
0xc9: {  	[tilespmem:$0x90] =	vst v19;
	v19 =	vld [tilespmem:$0x240]  }
0xca: {  	[tilespmem:$0xA0] =	vst v21;
	v21 =	vld [tilespmem:$0x250]  }
0xcb: {  	[tilespmem:$0xB0] =	vst v23;
	v23 =	vld [tilespmem:$0x260]  }
0xcc: {  	[tilespmem:$0x170] =	vst v54;
	v54 =	vld [tilespmem:$0xFF0]  }
0xcd: {  	[tilespmem:$0x1FCE0] =	vst v61;
	v61 =	vld [tilespmem:$0x14A0]  }
0xce: {  	[tilespmem:$0x180] =	vst v56;
	v56 =	vld [tilespmem:$0x300]  }
0xcf: {  	[tilespmem:$0x190] =	vst v58;
	v58 =	vld [tilespmem:$0x1000]  }
0xd0: {  	[tilespmem:$0x0] =	vst v0;
	v0 =	vld [tilespmem:$0x1010]  }
0xd1: {  	[tilespmem:$0xC0] =	vst v25;
	v25 =	vld [tilespmem:$0x10E0]  }
0xd2: {  	[tilespmem:$0x1FCF0] =	vst v61;
	v61 =	vld [tilespmem:$0x7B0]  }
0xd3: {  	v49 =	vadd.s32 v57, v59;
	[tilespmem:$0xD0] =	vst v27;
	v27 =	vld [tilespmem:$0x10F0]  }
0xd4: {  	[tilespmem:$0x270] =	vst v49;
	v49 =	vld [tilespmem:$0x11C0]  }
0xd5: {  	[tilespmem:$0x20] =	vst v62;
	v62 =	vadd.s32 v1, v2;
	v2 =	vld [tilespmem:$0x310]  }
0xd6: {  	v1 =	vld [tilespmem:$0x1020]  }
0xd7: {  	[tilespmem:$0x1FD00] =	vst v61;
	v61 =	vld [tilespmem:$0x14B0]  }
0xd8: {  	[tilespmem:$0xE0] =	vst v29;
	v29 =	vadd.s32 v5, v6;
	v6 =	vld [tilespmem:$0x330]  }
0xd9: {  	v4 =	vadd.s32 v3, v4;
	v3 =	vld [tilespmem:$0x1030]  }
0xda: {  	[tilespmem:$0xF0] =	vst v31;
	v31 =	vadd.s32 v7, v8;
	v8 =	vld [tilespmem:$0x340]  }
0xdb: {  	v5 =	vld [tilespmem:$0x1040]  }
0xdc: {  	[tilespmem:$0x1FD10] =	vst v61;
	v61 =	vld [tilespmem:$0x7C0]  }
0xdd: {  	v7 =	vld [tilespmem:$0x1050]  }
0xde: {  	v53 =	vadd.s32 v28, v30;
	v28 =	vld [tilespmem:$0x3E0]  }
0xdf: {  	v30 =	vld [tilespmem:$0x3F0]  }
0xe0: {  	v57 =	vadd.s32 v36, v38;
	v36 =	vld [tilespmem:$0x420]  }
0xe1: {  	[tilespmem:$0x1FD20] =	vst v61;
	v61 =	vld [tilespmem:$0x14C0]  }
0xe2: {  	v38 =	vld [tilespmem:$0x430]  }
0xe3: {  	v59 =	vadd.s32 v40, v42;
	v40 =	vld [tilespmem:$0x1160]  }
0xe4: {  	[tilespmem:$0x1A0] =	vst v60;
	v60 =	vadd.s32 v44, v46;
	v44 =	vld [tilespmem:$0x480]  }
0xe5: {  	v42 =	vld [tilespmem:$0x1180]  }
0xe6: {  	[tilespmem:$0x1FD30] =	vst v61;
	v61 =	vld [tilespmem:$0x7D0]  }
0xe7: {  	v46 =	vld [tilespmem:$0x11A0]  }
0xe8: {  	[tilespmem:$0x1C0] =	vst v4;
	v4 =	vld [tilespmem:$0x320]  }
0xe9: {  	[tilespmem:$0x100] =	vst v33;
	v33 =	vadd.s32 v9, v10;
	v10 =	vld [tilespmem:$0x350]  }
0xea: {  	[tilespmem:$0x110] =	vst v35;
	v35 =	vadd.s32 v11, v12;
	v12 =	vld [tilespmem:$0x360]  }
0xeb: {  	[tilespmem:$0x1FD40] =	vst v61;
	v61 =	vld [tilespmem:$0x14D0]  }
0xec: {  	v9 =	vld [tilespmem:$0x1060]  }
0xed: {  	[tilespmem:$0x120] =	vst v37;
	v37 =	vadd.s32 v13, v14;
	v14 =	vld [tilespmem:$0x370]  }
0xee: {  	v11 =	vld [tilespmem:$0x1070]  }
0xef: {  	[tilespmem:$0x130] =	vst v39;
	v39 =	vadd.s32 v15, v16;
	v16 =	vld [tilespmem:$0x380]  }
0xf0: {  	[tilespmem:$0x1FD50] =	vst v61;
	v61 =	vld [tilespmem:$0x7E0]  }
0xf1: {  	v13 =	vld [tilespmem:$0x1080]  }
0xf2: {  	[tilespmem:$0x140] =	vst v41;
	v41 =	vadd.s32 v17, v18;
	v18 =	vld [tilespmem:$0x390]  }
0xf3: {  	v15 =	vld [tilespmem:$0x1090]  }
0xf4: {  	[tilespmem:$0x150] =	vst v43;
	v43 =	vadd.s32 v19, v20;
	v20 =	vld [tilespmem:$0x3A0]  }
0xf5: {  	[tilespmem:$0x1FD60] =	vst v61;
	v61 =	vld [tilespmem:$0x14E0]  }
0xf6: {  	v17 =	vld [tilespmem:$0x10A0]  }
0xf7: {  	[tilespmem:$0x160] =	vst v45;
	v45 =	vadd.s32 v21, v22;
	v22 =	vld [tilespmem:$0x3B0]  }
0xf8: {  	v19 =	vld [tilespmem:$0x10B0]  }
0xf9: {  	v21 =	vld [tilespmem:$0x10C0]  }
0xfa: {  	[tilespmem:$0x1FD70] =	vst v61;
	v61 =	vld [tilespmem:$0x7F0]  }
0xfb: {  	v47 =	vadd.s32 v23, v55;
	v23 =	vld [tilespmem:$0x10D0]  }
0xfc: {  	v55 =	vadd.s32 v32, v34;
	v32 =	vld [tilespmem:$0x400]  }
0xfd: {  	[tilespmem:$0x1D0] =	vst v29;
	v29 =	vld [tilespmem:$0x1100]  }
0xfe: {  	v34 =	vld [tilespmem:$0x410]  }
0xff: {  	[tilespmem:$0x1FD80] =	vst v61;
	v61 =	vld [tilespmem:$0x14F0]  }
0x100: {  	[tilespmem:$0x1E0] =	vst v31;
	v31 =	vld [tilespmem:$0x1110]  }
0x101: {  	[tilespmem:$0x1B0] =	vst v62;
	v62 =	vadd.s32 v52, v54;
	v54 =	vld [tilespmem:$0x460]  }
0x102: {  	v48 =	vld [tilespmem:$0x4A0]  }
0x103: {  	v50 =	vld [tilespmem:$0x4B0]  }
0x104: {  	[tilespmem:$0x1FD90] =	vst v61;
	v61 =	vld [tilespmem:$0x800]  }
0x105: {  	[tilespmem:$0x290] =	vst v53;
	v53 =	vld [tilespmem:$0x4C0]  }
0x106: {  	v52 =	vld [tilespmem:$0x11D0]  }
0x107: {  	v63 =	vadd.s32 v56, v58;
	v58 =	vld [tilespmem:$0x4E0]  }
0x108: {  	v56 =	vld [tilespmem:$0x11E0]  }
0x109: {  	[tilespmem:$0x1FDA0] =	vst v61;
	v61 =	vld [tilespmem:$0x1500]  }
0x10a: {  	[tilespmem:$0x2D0] =	vst v60;
	v60 =	vld [tilespmem:$0x4F0]  }
0x10b: {  	[tilespmem:$0x2B0] =	vst v57;
	v57 =	vld [tilespmem:$0x11F0]  }
0x10c: {  	[tilespmem:$0x2C0] =	vst v59;
	v59 =	vld [tilespmem:$0x500]  }
0x10d: {  	[tilespmem:$0x1F0] =	vst v33;
	v33 =	vld [tilespmem:$0x1120]  }
0x10e: {  	[tilespmem:$0x1FDB0] =	vst v61;
	v61 =	vld [tilespmem:$0x810]  }
0x10f: {  	[tilespmem:$0x200] =	vst v35;
	v35 =	vld [tilespmem:$0x1130]  }
0x110: {  	[tilespmem:$0x2F0] =	vst v62;
	v62 =	vld [tilespmem:$0x440]  }
0x111: {  	[tilespmem:$0x210] =	vst v37;
	v37 =	vld [tilespmem:$0x1140]  }
0x112: {  	[tilespmem:$0x300] =	vst v63;
	v63 =	vld [tilespmem:$0x450]  }
0x113: {  	[tilespmem:$0x1FDC0] =	vst v61;
	v61 =	vld [tilespmem:$0x1510]  }
0x114: {  	[tilespmem:$0x220] =	vst v39;
	v39 =	vld [tilespmem:$0x1150]  }
0x115: {  	[tilespmem:$0x280] =	vst v51;
	v51 =	vld [tilespmem:$0x470]  }
0x116: {  	[tilespmem:$0x230] =	vst v41;
	v41 =	vld [tilespmem:$0x1170]  }
0x117: {  	[tilespmem:$0x250] =	vst v45;
	v45 =	vld [tilespmem:$0x490]  }
0x118: {  	[tilespmem:$0x1FDD0] =	vst v61;
	v61 =	vld [tilespmem:$0x820]  }
0x119: {  	[tilespmem:$0x240] =	vst v43;
	v43 =	vld [tilespmem:$0x1190]  }
0x11a: {  	[tilespmem:$0x260] =	vst v47;
	v47 =	vld [tilespmem:$0x11B0]  }
0x11b: {  	[tilespmem:$0x2A0] =	vst v55;
	v55 =	vld [tilespmem:$0x4D0]  }
0x11c: {  	v0 =	vadd.s32 v2, v0;
	v2 =	vld [tilespmem:$0x830];
	[tilespmem:$0x1F7B0] =	vst v59  }
0x11d: {  	v59 =	vld [tilespmem:$0x1200];
	[tilespmem:$0x1FDE0] =	vst v61  }
0x11e: {  	v61 =	vld [tilespmem:$0x1520];
	[tilespmem:$0x310] =	vst v0  }
0x11f: {  	v0 =	vadd.s32 v4, v1;
	v4 =	vld [tilespmem:$0x1530]  }
0x120: {  	v6 =	vadd.s32 v6, v3;
	v3 =	vld [tilespmem:$0x840]  }
0x121: {  	[tilespmem:$0x330] =	vst v6;
	v6 =	vadd.s32 v8, v5;
	v8 =	vld [tilespmem:$0x1540]  }
0x122: {  	[tilespmem:$0x340] =	vst v6;
	v6 =	vld [tilespmem:$0x1550]  }
0x123: {  	v10 =	vadd.s32 v10, v7;
	v7 =	vadd.s32 v14, v11;
	v11 =	vld [tilespmem:$0x860]  }
0x124: {  	v14 =	vld [tilespmem:$0x1560]  }
0x125: {  	[tilespmem:$0x350] =	vst v10;
	v10 =	vadd.s32 v16, v13;
	v13 =	vld [tilespmem:$0x870]  }
0x126: {  	v16 =	vld [tilespmem:$0x1570]  }
0x127: {  	v5 =	vadd.s32 v12, v9;
	v12 =	vadd.s32 v18, v15;
	v18 =	vld [tilespmem:$0x880]  }
0x128: {  	v15 =	vadd.s32 v20, v17;
	v20 =	vld [tilespmem:$0x1580]  }
0x129: {  	v17 =	vadd.s32 v22, v19;
	v22 =	vld [tilespmem:$0x890]  }
0x12a: {  	v19 =	vadd.s32 v24, v21;
	v24 =	vld [tilespmem:$0x1590]  }
0x12b: {  	v21 =	vadd.s32 v26, v23;
	v26 =	vld [tilespmem:$0x8A0]  }
0x12c: {  	v23 =	vadd.s32 v28, v25;
	v28 =	vld [tilespmem:$0x15A0]  }
0x12d: {  	v25 =	vadd.s32 v30, v27;
	v30 =	vld [tilespmem:$0x8B0]  }
0x12e: {  	v27 =	vadd.s32 v32, v29;
	v32 =	vld [tilespmem:$0x15B0]  }
0x12f: {  	v29 =	vadd.s32 v34, v31;
	v34 =	vld [tilespmem:$0x8C0]  }
0x130: {  	v31 =	vadd.s32 v36, v33;
	v36 =	vld [tilespmem:$0x15C0]  }
0x131: {  	v33 =	vadd.s32 v38, v35;
	v38 =	vld [tilespmem:$0x8D0]  }
0x132: {  	v35 =	vadd.s32 v62, v37;
	v37 =	vadd.s32 v63, v39;
	v39 =	vadd.s32 v54, v40;
	v40 =	vld [tilespmem:$0x15D0]  }
0x133: {  	v41 =	vadd.s32 v51, v41;
	v51 =	vld [tilespmem:$0x8E0]  }
0x134: {  	v62 =	vld [tilespmem:$0x15E0]  }
0x135: {  	[tilespmem:$0x380] =	vst v10;
	v10 =	vld [tilespmem:$0x1600]  }
0x136: {  	[tilespmem:$0x3C0] =	vst v19;
	v19 =	vld [tilespmem:$0x1F7B0]  }
0x137: {  	[tilespmem:$0x3D0] =	vst v21;
	v21 =	vld [tilespmem:$0x1F7C0]  }
0x138: {  	[tilespmem:$0x3E0] =	vst v23;
	v23 =	vld [tilespmem:$0x930]  }
0x139: {  	[tilespmem:$0x3F0] =	vst v25;
	v25 =	vld [tilespmem:$0x1F7F0]  }
0x13a: {  	[tilespmem:$0x400] =	vst v27;
	v27 =	vld [tilespmem:$0x1F800]  }
0x13b: {  	[tilespmem:$0x420] =	vst v31;
	v31 =	vld [tilespmem:$0x1F820]  }
0x13c: {  	[tilespmem:$0x440] =	vst v35;
	v35 =	vld [tilespmem:$0x1F840]  }
0x13d: {  	[tilespmem:$0x460] =	vst v39;
	v39 =	vld [tilespmem:$0x1F860]  }
0x13e: {  	v54 =	vadd.s32 v44, v42;
	v42 =	vld [tilespmem:$0x1F880]  }
0x13f: {  	v63 =	vadd.s32 v45, v43;
	v43 =	vld [tilespmem:$0x1F890]  }
0x140: {  	[tilespmem:$0x490] =	vst v63;
	v63 =	vld [tilespmem:$0x960]  }
0x141: {  	v45 =	vld [tilespmem:$0x1F8A0]  }
0x142: {  	[tilespmem:$0x360] =	vst v5;
	v5 =	vadd.s32 v48, v46;
	v46 =	vld [tilespmem:$0x1F8B0]  }
0x143: {  	v48 =	vld [tilespmem:$0x1F8C0]  }
0x144: {  	v9 =	vadd.s32 v53, v49;
	v49 =	vld [tilespmem:$0x1F8D0]  }
0x145: {  	[tilespmem:$0x480] =	vst v54;
	v54 =	vld [tilespmem:$0x970]  }
0x146: {  	[tilespmem:$0x390] =	vst v12;
	v12 =	vadd.s32 v55, v52;
	v52 =	vld [tilespmem:$0x1F8E0]  }
0x147: {  	v53 =	vld [tilespmem:$0x1F8F0]  }
0x148: {  	[tilespmem:$0x3A0] =	vst v15;
	v15 =	vadd.s32 v58, v56;
	v56 =	vld [tilespmem:$0x1F900]  }
0x149: {  	[tilespmem:$0x3B0] =	vst v17;
	v17 =	vadd.s32 v60, v57;
	v57 =	vld [tilespmem:$0x1F910]  }
0x14a: {  	v60 =	vld [tilespmem:$0x1F930]  }
0x14b: {  	[tilespmem:$0x4C0] =	vst v9;
	v9 =	vld [tilespmem:$0x1F970]  }
0x14c: {  	[tilespmem:$0x4A0] =	vst v5;
	v5 =	vld [tilespmem:$0x1F940]  }
0x14d: {  	[tilespmem:$0x4D0] =	vst v12;
	v12 =	vld [tilespmem:$0x1F980]  }
0x14e: {  	[tilespmem:$0x1FDF0] =	vst v4;
	v4 =	vld [tilespmem:$0x850]  }
0x14f: {  	[tilespmem:$0x1FE20] =	vst v6;
	v6 =	vld [tilespmem:$0x15F0]  }
0x150: {  	[tilespmem:$0x1FE00] =	vst v8;
	v8 =	vld [tilespmem:$0x900]  }
0x151: {  	[tilespmem:$0x1FE30] =	vst v13;
	v13 =	vld [tilespmem:$0x910]  }
0x152: {  	[tilespmem:$0x1FE40] =	vst v16;
	v16 =	vld [tilespmem:$0x1610]  }
0x153: {  	[tilespmem:$0x1FE50] =	vst v18;
	v18 =	vld [tilespmem:$0x920]  }
0x154: {  	[tilespmem:$0x1FE60] =	vst v20;
	v20 =	vld [tilespmem:$0x1620]  }
0x155: {  	[tilespmem:$0x1FE70] =	vst v22;
	v22 =	vld [tilespmem:$0x1F7D0]  }
0x156: {  	[tilespmem:$0x1FE80] =	vst v24;
	v24 =	vld [tilespmem:$0x1F7E0]  }
0x157: {  	[tilespmem:$0x1FE90] =	vst v26;
	v26 =	vld [tilespmem:$0x1630]  }
0x158: {  	[tilespmem:$0x1FEA0] =	vst v28;
	v28 =	vld [tilespmem:$0x1F810]  }
0x159: {  	[tilespmem:$0x1FEB0] =	vst v30;
	v30 =	vld [tilespmem:$0x940]  }
0x15a: {  	[tilespmem:$0x1FEC0] =	vst v32;
	v32 =	vld [tilespmem:$0x1F830]  }
0x15b: {  	[tilespmem:$0x1FED0] =	vst v34;
	v34 =	vld [tilespmem:$0x1640]  }
0x15c: {  	[tilespmem:$0x1FEE0] =	vst v36;
	v36 =	vld [tilespmem:$0x1F850]  }
0x15d: {  	[tilespmem:$0x1FEF0] =	vst v38;
	v38 =	vld [tilespmem:$0x950]  }
0x15e: {  	[tilespmem:$0x1FF00] =	vst v40;
	v40 =	vld [tilespmem:$0x1F870]  }
0x15f: {  	[tilespmem:$0x1FF20] =	vst v62;
	v62 =	vld [tilespmem:$0x1650]  }
0x160: {  	[tilespmem:$0x1FF10] =	vst v51;
	v51 =	vld [tilespmem:$0x1660]  }
0x161: {  	v44 =	vadd.s32 v42, v43;
	v43 =	vld [tilespmem:$0x1670]  }
0x162: {  	v42 =	vld [tilespmem:$0x980]  }
0x163: {  	[tilespmem:$0x320] =	vst v0;
	v0 =	vadd.s32 v19, v59;
	v59 =	vld [tilespmem:$0x1F920]  }
0x164: {  	[tilespmem:$0x1FFB0] =	vst v23;
	v23 =	vld [tilespmem:$0x9A0]  }
0x165: {  	v19 =	vld [tilespmem:$0x9B0]  }
0x166: {  	[tilespmem:$0x370] =	vst v7;
	v7 =	vadd.s32 v50, v47;
	v47 =	vadd.s32 v45, v46;
	v45 =	vld [tilespmem:$0x1FA60]  }
0x167: {  	v46 =	vld [tilespmem:$0x1FA70]  }
0x168: {  	v50 =	vadd.s32 v48, v49;
	v48 =	vld [tilespmem:$0x1FA80]  }
0x169: {  	v49 =	vld [tilespmem:$0x1FA90]  }
0x16a: {  	v55 =	vadd.s32 v52, v53;
	v52 =	vld [tilespmem:$0x1FAA0]  }
0x16b: {  	v53 =	vld [tilespmem:$0x1FAB0]  }
0x16c: {  	v58 =	vadd.s32 v56, v57;
	v56 =	vld [tilespmem:$0x1FAC0]  }
0x16d: {  	v57 =	vld [tilespmem:$0x1FAD0]  }
0x16e: {  	[tilespmem:$0x1FE10] =	vst v4;
	v4 =	vld [tilespmem:$0x8F0]  }
0x16f: {  	[tilespmem:$0x430] =	vst v33;
	v33 =	vadd.s32 v31, v32;
	v31 =	vld [tilespmem:$0x1680]  }
0x170: {  	[tilespmem:$0x1FF40] =	vst v6;
	v6 =	vld [tilespmem:$0x1F950]  }
0x171: {  	[tilespmem:$0x1FFE0] =	vst v34;
	v34 =	vld [tilespmem:$0x990]  }
0x172: {  	[tilespmem:$0x1FF50] =	vst v8;
	v8 =	vld [tilespmem:$0x1F960]  }
0x173: {  	[tilespmem:$0x500] =	vst v0;
	v0 =	vadd.s32 v21, v22;
	v22 =	vld [tilespmem:$0x1690]  }
0x174: {  	[tilespmem:$0x1FF70] =	vst v13;
	v13 =	vld [tilespmem:$0x1F990]  }
0x175: {  	v21 =	vld [tilespmem:$0x1F9A0]  }
0x176: {  	v1 =	vadd.s32 v24, v25;
	v24 =	vld [tilespmem:$0x1F9B0]  }
0x177: {  	[tilespmem:$0x1FF90] =	vst v18;
	v18 =	vld [tilespmem:$0x16A0]  }
0x178: {  	[tilespmem:$0x1FFC0] =	vst v26;
	v26 =	vld [tilespmem:$0x1F9C0]  }
0x179: {  	[tilespmem:$0x410] =	vst v29;
	v29 =	vadd.s32 v27, v28;
	v27 =	vld [tilespmem:$0x1F9D0]  }
0x17a: {  	[tilespmem:$0x1FFD0] =	vst v30;
	v30 =	vld [tilespmem:$0x1F9F0]  }
0x17b: {  	[tilespmem:$0x1FFA0] =	vst v20;
	v20 =	vld [tilespmem:$0x16B0]  }
0x17c: {  	[tilespmem:$0x450] =	vst v37;
	v37 =	vadd.s32 v35, v36;
	v35 =	vld [tilespmem:$0x1FA10]  }
0x17d: {  	[tilespmem:$0x1FFF0] =	vst v38;
	v38 =	vld [tilespmem:$0x1FA30]  }
0x17e: {  	[tilespmem:$0x470] =	vst v41;
	v41 =	vadd.s32 v39, v40;
	v40 =	vld [tilespmem:$0x1FA40]  }
0x17f: {  	[tilespmem:$0x1FF80] =	vst v16;
	v16 =	vld [tilespmem:$0x1FB70]  }
0x180: {  	[tilespmem:$0x580] =	vst v47;
	v47 =	vadd.s32 v45, v46;
	v45 =	vld [tilespmem:$0x1FBA0]  }
0x181: {  	v46 =	vld [tilespmem:$0x1FBB0]  }
0x182: {  	[tilespmem:$0x590] =	vst v50;
	v50 =	vadd.s32 v48, v49;
	v48 =	vld [tilespmem:$0x1FBC0]  }
0x183: {  	v49 =	vld [tilespmem:$0x1FBD0]  }
0x184: {  	[tilespmem:$0x5A0] =	vst v55;
	v55 =	vadd.s32 v52, v53;
	v52 =	vld [tilespmem:$0x1FBE0]  }
0x185: {  	v53 =	vld [tilespmem:$0x1FBF0]  }
0x186: {  	[tilespmem:$0x5B0] =	vst v58;
	v58 =	vadd.s32 v56, v57;
	v56 =	vld [tilespmem:$0x1FC00]  }
0x187: {  	v57 =	vld [tilespmem:$0x1FC10]  }
0x188: {  	[tilespmem:$0x530] =	vst v29;
	v29 =	vld [tilespmem:$0x1F9E0]  }
0x189: {  	[tilespmem:$0x540] =	vst v33;
	v33 =	vld [tilespmem:$0x1FA00]  }
0x18a: {  	[tilespmem:$0x550] =	vst v37;
	v37 =	vld [tilespmem:$0x1FA20]  }
0x18b: {  	[tilespmem:$0x560] =	vst v41;
	v41 =	vld [tilespmem:$0x1FA50]  }
0x18c: {  	v51 =	vadd.s32 v63, v51;
	[tilespmem:$0x510] =	vst v0;
	v0 =	vld [tilespmem:$0x1FF70]  }
0x18d: {  	[tilespmem:$0x960] =	vst v51;
	v51 =	vld [tilespmem:$0xB60]  }
0x18e: {  	v25 =	vadd.s32 v21, v24;
	v21 =	vld [tilespmem:$0x9C0]  }
0x18f: {  	v24 =	vld [tilespmem:$0x16C0]  }
0x190: {  	v28 =	vadd.s32 v26, v27;
	v26 =	vld [tilespmem:$0x16D0]  }
0x191: {  	v27 =	vld [tilespmem:$0x9E0]  }
0x192: {  	[tilespmem:$0x1FF30] =	vst v4;
	v4 =	vadd.s32 v59, v60;
	v59 =	vld [tilespmem:$0x1FAE0]  }
0x193: {  	v60 =	vld [tilespmem:$0x1FAF0]  }
0x194: {  	[tilespmem:$0x4B0] =	vst v7;
	v7 =	vadd.s32 v5, v6;
	v5 =	vld [tilespmem:$0x1FB10]  }
0x195: {  	[tilespmem:$0x1FF60] =	vst v10;
	v10 =	vadd.s32 v8, v9;
	v8 =	vld [tilespmem:$0x1FB30]  }
0x196: {  	[tilespmem:$0x4E0] =	vst v15;
	v15 =	vadd.s32 v12, v13;
	v12 =	vld [tilespmem:$0x1FB50]  }
0x197: {  	[tilespmem:$0x660] =	vst v47;
	v47 =	vadd.s32 v45, v46;
	v45 =	vld [tilespmem:$0xA50]  }
0x198: {  	v46 =	vld [tilespmem:$0x1750]  }
0x199: {  	[tilespmem:$0x670] =	vst v50;
	v50 =	vadd.s32 v48, v49;
	v48 =	vld [tilespmem:$0x1760]  }
0x19a: {  	[tilespmem:$0x680] =	vst v55;
	v55 =	vadd.s32 v52, v53;
	v52 =	vld [tilespmem:$0x1FCC0]  }
0x19b: {  	v53 =	vld [tilespmem:$0x1FCD0]  }
0x19c: {  	v49 =	vld [tilespmem:$0xA70]  }
0x19d: {  	[tilespmem:$0x690] =	vst v58;
	v58 =	vadd.s32 v56, v57;
	v56 =	vld [tilespmem:$0x1FCE0]  }
0x19e: {  	v57 =	vld [tilespmem:$0x1FCF0]  }
0x19f: {  	v31 =	vadd.s32 v42, v31;
	v42 =	vld [tilespmem:$0x1860]  }
0x1a0: {  	v18 =	vadd.s32 v23, v18;
	v23 =	vadd.s32 v19, v20;
	v19 =	vld [tilespmem:$0xB80]  }
0x1a1: {  	v20 =	vld [tilespmem:$0x1880]  }
0x1a2: {  	[tilespmem:$0x600] =	vst v25;
	v25 =	vld [tilespmem:$0x9D0]  }
0x1a3: {  	[tilespmem:$0x610] =	vst v28;
	v28 =	vld [tilespmem:$0x16E0]  }
0x1a4: {  	v32 =	vadd.s32 v29, v30;
	v29 =	vld [tilespmem:$0x9F0]  }
0x1a5: {  	v30 =	vld [tilespmem:$0x16F0]  }
0x1a6: {  	[tilespmem:$0x5C0] =	vst v4;
	v4 =	vld [tilespmem:$0x1FB00]  }
0x1a7: {  	[tilespmem:$0x5D0] =	vst v7;
	v7 =	vld [tilespmem:$0x1FB20]  }
0x1a8: {  	v36 =	vadd.s32 v33, v35;
	v33 =	vld [tilespmem:$0x1700]  }
0x1a9: {  	[tilespmem:$0x5E0] =	vst v10;
	v10 =	vld [tilespmem:$0x1FB40]  }
0x1aa: {  	v35 =	vld [tilespmem:$0xA10]  }
0x1ab: {  	[tilespmem:$0x5F0] =	vst v15;
	v15 =	vld [tilespmem:$0x1FB60]  }
0x1ac: {  	[tilespmem:$0x570] =	vst v44;
	v44 =	vadd.s32 v40, v41;
	v40 =	vld [tilespmem:$0x1FB80]  }
0x1ad: {  	v41 =	vld [tilespmem:$0x1FB90]  }
0x1ae: {  	v39 =	vadd.s32 v37, v38;
	v37 =	vld [tilespmem:$0xA20]  }
0x1af: {  	v38 =	vld [tilespmem:$0x1720]  }
0x1b0: {  	[tilespmem:$0x700] =	vst v47;
	v47 =	vld [tilespmem:$0xA60]  }
0x1b1: {  	[tilespmem:$0x710] =	vst v50;
	v50 =	vld [tilespmem:$0x1770]  }
0x1b2: {  	v22 =	vadd.s32 v34, v22;
	[tilespmem:$0x980] =	vst v31;
	v31 =	vld [tilespmem:$0xB70]  }
0x1b3: {  	[tilespmem:$0x990] =	vst v22;
	v22 =	vld [tilespmem:$0x1870]  }
0x1b4: {  	[tilespmem:$0x9B0] =	vst v23;
	v23 =	vld [tilespmem:$0x1890]  }
0x1b5: {  	[tilespmem:$0x620] =	vst v32;
	v32 =	vld [tilespmem:$0xA00]  }
0x1b6: {  	[tilespmem:$0x630] =	vst v36;
	v36 =	vld [tilespmem:$0x1710]  }
0x1b7: {  	[tilespmem:$0x640] =	vst v39;
	v39 =	vld [tilespmem:$0xA30]  }
0x1b8: {  	[tilespmem:$0x520] =	vst v1;
	v1 =	vadd.s32 v59, v60;
	v59 =	vld [tilespmem:$0x1FC20]  }
0x1b9: {  	v60 =	vld [tilespmem:$0x1FC30]  }
0x1ba: {  	[tilespmem:$0x720] =	vst v55;
	v55 =	vadd.s32 v52, v53;
	v52 =	vld [tilespmem:$0xA80]  }
0x1bb: {  	v53 =	vld [tilespmem:$0x1780]  }
0x1bc: {  	[tilespmem:$0x730] =	vst v58;
	v58 =	vadd.s32 v56, v57;
	v57 =	vld [tilespmem:$0x1790]  }
0x1bd: {  	v56 =	vld [tilespmem:$0x1FE00]  }
0x1be: {  	v24 =	vadd.s32 v21, v24;
	v21 =	vld [tilespmem:$0xB90]  }
0x1bf: {  	v46 =	vadd.s32 v45, v46;
	v45 =	vld [tilespmem:$0xC10]  }
0x1c0: {  	[tilespmem:$0x650] =	vst v44;
	v44 =	vadd.s32 v40, v41;
	v40 =	vld [tilespmem:$0x1730]  }
0x1c1: {  	v41 =	vld [tilespmem:$0xA40]  }
0x1c2: {  	v6 =	vadd.s32 v4, v5;
	v4 =	vld [tilespmem:$0x1FC40]  }
0x1c3: {  	v5 =	vld [tilespmem:$0x1FC50]  }
0x1c4: {  	v9 =	vadd.s32 v7, v8;
	v7 =	vld [tilespmem:$0x1FC60]  }
0x1c5: {  	v8 =	vld [tilespmem:$0x1FC70]  }
0x1c6: {  	v13 =	vadd.s32 v10, v12;
	v10 =	vld [tilespmem:$0x1FC80]  }
0x1c7: {  	v12 =	vld [tilespmem:$0x1FC90]  }
0x1c8: {  	[tilespmem:$0x4F0] =	vst v17;
	v17 =	vadd.s32 v15, v16;
	v15 =	vld [tilespmem:$0x1FCA0]  }
0x1c9: {  	v16 =	vld [tilespmem:$0x1FCB0]  }
0x1ca: {  	[tilespmem:$0x790] =	vst v55;
	v55 =	vld [tilespmem:$0xA90]  }
0x1cb: {  	[tilespmem:$0x7A0] =	vst v58;
	v58 =	vld [tilespmem:$0xAA0]  }
0x1cc: {  	[tilespmem:$0x9C0] =	vst v24;
	v24 =	vld [tilespmem:$0xBA0]  }
0x1cd: {  	v26 =	vadd.s32 v25, v26;
	v25 =	vld [tilespmem:$0x18A0]  }
0x1ce: {  	v28 =	vadd.s32 v27, v28;
	v27 =	vld [tilespmem:$0x18B0]  }
0x1cf: {  	v30 =	vadd.s32 v29, v30;
	v29 =	vld [tilespmem:$0x18C0]  }
0x1d0: {  	[tilespmem:$0xA50] =	vst v46;
	v46 =	vld [tilespmem:$0x1910]  }
0x1d1: {  	v48 =	vadd.s32 v47, v48;
	v47 =	vld [tilespmem:$0xC20]  }
0x1d2: {  	v50 =	vadd.s32 v49, v50;
	v49 =	vld [tilespmem:$0xC30]  }
0x1d3: {  	[tilespmem:$0x6F0] =	vst v44;
	v44 =	vld [tilespmem:$0x1740]  }
0x1d4: {  	[tilespmem:$0x9D0] =	vst v26;
	v26 =	vld [tilespmem:$0xBB0]  }
0x1d5: {  	[tilespmem:$0x9E0] =	vst v28;
	v28 =	vld [tilespmem:$0xBC0]  }
0x1d6: {  	[tilespmem:$0x9F0] =	vst v30;
	v30 =	vld [tilespmem:$0xBD0]  }
0x1d7: {  	v34 =	vadd.s32 v32, v33;
	v32 =	vld [tilespmem:$0x18D0]  }
0x1d8: {  	v33 =	vld [tilespmem:$0xBE0]  }
0x1d9: {  	v36 =	vadd.s32 v35, v36;
	v35 =	vld [tilespmem:$0xBF0]  }
0x1da: {  	[tilespmem:$0xA60] =	vst v48;
	v48 =	vld [tilespmem:$0x1920]  }
0x1db: {  	v38 =	vadd.s32 v37, v38;
	[tilespmem:$0xA70] =	vst v50;
	v50 =	vld [tilespmem:$0x1930]  }
0x1dc: {  	[tilespmem:$0xA20] =	vst v38;
	v38 =	vld [tilespmem:$0x19A0]  }
0x1dd: {  	[tilespmem:$0xA00] =	vst v34;
	v34 =	vld [tilespmem:$0x18E0]  }
0x1de: {  	[tilespmem:$0x6A0] =	vst v1;
	v1 =	vadd.s32 v59, v60;
	v59 =	vld [tilespmem:$0x1FD00]  }
0x1df: {  	v60 =	vld [tilespmem:$0x1FD10]  }
0x1e0: {  	[tilespmem:$0x6B0] =	vst v6;
	v6 =	vadd.s32 v4, v5;
	v4 =	vld [tilespmem:$0x1FD20]  }
0x1e1: {  	v5 =	vld [tilespmem:$0x1FD30]  }
0x1e2: {  	[tilespmem:$0x6C0] =	vst v9;
	v9 =	vadd.s32 v7, v8;
	v7 =	vld [tilespmem:$0x1FD40]  }
0x1e3: {  	[tilespmem:$0x6D0] =	vst v13;
	v13 =	vadd.s32 v10, v12;
	v10 =	vld [tilespmem:$0x1FD60]  }
0x1e4: {  	v12 =	vld [tilespmem:$0x1FD70]  }
0x1e5: {  	v8 =	vld [tilespmem:$0x1FD50]  }
0x1e6: {  	[tilespmem:$0xA10] =	vst v36;
	v36 =	vld [tilespmem:$0xCA0]  }
0x1e7: {  	[tilespmem:$0x740] =	vst v1;
	v1 =	vadd.s32 v59, v60;
	v60 =	vld [tilespmem:$0x1FDA0]  }
0x1e8: {  	[tilespmem:$0x750] =	vst v6;
	v6 =	vadd.s32 v4, v5;
	v4 =	vld [tilespmem:$0x1FDB0]  }
0x1e9: {  	[tilespmem:$0x770] =	vst v13;
	v13 =	vadd.s32 v10, v12;
	v12 =	vld [tilespmem:$0x1FDF0]  }
0x1ea: {  	[tilespmem:$0x760] =	vst v9;
	v9 =	vadd.s32 v7, v8;
	v7 =	vld [tilespmem:$0x1FDD0]  }
0x1eb: {  	[tilespmem:$0x7C0] =	vst v6;
	v6 =	vld [tilespmem:$0x1FDC0]  }
0x1ec: {  	v43 =	vadd.s32 v54, v43;
	v54 =	vadd.s32 v52, v53;
	v52 =	vld [tilespmem:$0xC40]  }
0x1ed: {  	[tilespmem:$0x7D0] =	vst v9;
	v9 =	vld [tilespmem:$0x1FDE0]  }
0x1ee: {  	[tilespmem:$0x7E0] =	vst v13;
	v5 =	vadd.s32 v60, v4;
	v13 =	vadd.s32 v2, v12;
	v12 =	vld [tilespmem:$0x1FE50]  }
0x1ef: {  	[tilespmem:$0x800] =	vst v5;
	v5 =	vld [tilespmem:$0x1FE10]  }
0x1f0: {  	v8 =	vadd.s32 v6, v7;
	v6 =	vld [tilespmem:$0x1FE20]  }
0x1f1: {  	v4 =	vadd.s32 v3, v56;
	v56 =	vld [tilespmem:$0x1FE60]  }
0x1f2: {  	v10 =	vadd.s32 v9, v61;
	v9 =	vld [tilespmem:$0x1FE30]  }
0x1f3: {  	[tilespmem:$0x820] =	vst v10;
	v10 =	vld [tilespmem:$0x1FE40]  }
0x1f4: {  	v53 =	vld [tilespmem:$0x1940]  }
0x1f5: {  	v7 =	vadd.s32 v5, v6;
	v5 =	vld [tilespmem:$0x1FE70]  }
0x1f6: {  	v6 =	vld [tilespmem:$0x1FE80]  }
0x1f7: {  	[tilespmem:$0x840] =	vst v4;
	v4 =	vadd.s32 v12, v56;
	v56 =	vld [tilespmem:$0x1FEA0]  }
0x1f8: {  	[tilespmem:$0x810] =	vst v8;
	v8 =	vadd.s32 v11, v14;
	v11 =	vadd.s32 v9, v10;
	v10 =	vld [tilespmem:$0x1FE90]  }
0x1f9: {  	[tilespmem:$0x6E0] =	vst v17;
	v17 =	vadd.s32 v15, v16;
	v15 =	vld [tilespmem:$0x1FD80]  }
0x1fa: {  	v16 =	vld [tilespmem:$0x1FD90]  }
0x1fb: {  	[tilespmem:$0x850] =	vst v7;
	v7 =	vadd.s32 v5, v6;
	v5 =	vld [tilespmem:$0x1FEB0]  }
0x1fc: {  	v6 =	vld [tilespmem:$0x1FEC0]  }
0x1fd: {  	[tilespmem:$0x880] =	vst v4;
	v4 =	vadd.s32 v10, v56;
	v56 =	vld [tilespmem:$0x1FED0]  }
0x1fe: {  	[tilespmem:$0x8A0] =	vst v4;
	v4 =	vld [tilespmem:$0x1FEE0]  }
0x1ff: {  	[tilespmem:$0x970] =	vst v43;
	v43 =	vadd.s32 v39, v40;
	v40 =	vld [tilespmem:$0x18F0]  }
0x200: {  	v57 =	vadd.s32 v55, v57;
	v55 =	vld [tilespmem:$0xC50]  }
0x201: {  	v24 =	vadd.s32 v24, v25;
	v25 =	vld [tilespmem:$0x1970];
	[tilespmem:$0x890] =	vst v7;
	v7 =	vadd.s32 v5, v6  }
0x202: {  	[tilespmem:$0x8B0] =	vst v7;
	v7 =	vld [tilespmem:$0x1FEF0]  }
0x203: {  	v5 =	vadd.s32 v56, v4;
	v56 =	vld [tilespmem:$0x1FF00]  }
0x204: {  	v39 =	vadd.s32 v45, v46;
	v46 =	vld [tilespmem:$0x19C0]  }
0x205: {  	[tilespmem:$0xA30] =	vst v43;
	v43 =	vld [tilespmem:$0xC00]  }
0x206: {  	[tilespmem:$0xA90] =	vst v57;
	v57 =	vld [tilespmem:$0x1950]  }
0x207: {  	v6 =	vld [tilespmem:$0x1FF10]  }
0x208: {  	v3 =	vadd.s32 v7, v56;
	v56 =	vld [tilespmem:$0x1FF20]  }
0x209: {  	v26 =	vadd.s32 v26, v27;
	v27 =	vld [tilespmem:$0xC80]  }
0x20a: {  	[tilespmem:$0x9A0] =	vst v18;
	v44 =	vadd.s32 v41, v44;
	v28 =	vadd.s32 v28, v29;
	v29 =	vld [tilespmem:$0x1980]  }
0x20b: {  	[tilespmem:$0xA40] =	vst v44;
	v44 =	vld [tilespmem:$0x1900]  }
0x20c: {  	[tilespmem:$0x8C0] =	vst v5;
	v5 =	vld [tilespmem:$0x1FF30]  }
0x20d: {  	[tilespmem:$0x8D0] =	vst v3;
	v3 =	vadd.s32 v6, v56;
	v56 =	vld [tilespmem:$0x1FF40]  }
0x20e: {  	[tilespmem:$0xA80] =	vst v54;
	v33 =	vadd.s32 v33, v34;
	v34 =	vld [tilespmem:$0x1990]  }
0x20f: {  	[tilespmem:$0x780] =	vst v17;
	v59 =	vld [tilespmem:$0x17A0]  }
0x210: {  	[tilespmem:$0xBA0] =	vst v24;
	v45 =	vadd.s32 v52, v53;
	v52 =	vld [tilespmem:$0xCE0]  }
0x211: {  	[tilespmem:$0xC10] =	vst v39;
	v4 =	vld [tilespmem:$0x1FF50]  }
0x212: {  	[tilespmem:$0xBB0] =	vst v26;
	v2 =	vadd.s32 v5, v56;
	v56 =	vld [tilespmem:$0x1FF60]  }
0x213: {  	[tilespmem:$0xBC0] =	vst v28;
	v17 =	vadd.s32 v15, v16;
	v16 =	vld [tilespmem:$0x17C0]  }
0x214: {  	[tilespmem:$0xBE0] =	vst v33;
	v15 =	vld [tilespmem:$0xAD0]  }
0x215: {  	[tilespmem:$0x7B0] =	vst v1;
	v1 =	vld [tilespmem:$0xB40]  }
0x216: {  	[tilespmem:$0x7F0] =	vst v17;
	v17 =	vld [tilespmem:$0xAC0]  }
0x217: {  	[tilespmem:$0x8F0] =	vst v2;
	v2 =	vadd.s32 v4, v56;
	v56 =	vld [tilespmem:$0x1FF80]  }
0x218: {  	v35 =	vadd.s32 v35, v40;
	[tilespmem:$0xC40] =	vst v45;
	v37 =	vadd.s32 v43, v44;
	v44 =	vld [tilespmem:$0xCC0]  }
0x219: {  	[tilespmem:$0xBF0] =	vst v35;
	v53 =	vadd.s32 v27, v29;
	v43 =	vadd.s32 v49, v50;
	v50 =	vld [tilespmem:$0x19D0]  }
0x21a: {  	[tilespmem:$0xC80] =	vst v53;
	v63 =	vadd.s32 v58, v59;
	v59 =	vld [tilespmem:$0xC60]  }
0x21b: {  	[tilespmem:$0xC00] =	vst v37;
	v58 =	vadd.s32 v31, v22;
	v31 =	vadd.s32 v30, v32;
	v32 =	vld [tilespmem:$0xC90]  }
0x21c: {  	[tilespmem:$0xC30] =	vst v43;
	v56 =	vadd.s32 v0, v56;
	v0 =	vld [tilespmem:$0x1FF90]  }
0x21d: {  	[tilespmem:$0x910] =	vst v56;
	v56 =	vld [tilespmem:$0x1FFA0]  }
0x21e: {  	v60 =	vld [tilespmem:$0xAB0];
	[tilespmem:$0xAA0] =	vst v63  }
0x21f: {  	[tilespmem:$0xB70] =	vst v58;
	v61 =	vld [tilespmem:$0x17B0]  }
0x220: {  	[tilespmem:$0x830] =	vst v13;
	v13 =	vld [tilespmem:$0xAE0]  }
0x221: {  	[tilespmem:$0xBD0] =	vst v31;
	v16 =	vadd.s32 v17, v16;
	v14 =	vld [tilespmem:$0x17D0]  }
0x222: {  	[tilespmem:$0xAC0] =	vst v16;
	v56 =	vadd.s32 v0, v56;
	v0 =	vld [tilespmem:$0x1FFB0]  }
0x223: {  	[tilespmem:$0x920] =	vst v56;
	v56 =	vld [tilespmem:$0x1FFC0]  }
0x224: {  	[tilespmem:$0x860] =	vst v8;
	v8 =	vld [tilespmem:$0x1800];
	v41 =	vadd.s32 v60, v61  }
0x225: {  	v12 =	vld [tilespmem:$0x17E0];
	v60 =	vadd.s32 v19, v20;
	[tilespmem:$0xAB0] =	vst v41  }
0x226: {  	v61 =	vld [tilespmem:$0x1960];
	[tilespmem:$0xB80] =	vst v60  }
0x227: {  	v9 =	vld [tilespmem:$0xB00];
	v14 =	vadd.s32 v15, v14;
	[tilespmem:$0x870] =	vst v11  }
0x228: {  	[tilespmem:$0xAD0] =	vst v14;
	v56 =	vadd.s32 v0, v56;
	v0 =	vld [tilespmem:$0x1FFD0]  }
0x229: {  	v41 =	vadd.s32 v47, v48;
	[tilespmem:$0x930] =	vst v56;
	v56 =	vld [tilespmem:$0x1FFE0]  }
0x22a: {  	v47 =	vadd.s32 v55, v57;
	v48 =	vld [tilespmem:$0xCD0];
	[tilespmem:$0xC20] =	vst v41  }
0x22b: {  	v55 =	vadd.s32 v32, v34;
	v11 =	vld [tilespmem:$0xAF0];
	[tilespmem:$0xC50] =	vst v47  }
0x22c: {  	v57 =	vadd.s32 v36, v38;
	[tilespmem:$0xC90] =	vst v55;
	v10 =	vld [tilespmem:$0x17F0]  }
0x22d: {  	v60 =	vadd.s32 v44, v46;
	[tilespmem:$0xCA0] =	vst v57;
	v7 =	vld [tilespmem:$0xB10]  }
0x22e: {  	[tilespmem:$0xCC0] =	vst v60;
	v6 =	vld [tilespmem:$0x1810];
	v56 =	vadd.s32 v0, v56  }
0x22f: {  	[tilespmem:$0x940] =	vst v56;
	v56 =	vld [tilespmem:$0x1FFF0]  }
0x230: {  	v12 =	vadd.s32 v13, v12;
	[tilespmem:$0x8E0] =	vst v3;
	v3 =	vld [tilespmem:$0xB30]  }
0x231: {  	[tilespmem:$0xAE0] =	vst v12;
	v49 =	vadd.s32 v59, v61;
	v5 =	vld [tilespmem:$0xB20]  }
0x232: {  	[tilespmem:$0xC60] =	vst v49;
	v4 =	vld [tilespmem:$0x1820]  }
0x233: {  	v8 =	vadd.s32 v9, v8;
	[tilespmem:$0x900] =	vst v2;
	v2 =	vld [tilespmem:$0x1830]  }
0x234: {  	[tilespmem:$0xB00] =	vst v8;
	v56 =	vadd.s32 v56, v62;
	v62 =	vld [tilespmem:$0xB50]  }
0x235: {  	v61 =	vadd.s32 v48, v50;
	[tilespmem:$0x950] =	vst v56;
	v56 =	vld [tilespmem:$0x1850]  }
0x236: {  	v40 =	vld [tilespmem:$0xCB0];
	[tilespmem:$0xCD0] =	vst v61;
	v10 =	vadd.s32 v11, v10  }
0x237: {  	[tilespmem:$0xAF0] =	vst v10;
	v6 =	vadd.s32 v7, v6;
	v0 =	vld [tilespmem:$0x1840]  }
0x238: {  	v63 =	vld [tilespmem:$0xC70];
	[tilespmem:$0xB10] =	vst v6;
	v4 =	vadd.s32 v5, v4  }
0x239: {  	v58 =	vld [tilespmem:$0x19F0];
	[tilespmem:$0xB20] =	vst v4;
	v2 =	vadd.s32 v3, v2  }
0x23a: {  	[tilespmem:$0xB30] =	vst v2;
	v54 =	vadd.s32 v62, v56;
	v56 =	vadd.s32 v51, v42;
	v42 =	vld [tilespmem:$0x19B0]  }
0x23b: {  	[tilespmem:$0xB50] =	vst v54;
	v54 =	vld [tilespmem:$0x19E0]  }
0x23c: {  	v0 =	vadd.s32 v1, v0;
	[tilespmem:$0xB60] =	vst v56;
	v56 =	vld [tilespmem:$0xCF0]  }
0x23d: {  	[tilespmem:$0xB40] =	vst v0;
	v62 =	vadd.s32 v21, v23  }
0x23e: {  	v51 =	vadd.s32 v63, v25;
	[tilespmem:$0xB90] =	vst v62  }
0x23f: {  	[tilespmem:$0xC70] =	vst v51;
	v59 =	vadd.s32 v40, v42  }
0x240: {  	[tilespmem:$0xCB0] =	vst v59;
	v62 =	vadd.s32 v52, v54  }
0x241: {  	v63 =	vadd.s32 v56, v58;
	[tilespmem:$0xCE0] =	vst v62  }
0x242: {  	[tilespmem:$0xCF0] =	vst v63  }
0x243: {  	[tilespmem:s14], [sflag:$0x1] =	stream.indirect.gather [hbm4b:s4+s13], $0x40, s3, s13, $0xb8;
	[tilespmem:$0x1BA00] =	vst v63  }
0x244: {  	_ =	swait.ge [sflag:s15], $0xD000  }
0x245: {  	[sflag:s15] =	ssyncset.done $0x0  }
0x246: {  	[sflag:s15] =	ssyncadd.s32 $0xFFFF3000  }
0x247: {  	[tilespmem:s16], [sflag:$0x1] =	stream.indirect.gather [hbm4b:s4+s13], $0x40, s13, s13, $0xb8;
	[tilespmem:$0x1BA00] =	vst v63  }
0x248: {  	_ = 	snop  }
0x249: {  	[hbm4b:s6+s3] =	stream.linear.scatter [tilespmem:s14], [sflag:$0x2], $0xD000, $0x38;
	[tilespmem:$0x1BA00] =	vst v63  }
0x24a: {  	_ =	swait.ge [sflag:s15], $0xD000  }
0x24b: {  	[sflag:s15] =	ssyncset.done $0x0  }
0x24c: {  	[sflag:s15] =	ssyncadd.s32 $0xFFFF3000  }
0x24d: {  	_ =	swait.ge [sflag:s17], $0xD000  }
0x24e: {  	[sflag:s17] =	ssyncset.done $0x0  }
0x24f: {  	[sflag:s17] =	ssyncadd.s32 $0xFFFF3000  }
0x250: {  	[tilespmem:s14], [sflag:$0x1] =	stream.indirect.gather [hbm4b:s4+s13], $0x40, s18, s13, $0xb8;
	[tilespmem:$0x1BA00] =	vst v63  }
0x251: {  	_ = 	snop  }
0x252: {  	[hbm4b:s7+s3] =	stream.linear.scatter [tilespmem:s16], [sflag:$0x2], $0xD000, $0x38;
	[tilespmem:$0x1BA00] =	vst v63  }
0x253: {  	_ =	swait.ge [sflag:s15], $0xD000  }
0x254: {  	[sflag:s15] =	ssyncset.done $0x0  }
0x255: {  	[sflag:s15] =	ssyncadd.s32 $0xFFFF3000  }
0x256: {  	_ =	swait.ge [sflag:s17], $0xD000  }
0x257: {  	[sflag:s17] =	ssyncset.done $0x0  }
0x258: {  	[sflag:s17] =	ssyncadd.s32 $0xFFFF3000  }
0x259: {  	[tilespmem:s16], [sflag:$0x1] =	stream.indirect.gather [hbm4b:s4+s13], $0x40, s19, s13, $0xb8;
	[tilespmem:$0x1BA00] =	vst v63  }
0x25a: {  	_ = 	snop  }
0x25b: {  	[hbm4b:s8+s3] =	stream.linear.scatter [tilespmem:s14], [sflag:$0x2], $0xD000, $0x38;
	[tilespmem:$0x1BA00] =	vst v63  }
0x25c: {  	_ =	swait.ge [sflag:s15], $0xD000  }
0x25d: {  	p0 =	sne.s32 s10, $0x1;
	[sflag:s15] =	ssyncset.done $0x0  }
.Ltmp0:
0x25e: {  	[sflag:s15] =	ssyncadd.s32 $0xFFFF3000;
	(pc) =	sbr.rel @p0 .LBB2_1-.Ltmp0, $4  }
0x25f: {  	[hbm4b:s9+s3] =	stream.linear.scatter [tilespmem:s16], [sflag:$0x2], $0xD000, $0x38;
	[tilespmem:$0x1BA00] =	vst v63  }
0x260: {  	_ =	swait.ge [sflag:s17], $0xD000  }
0x261: {  	[sflag:s17] =	ssyncset.done $0x0  }
0x262: {  	s10 =	sadd.s32 $0xFFFFFFFF, s10;
	[sflag:s17] =	ssyncadd.s32 $0xFFFF3000  }
0x263: {  	_ =	sfence.sel $0x180000  }
0x264: {  	[bflag:$0x0] =	sbarrier.arrive $0xFFFF  }
0x265: {  	p0 =	sne.s32 s0, $0x0;
	_ =	strace $0x90000047  }
0x266: {  	s0 =	sadd.s32 @!p0 $0x100000, s2;
	[bflag:$0x2] =	sbarrier.arrive $0xFFFF  }
0x267: {  	[sflag:s0] =	ssyncadd.tile.s32 @!p0 $0x1;
	_ =	shalt  }
.Lfunc_end2:
_tile_overlayer_lowered:
.L_overlay_start_2:
0x268: {  	(tag) =	ssettag $0x2  }
0x269: {  	s0 =	rddreg [dreg:$0x0];
	s2 =	stileid.u32  }
0x26a: {  	s1 =	rddreg [dreg:$0x1];
	p0 =	sne.s32 s2, $0x0  }
0x26b: {  	s3 =	rddreg [dreg:$0x2];
	[bflag:$0x3] =	sbarrier.arrive $0xFFFF;
	s2 =	simm.s32 @!p0 $0x1C03  }
0x26c: {  	[timem:s3], [sflag:s2] =	dma.local @!p0 [hbm:s0], s1  }
0x26d: {  	s0 =	simm.s32 @!p0 $0x3  }
0x26e: {  	_ =	swait.ge @!p0 [sflag:s0], s1  }
0x26f: {  	s1 =	ssub.s32 @!p0 $0x0, s1;
	[sflag:s0] =	ssyncset.done @!p0 $0x0  }
0x270: {  	[sflag:s0] =	ssyncadd.s32 @!p0 s1  }
0x271: {  	[bflag:$0x3] =	sbarrier.arrive $0xFFFF  }
0x272: {  	_ =	shalt  }

</sc_bundles>
